<compile_context>
chip_gen: v7x
topology: tpu7x:2x2x1
jax: 0.10.2.dev20260603
libtpu: 0.0.44.dev20260713+nightly
codegen_flags: <defaults>
</compile_context>

<pallas_src>
import functools

import jax
import jax.numpy as jnp
from jax import lax
from jax.experimental import pallas as pl
from jax.experimental.pallas import tpu as pltpu
from jax.experimental.pallas import tpu_sc as plsc

N = 10000
E = 320000
D = 128

NC = 2
NS = 16
NW = NC * NS
EDGES_PER_W = E // NW
CHUNK = 80
NCHUNKS = EDGES_PER_W // CHUNK
N_PAD = 10240
ROWS_PER_TILE = N_PAD // NS
DEG_W = 128


def _sc_aggregate(h, packed3, zrows, ones=None):
    mesh = plsc.VectorSubcoreMesh(core_axis_name="c", subcore_axis_name="s")

    with_deg = ones is not None
    if with_deg:
        out_type = (jax.ShapeDtypeStruct((NC, N_PAD, D), jnp.float32),
                    jax.ShapeDtypeStruct((NC, N_PAD, D), jnp.float32))
    else:
        out_type = jax.ShapeDtypeStruct((NC, N_PAD, D), jnp.float32)

    scratch = [
        pltpu.VMEM((NCHUNKS, CHUNK), jnp.int32),
        pltpu.VMEM((CHUNK,), jnp.int32),
        pltpu.VMEM((CHUNK,), jnp.int32),
        pltpu.VMEM((CHUNK,), jnp.int32),
        pltpu.VMEM((CHUNK,), jnp.int32),
        pltpu.VMEM((CHUNK,), jnp.int32),
        pltpu.VMEM((CHUNK,), jnp.int32),
        pltpu.VMEM((CHUNK, D), jnp.float32),
        pltpu.VMEM((CHUNK, D), jnp.float32),
        pltpu.VMEM((CHUNK, D), jnp.float32),
        pltpu.VMEM_SHARED((N_PAD, D), jnp.float32),
        pltpu.SemaphoreType.DMA,
        pltpu.SemaphoreType.DMA,
    ]

    def body(h_hbm, packed_hbm, z_hbm, *rest):
        if with_deg:
            (ones_hbm, acc_out, deg_out, packed_v, c0, c1, c2, r0, r1,
             r2, m0, m1, m2, acc_sh, gsem, ssem) = rest
        else:
            (acc_out, packed_v, c0, c1, c2, r0, r1, r2, m0, m1, m2,
             acc_sh, gsem, ssem) = rest
        cs = (c0, c1, c2)
        rs = (r0, r1, r2)
        ms = (m0, m1, m2)
        cid = lax.axis_index("c")
        sid = lax.axis_index("s")
        wid = sid * NC + cid

        pltpu.sync_copy(packed_hbm.at[wid], packed_v)

        base = sid * ROWS_PER_TILE
        pltpu.sync_copy(z_hbm, acc_sh.at[pl.ds(base, ROWS_PER_TILE)])
        plsc.subcore_barrier()

        def unpack(j, c_buf, r_buf):
            for k in range(CHUNK // 16):
                p = packed_v[j, pl.ds(k * 16, 16)]
                c_buf[pl.ds(k * 16, 16)] = jnp.bitwise_and(p, 0xFFFF)
                r_buf[pl.ds(k * 16, 16)] = lax.shift_right_logical(p, 16)

        def gather(j, b):
            pltpu.async_copy(h_hbm.at[cs[b]], ms[b], gsem)

        def gather_wait(b):
            pltpu.make_async_copy(h_hbm.at[cs[b]], ms[b], gsem).wait()

        def scatter(b):
            pltpu.async_copy(ms[b], acc_sh.at[rs[b]], ssem, add=True)

        def scatter_wait(b):
            pltpu.make_async_copy(ms[b], acc_sh.at[rs[b]], ssem).wait()

        unpack(0, c0, r0)
        gather(0, 0)
        unpack(1, c1, r1)
        gather(1, 1)
        gather_wait(0)
        scatter(0)
        unpack(2, c2, r2)
        gather(2, 2)

        def tri_step(t, _):
            for u in range(3):
                j = 3 * t + 1 + u
                b = (u + 1) % 3
                bp = u % 3
                gather_wait(b)
                scatter(b)
                scatter_wait(bp)
                jn = jnp.minimum(j + 2, NCHUNKS - 1)
                unpack(jn, cs[bp], rs[bp])
                gather(jn, bp)
            return 0

        lax.fori_loop(0, (NCHUNKS - 2) // 3, tri_step, 0)
        gather_wait(1)
        gather_wait(2)
        scatter(1)
        scatter_wait(0)
        scatter_wait(1)
        plsc.subcore_barrier()

        pltpu.sync_copy(acc_sh.at[pl.ds(base, ROWS_PER_TILE)],
                        acc_out.at[cid, pl.ds(base, ROWS_PER_TILE)])

        if with_deg:
            pltpu.sync_copy(z_hbm, acc_sh.at[pl.ds(base, ROWS_PER_TILE)])
            pltpu.sync_copy(ones_hbm, m0)
            plsc.subcore_barrier()

            def unpack_rows(j, r_buf):
                for k in range(CHUNK // 16):
                    p = packed_v[j, pl.ds(k * 16, 16)]
                    r_buf[pl.ds(k * 16, 16)] = lax.shift_right_logical(
                        p, 16)

            def dscat(r_buf):
                pltpu.async_copy(m0, acc_sh.at[r_buf], ssem, add=True)

            def dwait(r_buf):
                pltpu.make_async_copy(m0, acc_sh.at[r_buf], ssem).wait()

            unpack_rows(0, r0)
            dscat(r0)
            unpack_rows(1, r1)
            dscat(r1)

            def deg_pair(t, _):
                j0 = 2 * t + 2
                dwait(r0)
                unpack_rows(j0, r0)
                dscat(r0)
                dwait(r1)
                unpack_rows(j0 + 1, r1)
                dscat(r1)
                return 0

            lax.fori_loop(0, (NCHUNKS - 3) // 2, deg_pair, 0)
            dwait(r0)
            unpack_rows(NCHUNKS - 1, r0)
            dscat(r0)
            dwait(r1)
            dwait(r0)
            plsc.subcore_barrier()
            pltpu.sync_copy(acc_sh.at[pl.ds(base, ROWS_PER_TILE)],
                            deg_out.at[cid, pl.ds(base, ROWS_PER_TILE)])

    run = pl.kernel(body, out_type=out_type, mesh=mesh,
                    scratch_types=scratch)
    if with_deg:
        return run(h, packed3, zrows, ones)
    return run(h, packed3, zrows)


BLK = 5000


def _inproj_body(x_ref, w_ref, b_ref, o_ref):
    o_ref[...] = (jnp.dot(x_ref[...], w_ref[...],
                          preferred_element_type=jnp.float32) + b_ref[...])


def _inproj(x, W, b):
    return pl.pallas_call(
        _inproj_body,
        grid=(N // BLK,),
        in_specs=[
            pl.BlockSpec((BLK, D), lambda i: (i, 0)),
            pl.BlockSpec((D, D), lambda i: (0, 0)),
            pl.BlockSpec((1, D), lambda i: (0, 0)),
        ],
        out_specs=pl.BlockSpec((BLK, D), lambda i: (i, 0)),
        out_shape=jax.ShapeDtypeStruct((N, D), jnp.float32),
    )(x, W, b.reshape(1, D))


def _combine_body(final, h_ref, acc_ref, deg_ref, wc_ref, bc_ref, g_ref,
                  be_ref, wo_ref, bo_ref, o_ref):
    agg = acc_ref[0] + acc_ref[1]
    deg = deg_ref[0, :, 0:1] + deg_ref[1, :, 0:1]
    agg = agg / jnp.maximum(deg, 1.0)
    hn = (jnp.dot(agg, wc_ref[...], preferred_element_type=jnp.float32)
          + bc_ref[...])
    h = h_ref[...] + hn
    mu = jnp.mean(h, axis=-1, keepdims=True)
    var = jnp.mean((h - mu) ** 2, axis=-1, keepdims=True)
    h = (h - mu) * lax.rsqrt(var + 1e-5) * g_ref[...] + be_ref[...]
    h = jnp.maximum(h, 0.0)
    if final:
        h = (jnp.dot(h, wo_ref[...], preferred_element_type=jnp.float32)
             + bo_ref[...])
    o_ref[...] = h


def _combine(h, acc, deg, Wc, bc, g, be, Wo, bo, final):
    return pl.pallas_call(
        functools.partial(_combine_body, final),
        grid=(N // BLK,),
        in_specs=[
            pl.BlockSpec((BLK, D), lambda i: (i, 0)),
            pl.BlockSpec((NC, BLK, D), lambda i: (0, i, 0)),
            pl.BlockSpec((NC, BLK, DEG_W), lambda i: (0, i, 0)),
            pl.BlockSpec((D, D), lambda i: (0, 0)),
            pl.BlockSpec((1, D), lambda i: (0, 0)),
            pl.BlockSpec((1, D), lambda i: (0, 0)),
            pl.BlockSpec((1, D), lambda i: (0, 0)),
            pl.BlockSpec((D, D), lambda i: (0, 0)),
            pl.BlockSpec((1, D), lambda i: (0, 0)),
        ],
        out_specs=pl.BlockSpec((BLK, D), lambda i: (i, 0)),
        out_shape=jax.ShapeDtypeStruct((N, D), jnp.float32),
    )(h, acc, deg, Wc, bc.reshape(1, D), g.reshape(1, D), be.reshape(1, D),
      Wo, bo.reshape(1, D))


def kernel(x, edge_index, W_in, b_in, W_c0, b_c0, W_c1, b_c1, g0, be0, g1,
           be1, W_out, b_out):
    packed3 = ((edge_index[0] << 16) | edge_index[1]).reshape(
        NW, NCHUNKS, CHUNK)
    zrows = jnp.zeros((ROWS_PER_TILE, D), jnp.float32)
    ones = jnp.ones((CHUNK, D), jnp.float32)

    h0 = _inproj(x, W_in, b_in)
    acc0, deg = _sc_aggregate(h0, packed3, zrows, ones)
    h1 = _combine(h0, acc0, deg, W_c0, b_c0, g0, be0, W_out, b_out,
                  final=False)
    acc1 = _sc_aggregate(h1, packed3, zrows)
    out = _combine(h1, acc1, deg, W_c1, b_c1, g1, be1, W_out, b_out,
                   final=True)
    return out

# --- scband reference (transcript-rebuilt; emitter-appended) ---
"""Pipeline reference for scband-link-prediction-encoder-16037407883983 (READ-ONLY COPY).

The authoritative reference and input builder live on the scoring server;
editing this copy changes nothing except your own understanding.
"""

import jax, jax.numpy as jnp
import numpy as np

N = 10000
E = 320000
D_IN = 128
D_H = 128
D_OUT = 128
NUM_LAYERS = 2


def setup_inputs(seed: int = 0) -> dict:
    key = jax.random.key(seed)
    ks = jax.random.split(key, 16)
    x = jax.random.normal(ks[0], (N, D_IN), dtype=jnp.float32)
    edge_index = jax.random.randint(ks[1], (2, E), 0, N, dtype=jnp.int32)
    s = 0.05
    W_in = jax.random.normal(ks[2], (D_IN, D_H), dtype=jnp.float32) * s
    b_in = jnp.zeros((D_H,), dtype=jnp.float32)
    W_c0 = jax.random.normal(ks[3], (D_H, D_H), dtype=jnp.float32) * s
    b_c0 = jnp.zeros((D_H,), dtype=jnp.float32)
    W_c1 = jax.random.normal(ks[4], (D_H, D_H), dtype=jnp.float32) * s
    b_c1 = jnp.zeros((D_H,), dtype=jnp.float32)
    g0 = jnp.ones((D_H,), dtype=jnp.float32)
    be0 = jnp.zeros((D_H,), dtype=jnp.float32)
    g1 = jnp.ones((D_H,), dtype=jnp.float32)
    be1 = jnp.zeros((D_H,), dtype=jnp.float32)
    W_out = jax.random.normal(ks[5], (D_H, D_OUT), dtype=jnp.float32) * s
    b_out = jnp.zeros((D_OUT,), dtype=jnp.float32)
    return {"x": x, "edge_index": edge_index, "W_in": W_in, "b_in": b_in,
            "W_c0": W_c0, "b_c0": b_c0, "W_c1": W_c1, "b_c1": b_c1,
            "g0": g0, "be0": be0, "g1": g1, "be1": be1,
            "W_out": W_out, "b_out": b_out}


def _layernorm(h, g, b):
    mu = jnp.mean(h, axis=-1, keepdims=True)
    var = jnp.var(h, axis=-1, keepdims=True)
    return (h - mu) / jnp.sqrt(var + 1e-5) * g + b


def reference(x, edge_index, W_in, b_in, W_c0, b_c0, W_c1, b_c1, g0, be0, g1, be1, W_out, b_out):
    # input projection
    h = x @ W_in + b_in
    row = edge_index[0]
    col = edge_index[1]
    Wc = (W_c0, W_c1)
    bc = (b_c0, b_c1)
    gs = (g0, g1)
    bs = (be0, be1)
    for i in range(NUM_LAYERS):
        # GCN-style mean aggregation: gather messages from col, scatter-add to row
        messages = h[col]
        aggregated = jax.ops.segment_sum(messages, row, num_segments=N)
        degree = jax.ops.segment_sum(jnp.ones((E,), dtype=jnp.float32), row, num_segments=N)
        degree = jnp.clip(degree, 1.0, None)[:, None]
        aggregated = aggregated / degree
        h_new = aggregated @ Wc[i] + bc[i]
        h = h + h_new
        h = _layernorm(h, gs[i], bs[i])
        h = jax.nn.relu(h)
        # dropout is identity in eval / with rate 0.0
    out = h @ W_out + b_out
    return out

if __name__ == "__main__":
    import jax
    _d = setup_inputs()
    print(jax.jit(kernel)(*tuple(_d.values())))

</pallas_src>

<mosaic_0001>
#map = affine_map<(d0, d1) -> (0, 0)>
#map1 = affine_map<(d0, d1) -> (0, 0, 0)>
module attributes {stable_mosaic.version = 14 : i64} {
  func.func @body(%arg0: i32, %arg1: i32, %arg2: memref<10000x128xf32, #tpu.memory_space<hbm>>, %arg3: memref<32x125x80xi32, #tpu.memory_space<hbm>>, %arg4: memref<640x128xf32, #tpu.memory_space<hbm>>, %arg5: memref<2x10240x128xf32, #tpu.memory_space<hbm>>, %arg6: memref<125x80xi32, #tpu.memory_space<vmem>>, %arg7: memref<80xi32, #tpu.memory_space<vmem>>, %arg8: memref<80xi32, #tpu.memory_space<vmem>>, %arg9: memref<80xi32, #tpu.memory_space<vmem>>, %arg10: memref<80xi32, #tpu.memory_space<vmem>>, %arg11: memref<80xi32, #tpu.memory_space<vmem>>, %arg12: memref<80xi32, #tpu.memory_space<vmem>>, %arg13: memref<80x128xf32, #tpu.memory_space<vmem>>, %arg14: memref<80x128xf32, #tpu.memory_space<vmem>>, %arg15: memref<80x128xf32, #tpu.memory_space<vmem>>, %arg16: memref<10240x128xf32, #tpu.memory_space<vmem_shared>>, %arg17: memref<!tpu.dma_semaphore, #tpu.memory_space<semaphore_mem>>, %arg18: memref<!tpu.dma_semaphore, #tpu.memory_space<semaphore_mem>>) attributes {dimension_semantics = [#tpu.dimension_semantics<core_parallel>, #tpu.dimension_semantics<subcore_parallel>], iteration_bounds = array<i64: 2, 16>, scalar_prefetch = 0 : i64, scratch_operands = 13 : i64, tpu.core_type = #tpu.core_type<sc_vector_subcore>, window_params = [{transform_indices = #map}, {transform_indices = #map1}, {transform_indices = #map}, {transform_indices = #map1}]} {
    %mul3A = arith.constant 2 : i32
    %mul3A_0 = arith.muli %arg1, %mul3A : i32
    %add3A = arith.addi %mul3A_0, %arg0 : i32
    "tpu.region"() ({
      %run_scoped3A = tpu.sem_alloc : memref<!tpu.dma_semaphore, #tpu.memory_space<semaphore_mem>>
      %dma_start3A_319 = arith.constant 0 : i32
      %dma_start3A_320 = arith.constant 0 : i32
      %dma_start3A_321 = tpu.memref_slice %arg3[%add3A, %dma_start3A_319, %dma_start3A_320] : memref<32x125x80xi32, #tpu.memory_space<hbm>> -> memref<1x125x80xi32, #tpu.memory_space<hbm>>
      %dma_start3A_322 = tpu.memref_squeeze %dma_start3A_321 : memref<1x125x80xi32, #tpu.memory_space<hbm>> -> memref<125x80xi32, #tpu.memory_space<hbm>>
      %dma_start3A_323 = arith.constant 0 : i32
      %dma_start3A_324 = arith.constant 0 : i32
      %dma_start3A_325 = tpu.memref_slice %arg3[%add3A, %dma_start3A_323, %dma_start3A_324] : memref<32x125x80xi32, #tpu.memory_space<hbm>> -> memref<1x125x80xi32, #tpu.memory_space<hbm>>
      %dma_start3A_326 = tpu.memref_squeeze %dma_start3A_325 : memref<1x125x80xi32, #tpu.memory_space<hbm>> -> memref<125x80xi32, #tpu.memory_space<hbm>>
      tpu.enqueue_dma source(%dma_start3A_326 : memref<125x80xi32, #tpu.memory_space<hbm>>) target(%arg6 : memref<125x80xi32, #tpu.memory_space<vmem>>) target_semaphore(%run_scoped3A : memref<!tpu.dma_semaphore, #tpu.memory_space<semaphore_mem>>)
      %dma_wait3A_327 = arith.constant 0 : i32
      %dma_wait3A_328 = arith.constant 0 : i32
      %dma_wait3A_329 = tpu.memref_slice %arg3[%add3A, %dma_wait3A_327, %dma_wait3A_328] : memref<32x125x80xi32, #tpu.memory_space<hbm>> -> memref<1x125x80xi32, #tpu.memory_space<hbm>>
      %dma_wait3A_330 = tpu.memref_squeeze %dma_wait3A_329 : memref<1x125x80xi32, #tpu.memory_space<hbm>> -> memref<125x80xi32, #tpu.memory_space<hbm>>
      %dma_wait3A_331 = arith.constant 0 : i32
      %dma_wait3A_332 = arith.constant 0 : i32
      %dma_wait3A_333 = tpu.memref_slice %arg3[%add3A, %dma_wait3A_331, %dma_wait3A_332] : memref<32x125x80xi32, #tpu.memory_space<hbm>> -> memref<1x125x80xi32, #tpu.memory_space<hbm>>
      %dma_wait3A_334 = tpu.memref_squeeze %dma_wait3A_333 : memref<1x125x80xi32, #tpu.memory_space<hbm>> -> memref<125x80xi32, #tpu.memory_space<hbm>>
      tpu.wait_dma2 semaphore(%run_scoped3A : memref<!tpu.dma_semaphore, #tpu.memory_space<semaphore_mem>>) src(%dma_wait3A_334 : memref<125x80xi32, #tpu.memory_space<hbm>>) dst(%arg6 : memref<125x80xi32, #tpu.memory_space<vmem>>)
      tpu.yield
    }) : () -> ()
    %mul3A_1 = arith.constant 640 : i32
    %mul3A_2 = arith.muli %arg1, %mul3A_1 : i32
    "tpu.region"() ({
      %run_scoped3A = tpu.sem_alloc : memref<!tpu.dma_semaphore, #tpu.memory_space<semaphore_mem>>
      %dma_start3A_319 = arith.constant 0 : i32
      %dma_start3A_320 = tpu.memref_slice %arg16[%mul3A_2, %dma_start3A_319] : memref<10240x128xf32, #tpu.memory_space<vmem_shared>> -> memref<640x128xf32, #tpu.memory_space<vmem_shared>>
      tpu.enqueue_dma source(%arg4 : memref<640x128xf32, #tpu.memory_space<hbm>>) target(%dma_start3A_320 : memref<640x128xf32, #tpu.memory_space<vmem_shared>>) target_semaphore(%run_scoped3A : memref<!tpu.dma_semaphore, #tpu.memory_space<semaphore_mem>>)
      %dma_wait3A_321 = arith.constant 0 : i32
      %dma_wait3A_322 = tpu.memref_slice %arg16[%mul3A_2, %dma_wait3A_321] : memref<10240x128xf32, #tpu.memory_space<vmem_shared>> -> memref<640x128xf32, #tpu.memory_space<vmem_shared>>
      tpu.wait_dma2 semaphore(%run_scoped3A : memref<!tpu.dma_semaphore, #tpu.memory_space<semaphore_mem>>) src(%arg4 : memref<640x128xf32, #tpu.memory_space<hbm>>) dst(%dma_wait3A_322 : memref<640x128xf32, #tpu.memory_space<vmem_shared>>)
      tpu.yield
    }) : () -> ()
    %barrier3A = arith.constant 0 : index
    tpu.barrier barrier_id(%barrier3A)
    %get3A = arith.constant 0 : i32
    %get3A_3 = arith.index_cast %get3A : i32 to index
    %get3A_4 = arith.constant 0 : index
    %get3A_5 = tpu.vector_load %arg6[%get3A_3, %get3A_4] {strides = array<i32>} : memref<125x80xi32, #tpu.memory_space<vmem>>, vector<1x16xi32>,
    %get3A_6 = vector.shape_cast %get3A_5 : vector<1x16xi32> to vector<16xi32>
    %and3A = arith.constant 65535 : i32
    %and3A_7 = vector.broadcast %and3A : i32 to vector<16xi32>
    %and3A_8 = arith.andi %get3A_6, %and3A_7 : vector<16xi32>
    %swap3A = arith.constant 0 : index
    %swap3A_9 = tpu.vector_load %arg7[%swap3A] {strides = array<i32>} : memref<80xi32, #tpu.memory_space<vmem>>, vector<16xi32>,
    %swap3A_10 = vector.shape_cast %swap3A_9 : vector<16xi32> to vector<16xi32>
    %swap3A_11 = vector.shape_cast %and3A_8 : vector<16xi32> to vector<16xi32>
    tpu.vector_store %arg7[%swap3A], %swap3A_11 {strides = array<i32>} : memref<80xi32, #tpu.memory_space<vmem>>, vector<16xi32>,
    %shift_right_logical3A = arith.constant 16 : i32
    %shift_right_logical3A_12 = vector.broadcast %shift_right_logical3A : i32 to vector<16xi32>
    %shift_right_logical3A_13 = arith.shrui %get3A_6, %shift_right_logical3A_12 : vector<16xi32>
    %swap3A_14 = arith.constant 0 : index
    %swap3A_15 = tpu.vector_load %arg10[%swap3A_14] {strides = array<i32>} : memref<80xi32, #tpu.memory_space<vmem>>, vector<16xi32>,
    %swap3A_16 = vector.shape_cast %swap3A_15 : vector<16xi32> to vector<16xi32>
    %swap3A_17 = vector.shape_cast %shift_right_logical3A_13 : vector<16xi32> to vector<16xi32>
    tpu.vector_store %arg10[%swap3A_14], %swap3A_17 {strides = array<i32>} : memref<80xi32, #tpu.memory_space<vmem>>, vector<16xi32>,
    %get3A_18 = arith.constant 0 : i32
    %get3A_19 = arith.index_cast %get3A_18 : i32 to index
    %get3A_20 = arith.constant 16 : index
    %get3A_21 = tpu.vector_load %arg6[%get3A_19, %get3A_20] {strides = array<i32>} : memref<125x80xi32, #tpu.memory_space<vmem>>, vector<1x16xi32>,
    %get3A_22 = vector.shape_cast %get3A_21 : vector<1x16xi32> to vector<16xi32>
    %and3A_23 = arith.constant 65535 : i32
    %and3A_24 = vector.broadcast %and3A_23 : i32 to vector<16xi32>
    %and3A_25 = arith.andi %get3A_22, %and3A_24 : vector<16xi32>
    %swap3A_26 = arith.constant 16 : index
    %swap3A_27 = tpu.vector_load %arg7[%swap3A_26] {strides = array<i32>} : memref<80xi32, #tpu.memory_space<vmem>>, vector<16xi32>,
    %swap3A_28 = vector.shape_cast %swap3A_27 : vector<16xi32> to vector<16xi32>
    %swap3A_29 = vector.shape_cast %and3A_25 : vector<16xi32> to vector<16xi32>
    tpu.vector_store %arg7[%swap3A_26], %swap3A_29 {strides = array<i32>} : memref<80xi32, #tpu.memory_space<vmem>>, vector<16xi32>,
    %shift_right_logical3A_30 = arith.constant 16 : i32
    %shift_right_logical3A_31 = vector.broadcast %shift_right_logical3A_30 : i32 to vector<16xi32>
    %shift_right_logical3A_32 = arith.shrui %get3A_22, %shift_right_logical3A_31 : vector<16xi32>
    %swap3A_33 = arith.constant 16 : index
    %swap3A_34 = tpu.vector_load %arg10[%swap3A_33] {strides = array<i32>} : memref<80xi32, #tpu.memory_space<vmem>>, vector<16xi32>,
    %swap3A_35 = vector.shape_cast %swap3A_34 : vector<16xi32> to vector<16xi32>
    %swap3A_36 = vector.shape_cast %shift_right_logical3A_32 : vector<16xi32> to vector<16xi32>
    tpu.vector_store %arg10[%swap3A_33], %swap3A_36 {strides = array<i32>} : memref<80xi32, #tpu.memory_space<vmem>>, vector<16xi32>,
    %get3A_37 = arith.constant 0 : i32
    %get3A_38 = arith.index_cast %get3A_37 : i32 to index
    %get3A_39 = arith.constant 32 : index
    %get3A_40 = tpu.vector_load %arg6[%get3A_38, %get3A_39] {strides = array<i32>} : memref<125x80xi32, #tpu.memory_space<vmem>>, vector<1x16xi32>,
    %get3A_41 = vector.shape_cast %get3A_40 : vector<1x16xi32> to vector<16xi32>
    %and3A_42 = arith.constant 65535 : i32
    %and3A_43 = vector.broadcast %and3A_42 : i32 to vector<16xi32>
    %and3A_44 = arith.andi %get3A_41, %and3A_43 : vector<16xi32>
    %swap3A_45 = arith.constant 32 : index
    %swap3A_46 = tpu.vector_load %arg7[%swap3A_45] {strides = array<i32>} : memref<80xi32, #tpu.memory_space<vmem>>, vector<16xi32>,
    %swap3A_47 = vector.shape_cast %swap3A_46 : vector<16xi32> to vector<16xi32>
    %swap3A_48 = vector.shape_cast %and3A_44 : vector<16xi32> to vector<16xi32>
    tpu.vector_store %arg7[%swap3A_45], %swap3A_48 {strides = array<i32>} : memref<80xi32, #tpu.memory_space<vmem>>, vector<16xi32>,
    %shift_right_logical3A_49 = arith.constant 16 : i32
    %shift_right_logical3A_50 = vector.broadcast %shift_right_logical3A_49 : i32 to vector<16xi32>
    %shift_right_logical3A_51 = arith.shrui %get3A_41, %shift_right_logical3A_50 : vector<16xi32>
    %swap3A_52 = arith.constant 32 : index
    %swap3A_53 = tpu.vector_load %arg10[%swap3A_52] {strides = array<i32>} : memref<80xi32, #tpu.memory_space<vmem>>, vector<16xi32>,
    %swap3A_54 = vector.shape_cast %swap3A_53 : vector<16xi32> to vector<16xi32>
    %swap3A_55 = vector.shape_cast %shift_right_logical3A_51 : vector<16xi32> to vector<16xi32>
    tpu.vector_store %arg10[%swap3A_52], %swap3A_55 {strides = array<i32>} : memref<80xi32, #tpu.memory_space<vmem>>, vector<16xi32>,
    %get3A_56 = arith.constant 0 : i32
    %get3A_57 = arith.index_cast %get3A_56 : i32 to index
    %get3A_58 = arith.constant 48 : index
    %get3A_59 = tpu.vector_load %arg6[%get3A_57, %get3A_58] {strides = array<i32>} : memref<125x80xi32, #tpu.memory_space<vmem>>, vector<1x16xi32>,
    %get3A_60 = vector.shape_cast %get3A_59 : vector<1x16xi32> to vector<16xi32>
    %and3A_61 = arith.constant 65535 : i32
    %and3A_62 = vector.broadcast %and3A_61 : i32 to vector<16xi32>
    %and3A_63 = arith.andi %get3A_60, %and3A_62 : vector<16xi32>
    %swap3A_64 = arith.constant 48 : index
    %swap3A_65 = tpu.vector_load %arg7[%swap3A_64] {strides = array<i32>} : memref<80xi32, #tpu.memory_space<vmem>>, vector<16xi32>,
    %swap3A_66 = vector.shape_cast %swap3A_65 : vector<16xi32> to vector<16xi32>
    %swap3A_67 = vector.shape_cast %and3A_63 : vector<16xi32> to vector<16xi32>
    tpu.vector_store %arg7[%swap3A_64], %swap3A_67 {strides = array<i32>} : memref<80xi32, #tpu.memory_space<vmem>>, vector<16xi32>,
    %shift_right_logical3A_68 = arith.constant 16 : i32
    %shift_right_logical3A_69 = vector.broadcast %shift_right_logical3A_68 : i32 to vector<16xi32>
    %shift_right_logical3A_70 = arith.shrui %get3A_60, %shift_right_logical3A_69 : vector<16xi32>
    %swap3A_71 = arith.constant 48 : index
    %swap3A_72 = tpu.vector_load %arg10[%swap3A_71] {strides = array<i32>} : memref<80xi32, #tpu.memory_space<vmem>>, vector<16xi32>,
    %swap3A_73 = vector.shape_cast %swap3A_72 : vector<16xi32> to vector<16xi32>
    %swap3A_74 = vector.shape_cast %shift_right_logical3A_70 : vector<16xi32> to vector<16xi32>
    tpu.vector_store %arg10[%swap3A_71], %swap3A_74 {strides = array<i32>} : memref<80xi32, #tpu.memory_space<vmem>>, vector<16xi32>,
    %get3A_75 = arith.constant 0 : i32
    %get3A_76 = arith.index_cast %get3A_75 : i32 to index
    %get3A_77 = arith.constant 64 : index
    %get3A_78 = tpu.vector_load %arg6[%get3A_76, %get3A_77] {strides = array<i32>} : memref<125x80xi32, #tpu.memory_space<vmem>>, vector<1x16xi32>,
    %get3A_79 = vector.shape_cast %get3A_78 : vector<1x16xi32> to vector<16xi32>
    %and3A_80 = arith.constant 65535 : i32
    %and3A_81 = vector.broadcast %and3A_80 : i32 to vector<16xi32>
    %and3A_82 = arith.andi %get3A_79, %and3A_81 : vector<16xi32>
    %swap3A_83 = arith.constant 64 : index
    %swap3A_84 = tpu.vector_load %arg7[%swap3A_83] {strides = array<i32>} : memref<80xi32, #tpu.memory_space<vmem>>, vector<16xi32>,
    %swap3A_85 = vector.shape_cast %swap3A_84 : vector<16xi32> to vector<16xi32>
    %swap3A_86 = vector.shape_cast %and3A_82 : vector<16xi32> to vector<16xi32>
    tpu.vector_store %arg7[%swap3A_83], %swap3A_86 {strides = array<i32>} : memref<80xi32, #tpu.memory_space<vmem>>, vector<16xi32>,
    %shift_right_logical3A_87 = arith.constant 16 : i32
    %shift_right_logical3A_88 = vector.broadcast %shift_right_logical3A_87 : i32 to vector<16xi32>
    %shift_right_logical3A_89 = arith.shrui %get3A_79, %shift_right_logical3A_88 : vector<16xi32>
    %swap3A_90 = arith.constant 64 : index
    %swap3A_91 = tpu.vector_load %arg10[%swap3A_90] {strides = array<i32>} : memref<80xi32, #tpu.memory_space<vmem>>, vector<16xi32>,
    %swap3A_92 = vector.shape_cast %swap3A_91 : vector<16xi32> to vector<16xi32>
    %swap3A_93 = vector.shape_cast %shift_right_logical3A_89 : vector<16xi32> to vector<16xi32>
    tpu.vector_store %arg10[%swap3A_90], %swap3A_93 {strides = array<i32>} : memref<80xi32, #tpu.memory_space<vmem>>, vector<16xi32>,
    %dma_start3A = arith.constant 0 : i32
    %dma_start3A_94 = arith.constant 0 : i32
    %dma_start3A_95 = tpu.memref_slice %arg2[%dma_start3A, %dma_start3A_94] : memref<10000x128xf32, #tpu.memory_space<hbm>> -> memref<10000x128xf32, #tpu.memory_space<hbm>>
    tpu.enqueue_indirect_dma source(%dma_start3A_95 : memref<10000x128xf32, #tpu.memory_space<hbm>>) target(%arg13 : memref<80x128xf32, #tpu.memory_space<vmem>>) offsets(%arg7 : memref<80xi32, #tpu.memory_space<vmem>>) semaphore(%arg17 : memref<!tpu.dma_semaphore, #tpu.memory_space<semaphore_mem>>)
    %get3A_96 = arith.constant 1 : i32
    %get3A_97 = arith.index_cast %get3A_96 : i32 to index
    %get3A_98 = arith.constant 0 : index
    %get3A_99 = tpu.vector_load %arg6[%get3A_97, %get3A_98] {strides = array<i32>} : memref<125x80xi32, #tpu.memory_space<vmem>>, vector<1x16xi32>,
    %get3A_100 = vector.shape_cast %get3A_99 : vector<1x16xi32> to vector<16xi32>
    %and3A_101 = arith.constant 65535 : i32
    %and3A_102 = vector.broadcast %and3A_101 : i32 to vector<16xi32>
    %and3A_103 = arith.andi %get3A_100, %and3A_102 : vector<16xi32>
    %swap3A_104 = arith.constant 0 : index
    %swap3A_105 = tpu.vector_load %arg8[%swap3A_104] {strides = array<i32>} : memref<80xi32, #tpu.memory_space<vmem>>, vector<16xi32>,
    %swap3A_106 = vector.shape_cast %swap3A_105 : vector<16xi32> to vector<16xi32>
    %swap3A_107 = vector.shape_cast %and3A_103 : vector<16xi32> to vector<16xi32>
    tpu.vector_store %arg8[%swap3A_104], %swap3A_107 {strides = array<i32>} : memref<80xi32, #tpu.memory_space<vmem>>, vector<16xi32>,
    %shift_right_logical3A_108 = arith.constant 16 : i32
    %shift_right_logical3A_109 = vector.broadcast %shift_right_logical3A_108 : i32 to vector<16xi32>
    %shift_right_logical3A_110 = arith.shrui %get3A_100, %shift_right_logical3A_109 : vector<16xi32>
    %swap3A_111 = arith.constant 0 : index
    %swap3A_112 = tpu.vector_load %arg11[%swap3A_111] {strides = array<i32>} : memref<80xi32, #tpu.memory_space<vmem>>, vector<16xi32>,
    %swap3A_113 = vector.shape_cast %swap3A_112 : vector<16xi32> to vector<16xi32>
    %swap3A_114 = vector.shape_cast %shift_right_logical3A_110 : vector<16xi32> to vector<16xi32>
    tpu.vector_store %arg11[%swap3A_111], %swap3A_114 {strides = array<i32>} : memref<80xi32, #tpu.memory_space<vmem>>, vector<16xi32>,
    %get3A_115 = arith.constant 1 : i32
    %get3A_116 = arith.index_cast %get3A_115 : i32 to index
    %get3A_117 = arith.constant 16 : index
    %get3A_118 = tpu.vector_load %arg6[%get3A_116, %get3A_117] {strides = array<i32>} : memref<125x80xi32, #tpu.memory_space<vmem>>, vector<1x16xi32>,
    %get3A_119 = vector.shape_cast %get3A_118 : vector<1x16xi32> to vector<16xi32>
    %and3A_120 = arith.constant 65535 : i32
    %and3A_121 = vector.broadcast %and3A_120 : i32 to vector<16xi32>
    %and3A_122 = arith.andi %get3A_119, %and3A_121 : vector<16xi32>
    %swap3A_123 = arith.constant 16 : index
    %swap3A_124 = tpu.vector_load %arg8[%swap3A_123] {strides = array<i32>} : memref<80xi32, #tpu.memory_space<vmem>>, vector<16xi32>,
    %swap3A_125 = vector.shape_cast %swap3A_124 : vector<16xi32> to vector<16xi32>
    %swap3A_126 = vector.shape_cast %and3A_122 : vector<16xi32> to vector<16xi32>
    tpu.vector_store %arg8[%swap3A_123], %swap3A_126 {strides = array<i32>} : memref<80xi32, #tpu.memory_space<vmem>>, vector<16xi32>,
    %shift_right_logical3A_127 = arith.constant 16 : i32
    %shift_right_logical3A_128 = vector.broadcast %shift_right_logical3A_127 : i32 to vector<16xi32>
    %shift_right_logical3A_129 = arith.shrui %get3A_119, %shift_right_logical3A_128 : vector<16xi32>
    %swap3A_130 = arith.constant 16 : index
    %swap3A_131 = tpu.vector_load %arg11[%swap3A_130] {strides = array<i32>} : memref<80xi32, #tpu.memory_space<vmem>>, vector<16xi32>,
    %swap3A_132 = vector.shape_cast %swap3A_131 : vector<16xi32> to vector<16xi32>
    %swap3A_133 = vector.shape_cast %shift_right_logical3A_129 : vector<16xi32> to vector<16xi32>
    tpu.vector_store %arg11[%swap3A_130], %swap3A_133 {strides = array<i32>} : memref<80xi32, #tpu.memory_space<vmem>>, vector<16xi32>,
    %get3A_134 = arith.constant 1 : i32
    %get3A_135 = arith.index_cast %get3A_134 : i32 to index
    %get3A_136 = arith.constant 32 : index
    %get3A_137 = tpu.vector_load %arg6[%get3A_135, %get3A_136] {strides = array<i32>} : memref<125x80xi32, #tpu.memory_space<vmem>>, vector<1x16xi32>,
    %get3A_138 = vector.shape_cast %get3A_137 : vector<1x16xi32> to vector<16xi32>
    %and3A_139 = arith.constant 65535 : i32
    %and3A_140 = vector.broadcast %and3A_139 : i32 to vector<16xi32>
    %and3A_141 = arith.andi %get3A_138, %and3A_140 : vector<16xi32>
    %swap3A_142 = arith.constant 32 : index
    %swap3A_143 = tpu.vector_load %arg8[%swap3A_142] {strides = array<i32>} : memref<80xi32, #tpu.memory_space<vmem>>, vector<16xi32>,
    %swap3A_144 = vector.shape_cast %swap3A_143 : vector<16xi32> to vector<16xi32>
    %swap3A_145 = vector.shape_cast %and3A_141 : vector<16xi32> to vector<16xi32>
    tpu.vector_store %arg8[%swap3A_142], %swap3A_145 {strides = array<i32>} : memref<80xi32, #tpu.memory_space<vmem>>, vector<16xi32>,
    %shift_right_logical3A_146 = arith.constant 16 : i32
    %shift_right_logical3A_147 = vector.broadcast %shift_right_logical3A_146 : i32 to vector<16xi32>
    %shift_right_logical3A_148 = arith.shrui %get3A_138, %shift_right_logical3A_147 : vector<16xi32>
    %swap3A_149 = arith.constant 32 : index
    %swap3A_150 = tpu.vector_load %arg11[%swap3A_149] {strides = array<i32>} : memref<80xi32, #tpu.memory_space<vmem>>, vector<16xi32>,
    %swap3A_151 = vector.shape_cast %swap3A_150 : vector<16xi32> to vector<16xi32>
    %swap3A_152 = vector.shape_cast %shift_right_logical3A_148 : vector<16xi32> to vector<16xi32>
    tpu.vector_store %arg11[%swap3A_149], %swap3A_152 {strides = array<i32>} : memref<80xi32, #tpu.memory_space<vmem>>, vector<16xi32>,
    %get3A_153 = arith.constant 1 : i32
    %get3A_154 = arith.index_cast %get3A_153 : i32 to index
    %get3A_155 = arith.constant 48 : index
    %get3A_156 = tpu.vector_load %arg6[%get3A_154, %get3A_155] {strides = array<i32>} : memref<125x80xi32, #tpu.memory_space<vmem>>, vector<1x16xi32>,
    %get3A_157 = vector.shape_cast %get3A_156 : vector<1x16xi32> to vector<16xi32>
    %and3A_158 = arith.constant 65535 : i32
    %and3A_159 = vector.broadcast %and3A_158 : i32 to vector<16xi32>
    %and3A_160 = arith.andi %get3A_157, %and3A_159 : vector<16xi32>
    %swap3A_161 = arith.constant 48 : index
    %swap3A_162 = tpu.vector_load %arg8[%swap3A_161] {strides = array<i32>} : memref<80xi32, #tpu.memory_space<vmem>>, vector<16xi32>,
    %swap3A_163 = vector.shape_cast %swap3A_162 : vector<16xi32> to vector<16xi32>
    %swap3A_164 = vector.shape_cast %and3A_160 : vector<16xi32> to vector<16xi32>
    tpu.vector_store %arg8[%swap3A_161], %swap3A_164 {strides = array<i32>} : memref<80xi32, #tpu.memory_space<vmem>>, vector<16xi32>,
    %shift_right_logical3A_165 = arith.constant 16 : i32
    %shift_right_logical3A_166 = vector.broadcast %shift_right_logical3A_165 : i32 to vector<16xi32>
    %shift_right_logical3A_167 = arith.shrui %get3A_157, %shift_right_logical3A_166 : vector<16xi32>
    %swap3A_168 = arith.constant 48 : index
    %swap3A_169 = tpu.vector_load %arg11[%swap3A_168] {strides = array<i32>} : memref<80xi32, #tpu.memory_space<vmem>>, vector<16xi32>,
    %swap3A_170 = vector.shape_cast %swap3A_169 : vector<16xi32> to vector<16xi32>
    %swap3A_171 = vector.shape_cast %shift_right_logical3A_167 : vector<16xi32> to vector<16xi32>
    tpu.vector_store %arg11[%swap3A_168], %swap3A_171 {strides = array<i32>} : memref<80xi32, #tpu.memory_space<vmem>>, vector<16xi32>,
    %get3A_172 = arith.constant 1 : i32
    %get3A_173 = arith.index_cast %get3A_172 : i32 to index
    %get3A_174 = arith.constant 64 : index
    %get3A_175 = tpu.vector_load %arg6[%get3A_173, %get3A_174] {strides = array<i32>} : memref<125x80xi32, #tpu.memory_space<vmem>>, vector<1x16xi32>,
    %get3A_176 = vector.shape_cast %get3A_175 : vector<1x16xi32> to vector<16xi32>
    %and3A_177 = arith.constant 65535 : i32
    %and3A_178 = vector.broadcast %and3A_177 : i32 to vector<16xi32>
    %and3A_179 = arith.andi %get3A_176, %and3A_178 : vector<16xi32>
    %swap3A_180 = arith.constant 64 : index
    %swap3A_181 = tpu.vector_load %arg8[%swap3A_180] {strides = array<i32>} : memref<80xi32, #tpu.memory_space<vmem>>, vector<16xi32>,
    %swap3A_182 = vector.shape_cast %swap3A_181 : vector<16xi32> to vector<16xi32>
    %swap3A_183 = vector.shape_cast %and3A_179 : vector<16xi32> to vector<16xi32>
    tpu.vector_store %arg8[%swap3A_180], %swap3A_183 {strides = array<i32>} : memref<80xi32, #tpu.memory_space<vmem>>, vector<16xi32>,
    %shift_right_logical3A_184 = arith.constant 16 : i32
    %shift_right_logical3A_185 = vector.broadcast %shift_right_logical3A_184 : i32 to vector<16xi32>
    %shift_right_logical3A_186 = arith.shrui %get3A_176, %shift_right_logical3A_185 : vector<16xi32>
    %swap3A_187 = arith.constant 64 : index
    %swap3A_188 = tpu.vector_load %arg11[%swap3A_187] {strides = array<i32>} : memref<80xi32, #tpu.memory_space<vmem>>, vector<16xi32>,
    %swap3A_189 = vector.shape_cast %swap3A_188 : vector<16xi32> to vector<16xi32>
    %swap3A_190 = vector.shape_cast %shift_right_logical3A_186 : vector<16xi32> to vector<16xi32>
    tpu.vector_store %arg11[%swap3A_187], %swap3A_190 {strides = array<i32>} : memref<80xi32, #tpu.memory_space<vmem>>, vector<16xi32>,
    %dma_start3A_191 = arith.constant 0 : i32
    %dma_start3A_192 = arith.constant 0 : i32
    %dma_start3A_193 = tpu.memref_slice %arg2[%dma_start3A_191, %dma_start3A_192] : memref<10000x128xf32, #tpu.memory_space<hbm>> -> memref<10000x128xf32, #tpu.memory_space<hbm>>
    tpu.enqueue_indirect_dma source(%dma_start3A_193 : memref<10000x128xf32, #tpu.memory_space<hbm>>) target(%arg14 : memref<80x128xf32, #tpu.memory_space<vmem>>) offsets(%arg8 : memref<80xi32, #tpu.memory_space<vmem>>) semaphore(%arg17 : memref<!tpu.dma_semaphore, #tpu.memory_space<semaphore_mem>>)
    %dma_wait3A = arith.constant 0 : i32
    %dma_wait3A_194 = arith.constant 0 : i32
    %dma_wait3A_195 = tpu.memref_slice %arg2[%dma_wait3A, %dma_wait3A_194] : memref<10000x128xf32, #tpu.memory_space<hbm>> -> memref<10000x128xf32, #tpu.memory_space<hbm>>
    tpu.wait_indirect_dma semaphore(%arg17 : memref<!tpu.dma_semaphore, #tpu.memory_space<semaphore_mem>>) src(%dma_wait3A_195 : memref<10000x128xf32, #tpu.memory_space<hbm>>) dst(%arg13 : memref<80x128xf32, #tpu.memory_space<vmem>>)
    %dma_start3A_196 = arith.constant 0 : i32
    %dma_start3A_197 = arith.constant 0 : i32
    %dma_start3A_198 = tpu.memref_slice %arg16[%dma_start3A_196, %dma_start3A_197] : memref<10240x128xf32, #tpu.memory_space<vmem_shared>> -> memref<10240x128xf32, #tpu.memory_space<vmem_shared>>
    tpu.enqueue_indirect_dma source(%arg13 : memref<80x128xf32, #tpu.memory_space<vmem>>) target(%dma_start3A_198 : memref<10240x128xf32, #tpu.memory_space<vmem_shared>>) offsets(%arg10 : memref<80xi32, #tpu.memory_space<vmem>>) semaphore(%arg18 : memref<!tpu.dma_semaphore, #tpu.memory_space<semaphore_mem>>) {add = true}
    %get3A_199 = arith.constant 2 : i32
    %get3A_200 = arith.index_cast %get3A_199 : i32 to index
    %get3A_201 = arith.constant 0 : index
    %get3A_202 = tpu.vector_load %arg6[%get3A_200, %get3A_201] {strides = array<i32>} : memref<125x80xi32, #tpu.memory_space<vmem>>, vector<1x16xi32>,
    %get3A_203 = vector.shape_cast %get3A_202 : vector<1x16xi32> to vector<16xi32>
    %and3A_204 = arith.constant 65535 : i32
    %and3A_205 = vector.broadcast %and3A_204 : i32 to vector<16xi32>
    %and3A_206 = arith.andi %get3A_203, %and3A_205 : vector<16xi32>
    %swap3A_207 = arith.constant 0 : index
    %swap3A_208 = tpu.vector_load %arg9[%swap3A_207] {strides = array<i32>} : memref<80xi32, #tpu.memory_space<vmem>>, vector<16xi32>,
    %swap3A_209 = vector.shape_cast %swap3A_208 : vector<16xi32> to vector<16xi32>
    %swap3A_210 = vector.shape_cast %and3A_206 : vector<16xi32> to vector<16xi32>
    tpu.vector_store %arg9[%swap3A_207], %swap3A_210 {strides = array<i32>} : memref<80xi32, #tpu.memory_space<vmem>>, vector<16xi32>,
    %shift_right_logical3A_211 = arith.constant 16 : i32
    %shift_right_logical3A_212 = vector.broadcast %shift_right_logical3A_211 : i32 to vector<16xi32>
    %shift_right_logical3A_213 = arith.shrui %get3A_203, %shift_right_logical3A_212 : vector<16xi32>
    %swap3A_214 = arith.constant 0 : index
    %swap3A_215 = tpu.vector_load %arg12[%swap3A_214] {strides = array<i32>} : memref<80xi32, #tpu.memory_space<vmem>>, vector<16xi32>,
    %swap3A_216 = vector.shape_cast %swap3A_215 : vector<16xi32> to vector<16xi32>
    %swap3A_217 = vector.shape_cast %shift_right_logical3A_213 : vector<16xi32> to vector<16xi32>
    tpu.vector_store %arg12[%swap3A_214], %swap3A_217 {strides = array<i32>} : memref<80xi32, #tpu.memory_space<vmem>>, vector<16xi32>,
    %get3A_218 = arith.constant 2 : i32
    %get3A_219 = arith.index_cast %get3A_218 : i32 to index
    %get3A_220 = arith.constant 16 : index
    %get3A_221 = tpu.vector_load %arg6[%get3A_219, %get3A_220] {strides = array<i32>} : memref<125x80xi32, #tpu.memory_space<vmem>>, vector<1x16xi32>,
    %get3A_222 = vector.shape_cast %get3A_221 : vector<1x16xi32> to vector<16xi32>
    %and3A_223 = arith.constant 65535 : i32
    %and3A_224 = vector.broadcast %and3A_223 : i32 to vector<16xi32>
    %and3A_225 = arith.andi %get3A_222, %and3A_224 : vector<16xi32>
    %swap3A_226 = arith.constant 16 : index
    %swap3A_227 = tpu.vector_load %arg9[%swap3A_226] {strides = array<i32>} : memref<80xi32, #tpu.memory_space<vmem>>, vector<16xi32>,
    %swap3A_228 = vector.shape_cast %swap3A_227 : vector<16xi32> to vector<16xi32>
    %swap3A_229 = vector.shape_cast %and3A_225 : vector<16xi32> to vector<16xi32>
    tpu.vector_store %arg9[%swap3A_226], %swap3A_229 {strides = array<i32>} : memref<80xi32, #tpu.memory_space<vmem>>, vector<16xi32>,
    %shift_right_logical3A_230 = arith.constant 16 : i32
    %shift_right_logical3A_231 = vector.broadcast %shift_right_logical3A_230 : i32 to vector<16xi32>
    %shift_right_logical3A_232 = arith.shrui %get3A_222, %shift_right_logical3A_231 : vector<16xi32>
    %swap3A_233 = arith.constant 16 : index
    %swap3A_234 = tpu.vector_load %arg12[%swap3A_233] {strides = array<i32>} : memref<80xi32, #tpu.memory_space<vmem>>, vector<16xi32>,
    %swap3A_235 = vector.shape_cast %swap3A_234 : vector<16xi32> to vector<16xi32>
    %swap3A_236 = vector.shape_cast %shift_right_logical3A_232 : vector<16xi32> to vector<16xi32>
    tpu.vector_store %arg12[%swap3A_233], %swap3A_236 {strides = array<i32>} : memref<80xi32, #tpu.memory_space<vmem>>, vector<16xi32>,
    %get3A_237 = arith.constant 2 : i32
    %get3A_238 = arith.index_cast %get3A_237 : i32 to index
    %get3A_239 = arith.constant 32 : index
    %get3A_240 = tpu.vector_load %arg6[%get3A_238, %get3A_239] {strides = array<i32>} : memref<125x80xi32, #tpu.memory_space<vmem>>, vector<1x16xi32>,
    %get3A_241 = vector.shape_cast %get3A_240 : vector<1x16xi32> to vector<16xi32>
    %and3A_242 = arith.constant 65535 : i32
    %and3A_243 = vector.broadcast %and3A_242 : i32 to vector<16xi32>
    %and3A_244 = arith.andi %get3A_241, %and3A_243 : vector<16xi32>
    %swap3A_245 = arith.constant 32 : index
    %swap3A_246 = tpu.vector_load %arg9[%swap3A_245] {strides = array<i32>} : memref<80xi32, #tpu.memory_space<vmem>>, vector<16xi32>,
    %swap3A_247 = vector.shape_cast %swap3A_246 : vector<16xi32> to vector<16xi32>
    %swap3A_248 = vector.shape_cast %and3A_244 : vector<16xi32> to vector<16xi32>
    tpu.vector_store %arg9[%swap3A_245], %swap3A_248 {strides = array<i32>} : memref<80xi32, #tpu.memory_space<vmem>>, vector<16xi32>,
    %shift_right_logical3A_249 = arith.constant 16 : i32
    %shift_right_logical3A_250 = vector.broadcast %shift_right_logical3A_249 : i32 to vector<16xi32>
    %shift_right_logical3A_251 = arith.shrui %get3A_241, %shift_right_logical3A_250 : vector<16xi32>
    %swap3A_252 = arith.constant 32 : index
    %swap3A_253 = tpu.vector_load %arg12[%swap3A_252] {strides = array<i32>} : memref<80xi32, #tpu.memory_space<vmem>>, vector<16xi32>,
    %swap3A_254 = vector.shape_cast %swap3A_253 : vector<16xi32> to vector<16xi32>
    %swap3A_255 = vector.shape_cast %shift_right_logical3A_251 : vector<16xi32> to vector<16xi32>
    tpu.vector_store %arg12[%swap3A_252], %swap3A_255 {strides = array<i32>} : memref<80xi32, #tpu.memory_space<vmem>>, vector<16xi32>,
    %get3A_256 = arith.constant 2 : i32
    %get3A_257 = arith.index_cast %get3A_256 : i32 to index
    %get3A_258 = arith.constant 48 : index
    %get3A_259 = tpu.vector_load %arg6[%get3A_257, %get3A_258] {strides = array<i32>} : memref<125x80xi32, #tpu.memory_space<vmem>>, vector<1x16xi32>,
    %get3A_260 = vector.shape_cast %get3A_259 : vector<1x16xi32> to vector<16xi32>
    %and3A_261 = arith.constant 65535 : i32
    %and3A_262 = vector.broadcast %and3A_261 : i32 to vector<16xi32>
    %and3A_263 = arith.andi %get3A_260, %and3A_262 : vector<16xi32>
    %swap3A_264 = arith.constant 48 : index
    %swap3A_265 = tpu.vector_load %arg9[%swap3A_264] {strides = array<i32>} : memref<80xi32, #tpu.memory_space<vmem>>, vector<16xi32>,
    %swap3A_266 = vector.shape_cast %swap3A_265 : vector<16xi32> to vector<16xi32>
    %swap3A_267 = vector.shape_cast %and3A_263 : vector<16xi32> to vector<16xi32>
    tpu.vector_store %arg9[%swap3A_264], %swap3A_267 {strides = array<i32>} : memref<80xi32, #tpu.memory_space<vmem>>, vector<16xi32>,
    %shift_right_logical3A_268 = arith.constant 16 : i32
    %shift_right_logical3A_269 = vector.broadcast %shift_right_logical3A_268 : i32 to vector<16xi32>
    %shift_right_logical3A_270 = arith.shrui %get3A_260, %shift_right_logical3A_269 : vector<16xi32>
    %swap3A_271 = arith.constant 48 : index
    %swap3A_272 = tpu.vector_load %arg12[%swap3A_271] {strides = array<i32>} : memref<80xi32, #tpu.memory_space<vmem>>, vector<16xi32>,
    %swap3A_273 = vector.shape_cast %swap3A_272 : vector<16xi32> to vector<16xi32>
    %swap3A_274 = vector.shape_cast %shift_right_logical3A_270 : vector<16xi32> to vector<16xi32>
    tpu.vector_store %arg12[%swap3A_271], %swap3A_274 {strides = array<i32>} : memref<80xi32, #tpu.memory_space<vmem>>, vector<16xi32>,
    %get3A_275 = arith.constant 2 : i32
    %get3A_276 = arith.index_cast %get3A_275 : i32 to index
    %get3A_277 = arith.constant 64 : index
    %get3A_278 = tpu.vector_load %arg6[%get3A_276, %get3A_277] {strides = array<i32>} : memref<125x80xi32, #tpu.memory_space<vmem>>, vector<1x16xi32>,
    %get3A_279 = vector.shape_cast %get3A_278 : vector<1x16xi32> to vector<16xi32>
    %and3A_280 = arith.constant 65535 : i32
    %and3A_281 = vector.broadcast %and3A_280 : i32 to vector<16xi32>
    %and3A_282 = arith.andi %get3A_279, %and3A_281 : vector<16xi32>
    %swap3A_283 = arith.constant 64 : index
    %swap3A_284 = tpu.vector_load %arg9[%swap3A_283] {strides = array<i32>} : memref<80xi32, #tpu.memory_space<vmem>>, vector<16xi32>,
    %swap3A_285 = vector.shape_cast %swap3A_284 : vector<16xi32> to vector<16xi32>
    %swap3A_286 = vector.shape_cast %and3A_282 : vector<16xi32> to vector<16xi32>
    tpu.vector_store %arg9[%swap3A_283], %swap3A_286 {strides = array<i32>} : memref<80xi32, #tpu.memory_space<vmem>>, vector<16xi32>,
    %shift_right_logical3A_287 = arith.constant 16 : i32
    %shift_right_logical3A_288 = vector.broadcast %shift_right_logical3A_287 : i32 to vector<16xi32>
    %shift_right_logical3A_289 = arith.shrui %get3A_279, %shift_right_logical3A_288 : vector<16xi32>
    %swap3A_290 = arith.constant 64 : index
    %swap3A_291 = tpu.vector_load %arg12[%swap3A_290] {strides = array<i32>} : memref<80xi32, #tpu.memory_space<vmem>>, vector<16xi32>,
    %swap3A_292 = vector.shape_cast %swap3A_291 : vector<16xi32> to vector<16xi32>
    %swap3A_293 = vector.shape_cast %shift_right_logical3A_289 : vector<16xi32> to vector<16xi32>
    tpu.vector_store %arg12[%swap3A_290], %swap3A_293 {strides = array<i32>} : memref<80xi32, #tpu.memory_space<vmem>>, vector<16xi32>,
    %dma_start3A_294 = arith.constant 0 : i32
    %dma_start3A_295 = arith.constant 0 : i32
    %dma_start3A_296 = tpu.memref_slice %arg2[%dma_start3A_294, %dma_start3A_295] : memref<10000x128xf32, #tpu.memory_space<hbm>> -> memref<10000x128xf32, #tpu.memory_space<hbm>>
    tpu.enqueue_indirect_dma source(%dma_start3A_296 : memref<10000x128xf32, #tpu.memory_space<hbm>>) target(%arg15 : memref<80x128xf32, #tpu.memory_space<vmem>>) offsets(%arg9 : memref<80xi32, #tpu.memory_space<vmem>>) semaphore(%arg17 : memref<!tpu.dma_semaphore, #tpu.memory_space<semaphore_mem>>)
    %scan3A = arith.constant 0 : i32
    %scan3A_297 = arith.constant 0 : i32
    %scan3A_298 = arith.constant 41 : i32
    %scan3A_299 = arith.addi %scan3A_297, %scan3A_298 : i32
    %scan3A_300 = arith.constant 1 : i32
    %scan3A_301 = scf.for %scan3A_319 = %scan3A_297 to %scan3A_299 step %scan3A_300 iter_args(%scan3A_320 = %scan3A) -> (i32)  : i32 {
      %mul3A_321 = arith.constant 3 : i32
      %mul3A_322 = arith.muli %mul3A_321, %scan3A_319 : i32
      %add3A_323 = arith.constant 1 : i32
      %add3A_324 = arith.addi %mul3A_322, %add3A_323 : i32
      %add3A_325 = arith.constant 0 : i32
      %add3A_326 = arith.addi %add3A_324, %add3A_325 : i32
      %dma_wait3A_327 = arith.constant 0 : i32
      %dma_wait3A_328 = arith.constant 0 : i32
      %dma_wait3A_329 = tpu.memref_slice %arg2[%dma_wait3A_327, %dma_wait3A_328] : memref<10000x128xf32, #tpu.memory_space<hbm>> -> memref<10000x128xf32, #tpu.memory_space<hbm>>
      tpu.wait_indirect_dma semaphore(%arg17 : memref<!tpu.dma_semaphore, #tpu.memory_space<semaphore_mem>>) src(%dma_wait3A_329 : memref<10000x128xf32, #tpu.memory_space<hbm>>) dst(%arg14 : memref<80x128xf32, #tpu.memory_space<vmem>>)
      %dma_start3A_330 = arith.constant 0 : i32
      %dma_start3A_331 = arith.constant 0 : i32
      %dma_start3A_332 = tpu.memref_slice %arg16[%dma_start3A_330, %dma_start3A_331] : memref<10240x128xf32, #tpu.memory_space<vmem_shared>> -> memref<10240x128xf32, #tpu.memory_space<vmem_shared>>
      tpu.enqueue_indirect_dma source(%arg14 : memref<80x128xf32, #tpu.memory_space<vmem>>) target(%dma_start3A_332 : memref<10240x128xf32, #tpu.memory_space<vmem_shared>>) offsets(%arg11 : memref<80xi32, #tpu.memory_space<vmem>>) semaphore(%arg18 : memref<!tpu.dma_semaphore, #tpu.memory_space<semaphore_mem>>) {add = true}
      %dma_wait3A_333 = arith.constant 0 : i32
      %dma_wait3A_334 = arith.constant 0 : i32
      %dma_wait3A_335 = tpu.memref_slice %arg16[%dma_wait3A_333, %dma_wait3A_334] : memref<10240x128xf32, #tpu.memory_space<vmem_shared>> -> memref<10240x128xf32, #tpu.memory_space<vmem_shared>>
      tpu.wait_indirect_dma semaphore(%arg18 : memref<!tpu.dma_semaphore, #tpu.memory_space<semaphore_mem>>) src(%arg13 : memref<80x128xf32, #tpu.memory_space<vmem>>) dst(%dma_wait3A_335 : memref<10240x128xf32, #tpu.memory_space<vmem_shared>>)
      %add3A_336 = arith.constant 2 : i32
      %add3A_337 = arith.addi %add3A_326, %add3A_336 : i32
      %min3A = arith.constant 124 : i32
      %min3A_338 = arith.minsi %add3A_337, %min3A : i32
      %get3A_339 = arith.index_cast %min3A_338 : i32 to index
      %get3A_340 = arith.constant 0 : index
      %get3A_341 = tpu.vector_load %arg6[%get3A_339, %get3A_340] {strides = array<i32>} : memref<125x80xi32, #tpu.memory_space<vmem>>, vector<1x16xi32>,
      %get3A_342 = vector.shape_cast %get3A_341 : vector<1x16xi32> to vector<16xi32>
      %and3A_343 = arith.constant 65535 : i32
      %and3A_344 = vector.broadcast %and3A_343 : i32 to vector<16xi32>
      %and3A_345 = arith.andi %get3A_342, %and3A_344 : vector<16xi32>
      %swap3A_346 = arith.constant 0 : index
      %swap3A_347 = tpu.vector_load %arg7[%swap3A_346] {strides = array<i32>} : memref<80xi32, #tpu.memory_space<vmem>>, vector<16xi32>,
      %swap3A_348 = vector.shape_cast %swap3A_347 : vector<16xi32> to vector<16xi32>
      %swap3A_349 = vector.shape_cast %and3A_345 : vector<16xi32> to vector<16xi32>
      tpu.vector_store %arg7[%swap3A_346], %swap3A_349 {strides = array<i32>} : memref<80xi32, #tpu.memory_space<vmem>>, vector<16xi32>,
      %shift_right_logical3A_350 = arith.constant 16 : i32
      %shift_right_logical3A_351 = vector.broadcast %shift_right_logical3A_350 : i32 to vector<16xi32>
      %shift_right_logical3A_352 = arith.shrui %get3A_342, %shift_right_logical3A_351 : vector<16xi32>
      %swap3A_353 = arith.constant 0 : index
      %swap3A_354 = tpu.vector_load %arg10[%swap3A_353] {strides = array<i32>} : memref<80xi32, #tpu.memory_space<vmem>>, vector<16xi32>,
      %swap3A_355 = vector.shape_cast %swap3A_354 : vector<16xi32> to vector<16xi32>
      %swap3A_356 = vector.shape_cast %shift_right_logical3A_352 : vector<16xi32> to vector<16xi32>
      tpu.vector_store %arg10[%swap3A_353], %swap3A_356 {strides = array<i32>} : memref<80xi32, #tpu.memory_space<vmem>>, vector<16xi32>,
      %get3A_357 = arith.index_cast %min3A_338 : i32 to index
      %get3A_358 = arith.constant 16 : index
      %get3A_359 = tpu.vector_load %arg6[%get3A_357, %get3A_358] {strides = array<i32>} : memref<125x80xi32, #tpu.memory_space<vmem>>, vector<1x16xi32>,
      %get3A_360 = vector.shape_cast %get3A_359 : vector<1x16xi32> to vector<16xi32>
      %and3A_361 = arith.constant 65535 : i32
      %and3A_362 = vector.broadcast %and3A_361 : i32 to vector<16xi32>
      %and3A_363 = arith.andi %get3A_360, %and3A_362 : vector<16xi32>
      %swap3A_364 = arith.constant 16 : index
      %swap3A_365 = tpu.vector_load %arg7[%swap3A_364] {strides = array<i32>} : memref<80xi32, #tpu.memory_space<vmem>>, vector<16xi32>,
      %swap3A_366 = vector.shape_cast %swap3A_365 : vector<16xi32> to vector<16xi32>
      %swap3A_367 = vector.shape_cast %and3A_363 : vector<16xi32> to vector<16xi32>
      tpu.vector_store %arg7[%swap3A_364], %swap3A_367 {strides = array<i32>} : memref<80xi32, #tpu.memory_space<vmem>>, vector<16xi32>,
      %shift_right_logical3A_368 = arith.constant 16 : i32
      %shift_right_logical3A_369 = vector.broadcast %shift_right_logical3A_368 : i32 to vector<16xi32>
      %shift_right_logical3A_370 = arith.shrui %get3A_360, %shift_right_logical3A_369 : vector<16xi32>
      %swap3A_371 = arith.constant 16 : index
      %swap3A_372 = tpu.vector_load %arg10[%swap3A_371] {strides = array<i32>} : memref<80xi32, #tpu.memory_space<vmem>>, vector<16xi32>,
      %swap3A_373 = vector.shape_cast %swap3A_372 : vector<16xi32> to vector<16xi32>
      %swap3A_374 = vector.shape_cast %shift_right_logical3A_370 : vector<16xi32> to vector<16xi32>
      tpu.vector_store %arg10[%swap3A_371], %swap3A_374 {strides = array<i32>} : memref<80xi32, #tpu.memory_space<vmem>>, vector<16xi32>,
      %get3A_375 = arith.index_cast %min3A_338 : i32 to index
      %get3A_376 = arith.constant 32 : index
      %get3A_377 = tpu.vector_load %arg6[%get3A_375, %get3A_376] {strides = array<i32>} : memref<125x80xi32, #tpu.memory_space<vmem>>, vector<1x16xi32>,
      %get3A_378 = vector.shape_cast %get3A_377 : vector<1x16xi32> to vector<16xi32>
      %and3A_379 = arith.constant 65535 : i32
      %and3A_380 = vector.broadcast %and3A_379 : i32 to vector<16xi32>
      %and3A_381 = arith.andi %get3A_378, %and3A_380 : vector<16xi32>
      %swap3A_382 = arith.constant 32 : index
      %swap3A_383 = tpu.vector_load %arg7[%swap3A_382] {strides = array<i32>} : memref<80xi32, #tpu.memory_space<vmem>>, vector<16xi32>,
      %swap3A_384 = vector.shape_cast %swap3A_383 : vector<16xi32> to vector<16xi32>
      %swap3A_385 = vector.shape_cast %and3A_381 : vector<16xi32> to vector<16xi32>
      tpu.vector_store %arg7[%swap3A_382], %swap3A_385 {strides = array<i32>} : memref<80xi32, #tpu.memory_space<vmem>>, vector<16xi32>,
      %shift_right_logical3A_386 = arith.constant 16 : i32
      %shift_right_logical3A_387 = vector.broadcast %shift_right_logical3A_386 : i32 to vector<16xi32>
      %shift_right_logical3A_388 = arith.shrui %get3A_378, %shift_right_logical3A_387 : vector<16xi32>
      %swap3A_389 = arith.constant 32 : index
      %swap3A_390 = tpu.vector_load %arg10[%swap3A_389] {strides = array<i32>} : memref<80xi32, #tpu.memory_space<vmem>>, vector<16xi32>,
      %swap3A_391 = vector.shape_cast %swap3A_390 : vector<16xi32> to vector<16xi32>
      %swap3A_392 = vector.shape_cast %shift_right_logical3A_388 : vector<16xi32> to vector<16xi32>
      tpu.vector_store %arg10[%swap3A_389], %swap3A_392 {strides = array<i32>} : memref<80xi32, #tpu.memory_space<vmem>>, vector<16xi32>,
      %get3A_393 = arith.index_cast %min3A_338 : i32 to index
      %get3A_394 = arith.constant 48 : index
      %get3A_395 = tpu.vector_load %arg6[%get3A_393, %get3A_394] {strides = array<i32>} : memref<125x80xi32, #tpu.memory_space<vmem>>, vector<1x16xi32>,
      %get3A_396 = vector.shape_cast %get3A_395 : vector<1x16xi32> to vector<16xi32>
      %and3A_397 = arith.constant 65535 : i32
      %and3A_398 = vector.broadcast %and3A_397 : i32 to vector<16xi32>
      %and3A_399 = arith.andi %get3A_396, %and3A_398 : vector<16xi32>
      %swap3A_400 = arith.constant 48 : index
      %swap3A_401 = tpu.vector_load %arg7[%swap3A_400] {strides = array<i32>} : memref<80xi32, #tpu.memory_space<vmem>>, vector<16xi32>,
      %swap3A_402 = vector.shape_cast %swap3A_401 : vector<16xi32> to vector<16xi32>
      %swap3A_403 = vector.shape_cast %and3A_399 : vector<16xi32> to vector<16xi32>
      tpu.vector_store %arg7[%swap3A_400], %swap3A_403 {strides = array<i32>} : memref<80xi32, #tpu.memory_space<vmem>>, vector<16xi32>,
      %shift_right_logical3A_404 = arith.constant 16 : i32
      %shift_right_logical3A_405 = vector.broadcast %shift_right_logical3A_404 : i32 to vector<16xi32>
      %shift_right_logical3A_406 = arith.shrui %get3A_396, %shift_right_logical3A_405 : vector<16xi32>
      %swap3A_407 = arith.constant 48 : index
      %swap3A_408 = tpu.vector_load %arg10[%swap3A_407] {strides = array<i32>} : memref<80xi32, #tpu.memory_space<vmem>>, vector<16xi32>,
      %swap3A_409 = vector.shape_cast %swap3A_408 : vector<16xi32> to vector<16xi32>
      %swap3A_410 = vector.shape_cast %shift_right_logical3A_406 : vector<16xi32> to vector<16xi32>
      tpu.vector_store %arg10[%swap3A_407], %swap3A_410 {strides = array<i32>} : memref<80xi32, #tpu.memory_space<vmem>>, vector<16xi32>,
      %get3A_411 = arith.index_cast %min3A_338 : i32 to index
      %get3A_412 = arith.constant 64 : index
      %get3A_413 = tpu.vector_load %arg6[%get3A_411, %get3A_412] {strides = array<i32>} : memref<125x80xi32, #tpu.memory_space<vmem>>, vector<1x16xi32>,
      %get3A_414 = vector.shape_cast %get3A_413 : vector<1x16xi32> to vector<16xi32>
      %and3A_415 = arith.constant 65535 : i32
      %and3A_416 = vector.broadcast %and3A_415 : i32 to vector<16xi32>
      %and3A_417 = arith.andi %get3A_414, %and3A_416 : vector<16xi32>
      %swap3A_418 = arith.constant 64 : index
      %swap3A_419 = tpu.vector_load %arg7[%swap3A_418] {strides = array<i32>} : memref<80xi32, #tpu.memory_space<vmem>>, vector<16xi32>,
      %swap3A_420 = vector.shape_cast %swap3A_419 : vector<16xi32> to vector<16xi32>
      %swap3A_421 = vector.shape_cast %and3A_417 : vector<16xi32> to vector<16xi32>
      tpu.vector_store %arg7[%swap3A_418], %swap3A_421 {strides = array<i32>} : memref<80xi32, #tpu.memory_space<vmem>>, vector<16xi32>,
      %shift_right_logical3A_422 = arith.constant 16 : i32
      %shift_right_logical3A_423 = vector.broadcast %shift_right_logical3A_422 : i32 to vector<16xi32>
      %shift_right_logical3A_424 = arith.shrui %get3A_414, %shift_right_logical3A_423 : vector<16xi32>
      %swap3A_425 = arith.constant 64 : index
      %swap3A_426 = tpu.vector_load %arg10[%swap3A_425] {strides = array<i32>} : memref<80xi32, #tpu.memory_space<vmem>>, vector<16xi32>,
      %swap3A_427 = vector.shape_cast %swap3A_426 : vector<16xi32> to vector<16xi32>
      %swap3A_428 = vector.shape_cast %shift_right_logical3A_424 : vector<16xi32> to vector<16xi32>
      tpu.vector_store %arg10[%swap3A_425], %swap3A_428 {strides = array<i32>} : memref<80xi32, #tpu.memory_space<vmem>>, vector<16xi32>,
      %dma_start3A_429 = arith.constant 0 : i32
      %dma_start3A_430 = arith.constant 0 : i32
      %dma_start3A_431 = tpu.memref_slice %arg2[%dma_start3A_429, %dma_start3A_430] : memref<10000x128xf32, #tpu.memory_space<hbm>> -> memref<10000x128xf32, #tpu.memory_space<hbm>>
      tpu.enqueue_indirect_dma source(%dma_start3A_431 : memref<10000x128xf32, #tpu.memory_space<hbm>>) target(%arg13 : memref<80x128xf32, #tpu.memory_space<vmem>>) offsets(%arg7 : memref<80xi32, #tpu.memory_space<vmem>>) semaphore(%arg17 : memref<!tpu.dma_semaphore, #tpu.memory_space<semaphore_mem>>)
      %mul3A_432 = arith.constant 3 : i32
      %mul3A_433 = arith.muli %mul3A_432, %scan3A_319 : i32
      %add3A_434 = arith.constant 1 : i32
      %add3A_435 = arith.addi %mul3A_433, %add3A_434 : i32
      %add3A_436 = arith.constant 1 : i32
      %add3A_437 = arith.addi %add3A_435, %add3A_436 : i32
      %dma_wait3A_438 = arith.constant 0 : i32
      %dma_wait3A_439 = arith.constant 0 : i32
      %dma_wait3A_440 = tpu.memref_slice %arg2[%dma_wait3A_438, %dma_wait3A_439] : memref<10000x128xf32, #tpu.memory_space<hbm>> -> memref<10000x128xf32, #tpu.memory_space<hbm>>
      tpu.wait_indirect_dma semaphore(%arg17 : memref<!tpu.dma_semaphore, #tpu.memory_space<semaphore_mem>>) src(%dma_wait3A_440 : memref<10000x128xf32, #tpu.memory_space<hbm>>) dst(%arg15 : memref<80x128xf32, #tpu.memory_space<vmem>>)
      %dma_start3A_441 = arith.constant 0 : i32
      %dma_start3A_442 = arith.constant 0 : i32
      %dma_start3A_443 = tpu.memref_slice %arg16[%dma_start3A_441, %dma_start3A_442] : memref<10240x128xf32, #tpu.memory_space<vmem_shared>> -> memref<10240x128xf32, #tpu.memory_space<vmem_shared>>
      tpu.enqueue_indirect_dma source(%arg15 : memref<80x128xf32, #tpu.memory_space<vmem>>) target(%dma_start3A_443 : memref<10240x128xf32, #tpu.memory_space<vmem_shared>>) offsets(%arg12 : memref<80xi32, #tpu.memory_space<vmem>>) semaphore(%arg18 : memref<!tpu.dma_semaphore, #tpu.memory_space<semaphore_mem>>) {add = true}
      %dma_wait3A_444 = arith.constant 0 : i32
      %dma_wait3A_445 = arith.constant 0 : i32
      %dma_wait3A_446 = tpu.memref_slice %arg16[%dma_wait3A_444, %dma_wait3A_445] : memref<10240x128xf32, #tpu.memory_space<vmem_shared>> -> memref<10240x128xf32, #tpu.memory_space<vmem_shared>>
      tpu.wait_indirect_dma semaphore(%arg18 : memref<!tpu.dma_semaphore, #tpu.memory_space<semaphore_mem>>) src(%arg14 : memref<80x128xf32, #tpu.memory_space<vmem>>) dst(%dma_wait3A_446 : memref<10240x128xf32, #tpu.memory_space<vmem_shared>>)
      %add3A_447 = arith.constant 2 : i32
      %add3A_448 = arith.addi %add3A_437, %add3A_447 : i32
      %min3A_449 = arith.constant 124 : i32
      %min3A_450 = arith.minsi %add3A_448, %min3A_449 : i32
      %get3A_451 = arith.index_cast %min3A_450 : i32 to index
      %get3A_452 = arith.constant 0 : index
      %get3A_453 = tpu.vector_load %arg6[%get3A_451, %get3A_452] {strides = array<i32>} : memref<125x80xi32, #tpu.memory_space<vmem>>, vector<1x16xi32>,
      %get3A_454 = vector.shape_cast %get3A_453 : vector<1x16xi32> to vector<16xi32>
      %and3A_455 = arith.constant 65535 : i32
      %and3A_456 = vector.broadcast %and3A_455 : i32 to vector<16xi32>
      %and3A_457 = arith.andi %get3A_454, %and3A_456 : vector<16xi32>
      %swap3A_458 = arith.constant 0 : index
      %swap3A_459 = tpu.vector_load %arg8[%swap3A_458] {strides = array<i32>} : memref<80xi32, #tpu.memory_space<vmem>>, vector<16xi32>,
      %swap3A_460 = vector.shape_cast %swap3A_459 : vector<16xi32> to vector<16xi32>
      %swap3A_461 = vector.shape_cast %and3A_457 : vector<16xi32> to vector<16xi32>
      tpu.vector_store %arg8[%swap3A_458], %swap3A_461 {strides = array<i32>} : memref<80xi32, #tpu.memory_space<vmem>>, vector<16xi32>,
      %shift_right_logical3A_462 = arith.constant 16 : i32
      %shift_right_logical3A_463 = vector.broadcast %shift_right_logical3A_462 : i32 to vector<16xi32>
      %shift_right_logical3A_464 = arith.shrui %get3A_454, %shift_right_logical3A_463 : vector<16xi32>
      %swap3A_465 = arith.constant 0 : index
      %swap3A_466 = tpu.vector_load %arg11[%swap3A_465] {strides = array<i32>} : memref<80xi32, #tpu.memory_space<vmem>>, vector<16xi32>,
      %swap3A_467 = vector.shape_cast %swap3A_466 : vector<16xi32> to vector<16xi32>
      %swap3A_468 = vector.shape_cast %shift_right_logical3A_464 : vector<16xi32> to vector<16xi32>
      tpu.vector_store %arg11[%swap3A_465], %swap3A_468 {strides = array<i32>} : memref<80xi32, #tpu.memory_space<vmem>>, vector<16xi32>,
      %get3A_469 = arith.index_cast %min3A_450 : i32 to index
      %get3A_470 = arith.constant 16 : index
      %get3A_471 = tpu.vector_load %arg6[%get3A_469, %get3A_470] {strides = array<i32>} : memref<125x80xi32, #tpu.memory_space<vmem>>, vector<1x16xi32>,
      %get3A_472 = vector.shape_cast %get3A_471 : vector<1x16xi32> to vector<16xi32>
      %and3A_473 = arith.constant 65535 : i32
      %and3A_474 = vector.broadcast %and3A_473 : i32 to vector<16xi32>
      %and3A_475 = arith.andi %get3A_472, %and3A_474 : vector<16xi32>
      %swap3A_476 = arith.constant 16 : index
      %swap3A_477 = tpu.vector_load %arg8[%swap3A_476] {strides = array<i32>} : memref<80xi32, #tpu.memory_space<vmem>>, vector<16xi32>,
      %swap3A_478 = vector.shape_cast %swap3A_477 : vector<16xi32> to vector<16xi32>
      %swap3A_479 = vector.shape_cast %and3A_475 : vector<16xi32> to vector<16xi32>
      tpu.vector_store %arg8[%swap3A_476], %swap3A_479 {strides = array<i32>} : memref<80xi32, #tpu.memory_space<vmem>>, vector<16xi32>,
      %shift_right_logical3A_480 = arith.constant 16 : i32
      %shift_right_logical3A_481 = vector.broadcast %shift_right_logical3A_480 : i32 to vector<16xi32>
      %shift_right_logical3A_482 = arith.shrui %get3A_472, %shift_right_logical3A_481 : vector<16xi32>
      %swap3A_483 = arith.constant 16 : index
      %swap3A_484 = tpu.vector_load %arg11[%swap3A_483] {strides = array<i32>} : memref<80xi32, #tpu.memory_space<vmem>>, vector<16xi32>,
      %swap3A_485 = vector.shape_cast %swap3A_484 : vector<16xi32> to vector<16xi32>
      %swap3A_486 = vector.shape_cast %shift_right_logical3A_482 : vector<16xi32> to vector<16xi32>
      tpu.vector_store %arg11[%swap3A_483], %swap3A_486 {strides = array<i32>} : memref<80xi32, #tpu.memory_space<vmem>>, vector<16xi32>,
      %get3A_487 = arith.index_cast %min3A_450 : i32 to index
      %get3A_488 = arith.constant 32 : index
      %get3A_489 = tpu.vector_load %arg6[%get3A_487, %get3A_488] {strides = array<i32>} : memref<125x80xi32, #tpu.memory_space<vmem>>, vector<1x16xi32>,
      %get3A_490 = vector.shape_cast %get3A_489 : vector<1x16xi32> to vector<16xi32>
      %and3A_491 = arith.constant 65535 : i32
      %and3A_492 = vector.broadcast %and3A_491 : i32 to vector<16xi32>
      %and3A_493 = arith.andi %get3A_490, %and3A_492 : vector<16xi32>
      %swap3A_494 = arith.constant 32 : index
      %swap3A_495 = tpu.vector_load %arg8[%swap3A_494] {strides = array<i32>} : memref<80xi32, #tpu.memory_space<vmem>>, vector<16xi32>,
      %swap3A_496 = vector.shape_cast %swap3A_495 : vector<16xi32> to vector<16xi32>
      %swap3A_497 = vector.shape_cast %and3A_493 : vector<16xi32> to vector<16xi32>
      tpu.vector_store %arg8[%swap3A_494], %swap3A_497 {strides = array<i32>} : memref<80xi32, #tpu.memory_space<vmem>>, vector<16xi32>,
      %shift_right_logical3A_498 = arith.constant 16 : i32
      %shift_right_logical3A_499 = vector.broadcast %shift_right_logical3A_498 : i32 to vector<16xi32>
      %shift_right_logical3A_500 = arith.shrui %get3A_490, %shift_right_logical3A_499 : vector<16xi32>
      %swap3A_501 = arith.constant 32 : index
      %swap3A_502 = tpu.vector_load %arg11[%swap3A_501] {strides = array<i32>} : memref<80xi32, #tpu.memory_space<vmem>>, vector<16xi32>,
      %swap3A_503 = vector.shape_cast %swap3A_502 : vector<16xi32> to vector<16xi32>
      %swap3A_504 = vector.shape_cast %shift_right_logical3A_500 : vector<16xi32> to vector<16xi32>
      tpu.vector_store %arg11[%swap3A_501], %swap3A_504 {strides = array<i32>} : memref<80xi32, #tpu.memory_space<vmem>>, vector<16xi32>,
      %get3A_505 = arith.index_cast %min3A_450 : i32 to index
      %get3A_506 = arith.constant 48 : index
      %get3A_507 = tpu.vector_load %arg6[%get3A_505, %get3A_506] {strides = array<i32>} : memref<125x80xi32, #tpu.memory_space<vmem>>, vector<1x16xi32>,
      %get3A_508 = vector.shape_cast %get3A_507 : vector<1x16xi32> to vector<16xi32>
      %and3A_509 = arith.constant 65535 : i32
      %and3A_510 = vector.broadcast %and3A_509 : i32 to vector<16xi32>
      %and3A_511 = arith.andi %get3A_508, %and3A_510 : vector<16xi32>
      %swap3A_512 = arith.constant 48 : index
      %swap3A_513 = tpu.vector_load %arg8[%swap3A_512] {strides = array<i32>} : memref<80xi32, #tpu.memory_space<vmem>>, vector<16xi32>,
      %swap3A_514 = vector.shape_cast %swap3A_513 : vector<16xi32> to vector<16xi32>
      %swap3A_515 = vector.shape_cast %and3A_511 : vector<16xi32> to vector<16xi32>
      tpu.vector_store %arg8[%swap3A_512], %swap3A_515 {strides = array<i32>} : memref<80xi32, #tpu.memory_space<vmem>>, vector<16xi32>,
      %shift_right_logical3A_516 = arith.constant 16 : i32
      %shift_right_logical3A_517 = vector.broadcast %shift_right_logical3A_516 : i32 to vector<16xi32>
      %shift_right_logical3A_518 = arith.shrui %get3A_508, %shift_right_logical3A_517 : vector<16xi32>
      %swap3A_519 = arith.constant 48 : index
      %swap3A_520 = tpu.vector_load %arg11[%swap3A_519] {strides = array<i32>} : memref<80xi32, #tpu.memory_space<vmem>>, vector<16xi32>,
      %swap3A_521 = vector.shape_cast %swap3A_520 : vector<16xi32> to vector<16xi32>
      %swap3A_522 = vector.shape_cast %shift_right_logical3A_518 : vector<16xi32> to vector<16xi32>
      tpu.vector_store %arg11[%swap3A_519], %swap3A_522 {strides = array<i32>} : memref<80xi32, #tpu.memory_space<vmem>>, vector<16xi32>,
      %get3A_523 = arith.index_cast %min3A_450 : i32 to index
      %get3A_524 = arith.constant 64 : index
      %get3A_525 = tpu.vector_load %arg6[%get3A_523, %get3A_524] {strides = array<i32>} : memref<125x80xi32, #tpu.memory_space<vmem>>, vector<1x16xi32>,
      %get3A_526 = vector.shape_cast %get3A_525 : vector<1x16xi32> to vector<16xi32>
      %and3A_527 = arith.constant 65535 : i32
      %and3A_528 = vector.broadcast %and3A_527 : i32 to vector<16xi32>
      %and3A_529 = arith.andi %get3A_526, %and3A_528 : vector<16xi32>
      %swap3A_530 = arith.constant 64 : index
      %swap3A_531 = tpu.vector_load %arg8[%swap3A_530] {strides = array<i32>} : memref<80xi32, #tpu.memory_space<vmem>>, vector<16xi32>,
      %swap3A_532 = vector.shape_cast %swap3A_531 : vector<16xi32> to vector<16xi32>
      %swap3A_533 = vector.shape_cast %and3A_529 : vector<16xi32> to vector<16xi32>
      tpu.vector_store %arg8[%swap3A_530], %swap3A_533 {strides = array<i32>} : memref<80xi32, #tpu.memory_space<vmem>>, vector<16xi32>,
      %shift_right_logical3A_534 = arith.constant 16 : i32
      %shift_right_logical3A_535 = vector.broadcast %shift_right_logical3A_534 : i32 to vector<16xi32>
      %shift_right_logical3A_536 = arith.shrui %get3A_526, %shift_right_logical3A_535 : vector<16xi32>
      %swap3A_537 = arith.constant 64 : index
      %swap3A_538 = tpu.vector_load %arg11[%swap3A_537] {strides = array<i32>} : memref<80xi32, #tpu.memory_space<vmem>>, vector<16xi32>,
      %swap3A_539 = vector.shape_cast %swap3A_538 : vector<16xi32> to vector<16xi32>
      %swap3A_540 = vector.shape_cast %shift_right_logical3A_536 : vector<16xi32> to vector<16xi32>
      tpu.vector_store %arg11[%swap3A_537], %swap3A_540 {strides = array<i32>} : memref<80xi32, #tpu.memory_space<vmem>>, vector<16xi32>,
      %dma_start3A_541 = arith.constant 0 : i32
      %dma_start3A_542 = arith.constant 0 : i32
      %dma_start3A_543 = tpu.memref_slice %arg2[%dma_start3A_541, %dma_start3A_542] : memref<10000x128xf32, #tpu.memory_space<hbm>> -> memref<10000x128xf32, #tpu.memory_space<hbm>>
      tpu.enqueue_indirect_dma source(%dma_start3A_543 : memref<10000x128xf32, #tpu.memory_space<hbm>>) target(%arg14 : memref<80x128xf32, #tpu.memory_space<vmem>>) offsets(%arg8 : memref<80xi32, #tpu.memory_space<vmem>>) semaphore(%arg17 : memref<!tpu.dma_semaphore, #tpu.memory_space<semaphore_mem>>)
      %mul3A_544 = arith.constant 3 : i32
      %mul3A_545 = arith.muli %mul3A_544, %scan3A_319 : i32
      %add3A_546 = arith.constant 1 : i32
      %add3A_547 = arith.addi %mul3A_545, %add3A_546 : i32
      %add3A_548 = arith.constant 2 : i32
      %add3A_549 = arith.addi %add3A_547, %add3A_548 : i32
      %dma_wait3A_550 = arith.constant 0 : i32
      %dma_wait3A_551 = arith.constant 0 : i32
      %dma_wait3A_552 = tpu.memref_slice %arg2[%dma_wait3A_550, %dma_wait3A_551] : memref<10000x128xf32, #tpu.memory_space<hbm>> -> memref<10000x128xf32, #tpu.memory_space<hbm>>
      tpu.wait_indirect_dma semaphore(%arg17 : memref<!tpu.dma_semaphore, #tpu.memory_space<semaphore_mem>>) src(%dma_wait3A_552 : memref<10000x128xf32, #tpu.memory_space<hbm>>) dst(%arg13 : memref<80x128xf32, #tpu.memory_space<vmem>>)
      %dma_start3A_553 = arith.constant 0 : i32
      %dma_start3A_554 = arith.constant 0 : i32
      %dma_start3A_555 = tpu.memref_slice %arg16[%dma_start3A_553, %dma_start3A_554] : memref<10240x128xf32, #tpu.memory_space<vmem_shared>> -> memref<10240x128xf32, #tpu.memory_space<vmem_shared>>
      tpu.enqueue_indirect_dma source(%arg13 : memref<80x128xf32, #tpu.memory_space<vmem>>) target(%dma_start3A_555 : memref<10240x128xf32, #tpu.memory_space<vmem_shared>>) offsets(%arg10 : memref<80xi32, #tpu.memory_space<vmem>>) semaphore(%arg18 : memref<!tpu.dma_semaphore, #tpu.memory_space<semaphore_mem>>) {add = true}
      %dma_wait3A_556 = arith.constant 0 : i32
      %dma_wait3A_557 = arith.constant 0 : i32
      %dma_wait3A_558 = tpu.memref_slice %arg16[%dma_wait3A_556, %dma_wait3A_557] : memref<10240x128xf32, #tpu.memory_space<vmem_shared>> -> memref<10240x128xf32, #tpu.memory_space<vmem_shared>>
      tpu.wait_indirect_dma semaphore(%arg18 : memref<!tpu.dma_semaphore, #tpu.memory_space<semaphore_mem>>) src(%arg15 : memref<80x128xf32, #tpu.memory_space<vmem>>) dst(%dma_wait3A_558 : memref<10240x128xf32, #tpu.memory_space<vmem_shared>>)
      %add3A_559 = arith.constant 2 : i32
      %add3A_560 = arith.addi %add3A_549, %add3A_559 : i32
      %min3A_561 = arith.constant 124 : i32
      %min3A_562 = arith.minsi %add3A_560, %min3A_561 : i32
      %get3A_563 = arith.index_cast %min3A_562 : i32 to index
      %get3A_564 = arith.constant 0 : index
      %get3A_565 = tpu.vector_load %arg6[%get3A_563, %get3A_564] {strides = array<i32>} : memref<125x80xi32, #tpu.memory_space<vmem>>, vector<1x16xi32>,
      %get3A_566 = vector.shape_cast %get3A_565 : vector<1x16xi32> to vector<16xi32>
      %and3A_567 = arith.constant 65535 : i32
      %and3A_568 = vector.broadcast %and3A_567 : i32 to vector<16xi32>
      %and3A_569 = arith.andi %get3A_566, %and3A_568 : vector<16xi32>
      %swap3A_570 = arith.constant 0 : index
      %swap3A_571 = tpu.vector_load %arg9[%swap3A_570] {strides = array<i32>} : memref<80xi32, #tpu.memory_space<vmem>>, vector<16xi32>,
      %swap3A_572 = vector.shape_cast %swap3A_571 : vector<16xi32> to vector<16xi32>
      %swap3A_573 = vector.shape_cast %and3A_569 : vector<16xi32> to vector<16xi32>
      tpu.vector_store %arg9[%swap3A_570], %swap3A_573 {strides = array<i32>} : memref<80xi32, #tpu.memory_space<vmem>>, vector<16xi32>,
      %shift_right_logical3A_574 = arith.constant 16 : i32
      %shift_right_logical3A_575 = vector.broadcast %shift_right_logical3A_574 : i32 to vector<16xi32>
      %shift_right_logical3A_576 = arith.shrui %get3A_566, %shift_right_logical3A_575 : vector<16xi32>
      %swap3A_577 = arith.constant 0 : index
      %swap3A_578 = tpu.vector_load %arg12[%swap3A_577] {strides = array<i32>} : memref<80xi32, #tpu.memory_space<vmem>>, vector<16xi32>,
      %swap3A_579 = vector.shape_cast %swap3A_578 : vector<16xi32> to vector<16xi32>
      %swap3A_580 = vector.shape_cast %shift_right_logical3A_576 : vector<16xi32> to vector<16xi32>
      tpu.vector_store %arg12[%swap3A_577], %swap3A_580 {strides = array<i32>} : memref<80xi32, #tpu.memory_space<vmem>>, vector<16xi32>,
      %get3A_581 = arith.index_cast %min3A_562 : i32 to index
      %get3A_582 = arith.constant 16 : index
      %get3A_583 = tpu.vector_load %arg6[%get3A_581, %get3A_582] {strides = array<i32>} : memref<125x80xi32, #tpu.memory_space<vmem>>, vector<1x16xi32>,
      %get3A_584 = vector.shape_cast %get3A_583 : vector<1x16xi32> to vector<16xi32>
      %and3A_585 = arith.constant 65535 : i32
      %and3A_586 = vector.broadcast %and3A_585 : i32 to vector<16xi32>
      %and3A_587 = arith.andi %get3A_584, %and3A_586 : vector<16xi32>
      %swap3A_588 = arith.constant 16 : index
      %swap3A_589 = tpu.vector_load %arg9[%swap3A_588] {strides = array<i32>} : memref<80xi32, #tpu.memory_space<vmem>>, vector<16xi32>,
      %swap3A_590 = vector.shape_cast %swap3A_589 : vector<16xi32> to vector<16xi32>
      %swap3A_591 = vector.shape_cast %and3A_587 : vector<16xi32> to vector<16xi32>
      tpu.vector_store %arg9[%swap3A_588], %swap3A_591 {strides = array<i32>} : memref<80xi32, #tpu.memory_space<vmem>>, vector<16xi32>,
      %shift_right_logical3A_592 = arith.constant 16 : i32
      %shift_right_logical3A_593 = vector.broadcast %shift_right_logical3A_592 : i32 to vector<16xi32>
      %shift_right_logical3A_594 = arith.shrui %get3A_584, %shift_right_logical3A_593 : vector<16xi32>
      %swap3A_595 = arith.constant 16 : index
      %swap3A_596 = tpu.vector_load %arg12[%swap3A_595] {strides = array<i32>} : memref<80xi32, #tpu.memory_space<vmem>>, vector<16xi32>,
      %swap3A_597 = vector.shape_cast %swap3A_596 : vector<16xi32> to vector<16xi32>
      %swap3A_598 = vector.shape_cast %shift_right_logical3A_594 : vector<16xi32> to vector<16xi32>
      tpu.vector_store %arg12[%swap3A_595], %swap3A_598 {strides = array<i32>} : memref<80xi32, #tpu.memory_space<vmem>>, vector<16xi32>,
      %get3A_599 = arith.index_cast %min3A_562 : i32 to index
      %get3A_600 = arith.constant 32 : index
      %get3A_601 = tpu.vector_load %arg6[%get3A_599, %get3A_600] {strides = array<i32>} : memref<125x80xi32, #tpu.memory_space<vmem>>, vector<1x16xi32>,
      %get3A_602 = vector.shape_cast %get3A_601 : vector<1x16xi32> to vector<16xi32>
      %and3A_603 = arith.constant 65535 : i32
      %and3A_604 = vector.broadcast %and3A_603 : i32 to vector<16xi32>
      %and3A_605 = arith.andi %get3A_602, %and3A_604 : vector<16xi32>
      %swap3A_606 = arith.constant 32 : index
      %swap3A_607 = tpu.vector_load %arg9[%swap3A_606] {strides = array<i32>} : memref<80xi32, #tpu.memory_space<vmem>>, vector<16xi32>,
      %swap3A_608 = vector.shape_cast %swap3A_607 : vector<16xi32> to vector<16xi32>
      %swap3A_609 = vector.shape_cast %and3A_605 : vector<16xi32> to vector<16xi32>
      tpu.vector_store %arg9[%swap3A_606], %swap3A_609 {strides = array<i32>} : memref<80xi32, #tpu.memory_space<vmem>>, vector<16xi32>,
      %shift_right_logical3A_610 = arith.constant 16 : i32
      %shift_right_logical3A_611 = vector.broadcast %shift_right_logical3A_610 : i32 to vector<16xi32>
      %shift_right_logical3A_612 = arith.shrui %get3A_602, %shift_right_logical3A_611 : vector<16xi32>
      %swap3A_613 = arith.constant 32 : index
      %swap3A_614 = tpu.vector_load %arg12[%swap3A_613] {strides = array<i32>} : memref<80xi32, #tpu.memory_space<vmem>>, vector<16xi32>,
      %swap3A_615 = vector.shape_cast %swap3A_614 : vector<16xi32> to vector<16xi32>
      %swap3A_616 = vector.shape_cast %shift_right_logical3A_612 : vector<16xi32> to vector<16xi32>
      tpu.vector_store %arg12[%swap3A_613], %swap3A_616 {strides = array<i32>} : memref<80xi32, #tpu.memory_space<vmem>>, vector<16xi32>,
      %get3A_617 = arith.index_cast %min3A_562 : i32 to index
      %get3A_618 = arith.constant 48 : index
      %get3A_619 = tpu.vector_load %arg6[%get3A_617, %get3A_618] {strides = array<i32>} : memref<125x80xi32, #tpu.memory_space<vmem>>, vector<1x16xi32>,
      %get3A_620 = vector.shape_cast %get3A_619 : vector<1x16xi32> to vector<16xi32>
      %and3A_621 = arith.constant 65535 : i32
      %and3A_622 = vector.broadcast %and3A_621 : i32 to vector<16xi32>
      %and3A_623 = arith.andi %get3A_620, %and3A_622 : vector<16xi32>
      %swap3A_624 = arith.constant 48 : index
      %swap3A_625 = tpu.vector_load %arg9[%swap3A_624] {strides = array<i32>} : memref<80xi32, #tpu.memory_space<vmem>>, vector<16xi32>,
      %swap3A_626 = vector.shape_cast %swap3A_625 : vector<16xi32> to vector<16xi32>
      %swap3A_627 = vector.shape_cast %and3A_623 : vector<16xi32> to vector<16xi32>
      tpu.vector_store %arg9[%swap3A_624], %swap3A_627 {strides = array<i32>} : memref<80xi32, #tpu.memory_space<vmem>>, vector<16xi32>,
      %shift_right_logical3A_628 = arith.constant 16 : i32
      %shift_right_logical3A_629 = vector.broadcast %shift_right_logical3A_628 : i32 to vector<16xi32>
      %shift_right_logical3A_630 = arith.shrui %get3A_620, %shift_right_logical3A_629 : vector<16xi32>
      %swap3A_631 = arith.constant 48 : index
      %swap3A_632 = tpu.vector_load %arg12[%swap3A_631] {strides = array<i32>} : memref<80xi32, #tpu.memory_space<vmem>>, vector<16xi32>,
      %swap3A_633 = vector.shape_cast %swap3A_632 : vector<16xi32> to vector<16xi32>
      %swap3A_634 = vector.shape_cast %shift_right_logical3A_630 : vector<16xi32> to vector<16xi32>
      tpu.vector_store %arg12[%swap3A_631], %swap3A_634 {strides = array<i32>} : memref<80xi32, #tpu.memory_space<vmem>>, vector<16xi32>,
      %get3A_635 = arith.index_cast %min3A_562 : i32 to index
      %get3A_636 = arith.constant 64 : index
      %get3A_637 = tpu.vector_load %arg6[%get3A_635, %get3A_636] {strides = array<i32>} : memref<125x80xi32, #tpu.memory_space<vmem>>, vector<1x16xi32>,
      %get3A_638 = vector.shape_cast %get3A_637 : vector<1x16xi32> to vector<16xi32>
      %and3A_639 = arith.constant 65535 : i32
      %and3A_640 = vector.broadcast %and3A_639 : i32 to vector<16xi32>
      %and3A_641 = arith.andi %get3A_638, %and3A_640 : vector<16xi32>
      %swap3A_642 = arith.constant 64 : index
      %swap3A_643 = tpu.vector_load %arg9[%swap3A_642] {strides = array<i32>} : memref<80xi32, #tpu.memory_space<vmem>>, vector<16xi32>,
      %swap3A_644 = vector.shape_cast %swap3A_643 : vector<16xi32> to vector<16xi32>
      %swap3A_645 = vector.shape_cast %and3A_641 : vector<16xi32> to vector<16xi32>
      tpu.vector_store %arg9[%swap3A_642], %swap3A_645 {strides = array<i32>} : memref<80xi32, #tpu.memory_space<vmem>>, vector<16xi32>,
      %shift_right_logical3A_646 = arith.constant 16 : i32
      %shift_right_logical3A_647 = vector.broadcast %shift_right_logical3A_646 : i32 to vector<16xi32>
      %shift_right_logical3A_648 = arith.shrui %get3A_638, %shift_right_logical3A_647 : vector<16xi32>
      %swap3A_649 = arith.constant 64 : index
      %swap3A_650 = tpu.vector_load %arg12[%swap3A_649] {strides = array<i32>} : memref<80xi32, #tpu.memory_space<vmem>>, vector<16xi32>,
      %swap3A_651 = vector.shape_cast %swap3A_650 : vector<16xi32> to vector<16xi32>
      %swap3A_652 = vector.shape_cast %shift_right_logical3A_648 : vector<16xi32> to vector<16xi32>
      tpu.vector_store %arg12[%swap3A_649], %swap3A_652 {strides = array<i32>} : memref<80xi32, #tpu.memory_space<vmem>>, vector<16xi32>,
      %dma_start3A_653 = arith.constant 0 : i32
      %dma_start3A_654 = arith.constant 0 : i32
      %dma_start3A_655 = tpu.memref_slice %arg2[%dma_start3A_653, %dma_start3A_654] : memref<10000x128xf32, #tpu.memory_space<hbm>> -> memref<10000x128xf32, #tpu.memory_space<hbm>>
      tpu.enqueue_indirect_dma source(%dma_start3A_655 : memref<10000x128xf32, #tpu.memory_space<hbm>>) target(%arg15 : memref<80x128xf32, #tpu.memory_space<vmem>>) offsets(%arg9 : memref<80xi32, #tpu.memory_space<vmem>>) semaphore(%arg17 : memref<!tpu.dma_semaphore, #tpu.memory_space<semaphore_mem>>)
      %scan3A_656 = arith.constant 0 : i32
      scf.yield %scan3A_656 : i32
    }
    %scan3A_302 = arith.constant 41 : i32
    %dma_wait3A_303 = arith.constant 0 : i32
    %dma_wait3A_304 = arith.constant 0 : i32
    %dma_wait3A_305 = tpu.memref_slice %arg2[%dma_wait3A_303, %dma_wait3A_304] : memref<10000x128xf32, #tpu.memory_space<hbm>> -> memref<10000x128xf32, #tpu.memory_space<hbm>>
    tpu.wait_indirect_dma semaphore(%arg17 : memref<!tpu.dma_semaphore, #tpu.memory_space<semaphore_mem>>) src(%dma_wait3A_305 : memref<10000x128xf32, #tpu.memory_space<hbm>>) dst(%arg14 : memref<80x128xf32, #tpu.memory_space<vmem>>)
    %dma_wait3A_306 = arith.constant 0 : i32
    %dma_wait3A_307 = arith.constant 0 : i32
    %dma_wait3A_308 = tpu.memref_slice %arg2[%dma_wait3A_306, %dma_wait3A_307] : memref<10000x128xf32, #tpu.memory_space<hbm>> -> memref<10000x128xf32, #tpu.memory_space<hbm>>
    tpu.wait_indirect_dma semaphore(%arg17 : memref<!tpu.dma_semaphore, #tpu.memory_space<semaphore_mem>>) src(%dma_wait3A_308 : memref<10000x128xf32, #tpu.memory_space<hbm>>) dst(%arg15 : memref<80x128xf32, #tpu.memory_space<vmem>>)
    %dma_start3A_309 = arith.constant 0 : i32
    %dma_start3A_310 = arith.constant 0 : i32
    %dma_start3A_311 = tpu.memref_slice %arg16[%dma_start3A_309, %dma_start3A_310] : memref<10240x128xf32, #tpu.memory_space<vmem_shared>> -> memref<10240x128xf32, #tpu.memory_space<vmem_shared>>
    tpu.enqueue_indirect_dma source(%arg14 : memref<80x128xf32, #tpu.memory_space<vmem>>) target(%dma_start3A_311 : memref<10240x128xf32, #tpu.memory_space<vmem_shared>>) offsets(%arg11 : memref<80xi32, #tpu.memory_space<vmem>>) semaphore(%arg18 : memref<!tpu.dma_semaphore, #tpu.memory_space<semaphore_mem>>) {add = true}
    %dma_wait3A_312 = arith.constant 0 : i32
    %dma_wait3A_313 = arith.constant 0 : i32
    %dma_wait3A_314 = tpu.memref_slice %arg16[%dma_wait3A_312, %dma_wait3A_313] : memref<10240x128xf32, #tpu.memory_space<vmem_shared>> -> memref<10240x128xf32, #tpu.memory_space<vmem_shared>>
    tpu.wait_indirect_dma semaphore(%arg18 : memref<!tpu.dma_semaphore, #tpu.memory_space<semaphore_mem>>) src(%arg13 : memref<80x128xf32, #tpu.memory_space<vmem>>) dst(%dma_wait3A_314 : memref<10240x128xf32, #tpu.memory_space<vmem_shared>>)
    %dma_wait3A_315 = arith.constant 0 : i32
    %dma_wait3A_316 = arith.constant 0 : i32
    %dma_wait3A_317 = tpu.memref_slice %arg16[%dma_wait3A_315, %dma_wait3A_316] : memref<10240x128xf32, #tpu.memory_space<vmem_shared>> -> memref<10240x128xf32, #tpu.memory_space<vmem_shared>>
    tpu.wait_indirect_dma semaphore(%arg18 : memref<!tpu.dma_semaphore, #tpu.memory_space<semaphore_mem>>) src(%arg14 : memref<80x128xf32, #tpu.memory_space<vmem>>) dst(%dma_wait3A_317 : memref<10240x128xf32, #tpu.memory_space<vmem_shared>>)
    %barrier3A_318 = arith.constant 0 : index
    tpu.barrier barrier_id(%barrier3A_318)
    "tpu.region"() ({
      %run_scoped3A = tpu.sem_alloc : memref<!tpu.dma_semaphore, #tpu.memory_space<semaphore_mem>>
      %dma_start3A_319 = arith.constant 0 : i32
      %dma_start3A_320 = tpu.memref_slice %arg5[%arg0, %mul3A_2, %dma_start3A_319] : memref<2x10240x128xf32, #tpu.memory_space<hbm>> -> memref<1x640x128xf32, #tpu.memory_space<hbm>>
      %dma_start3A_321 = tpu.memref_squeeze %dma_start3A_320 : memref<1x640x128xf32, #tpu.memory_space<hbm>> -> memref<640x128xf32, #tpu.memory_space<hbm>>
      %dma_start3A_322 = arith.constant 0 : i32
      %dma_start3A_323 = tpu.memref_slice %arg16[%mul3A_2, %dma_start3A_322] : memref<10240x128xf32, #tpu.memory_space<vmem_shared>> -> memref<640x128xf32, #tpu.memory_space<vmem_shared>>
      tpu.enqueue_dma source(%dma_start3A_323 : memref<640x128xf32, #tpu.memory_space<vmem_shared>>) target(%dma_start3A_321 : memref<640x128xf32, #tpu.memory_space<hbm>>) target_semaphore(%run_scoped3A : memref<!tpu.dma_semaphore, #tpu.memory_space<semaphore_mem>>)
      %dma_wait3A_324 = arith.constant 0 : i32
      %dma_wait3A_325 = tpu.memref_slice %arg5[%arg0, %mul3A_2, %dma_wait3A_324] : memref<2x10240x128xf32, #tpu.memory_space<hbm>> -> memref<1x640x128xf32, #tpu.memory_space<hbm>>
      %dma_wait3A_326 = tpu.memref_squeeze %dma_wait3A_325 : memref<1x640x128xf32, #tpu.memory_space<hbm>> -> memref<640x128xf32, #tpu.memory_space<hbm>>
      %dma_wait3A_327 = arith.constant 0 : i32
      %dma_wait3A_328 = tpu.memref_slice %arg16[%mul3A_2, %dma_wait3A_327] : memref<10240x128xf32, #tpu.memory_space<vmem_shared>> -> memref<640x128xf32, #tpu.memory_space<vmem_shared>>
      tpu.wait_dma2 semaphore(%run_scoped3A : memref<!tpu.dma_semaphore, #tpu.memory_space<semaphore_mem>>) src(%dma_wait3A_328 : memref<640x128xf32, #tpu.memory_space<vmem_shared>>) dst(%dma_wait3A_326 : memref<640x128xf32, #tpu.memory_space<hbm>>)
      tpu.yield
    }) : () -> ()
    return
  }
}

#map = affine_map<(d0, d1) -> (0, 0)>
#map1 = affine_map<(d0, d1) -> (0, 0, 0)>
module attributes {stable_mosaic.version = 14 : i64} {
  func.func @body(%arg0: i32, %arg1: i32, %arg2: memref<10000x128xf32, #tpu.memory_space<hbm>>, %arg3: memref<32x125x80xi32, #tpu.memory_space<hbm>>, %arg4: memref<640x128xf32, #tpu.memory_space<hbm>>, %arg5: memref<80x128xf32, #tpu.memory_space<hbm>>, %arg6: memref<2x10240x128xf32, #tpu.memory_space<hbm>>, %arg7: memref<2x10240x128xf32, #tpu.memory_space<hbm>>, %arg8: memref<125x80xi32, #tpu.memory_space<vmem>>, %arg9: memref<80xi32, #tpu.memory_space<vmem>>, %arg10: memref<80xi32, #tpu.memory_space<vmem>>, %arg11: memref<80xi32, #tpu.memory_space<vmem>>, %arg12: memref<80xi32, #tpu.memory_space<vmem>>, %arg13: memref<80xi32, #tpu.memory_space<vmem>>, %arg14: memref<80xi32, #tpu.memory_space<vmem>>, %arg15: memref<80x128xf32, #tpu.memory_space<vmem>>, %arg16: memref<80x128xf32, #tpu.memory_space<vmem>>, %arg17: memref<80x128xf32, #tpu.memory_space<vmem>>, %arg18: memref<10240x128xf32, #tpu.memory_space<vmem_shared>>, %arg19: memref<!tpu.dma_semaphore, #tpu.memory_space<semaphore_mem>>, %arg20: memref<!tpu.dma_semaphore, #tpu.memory_space<semaphore_mem>>) attributes {dimension_semantics = [#tpu.dimension_semantics<core_parallel>, #tpu.dimension_semantics<subcore_parallel>], iteration_bounds = array<i64: 2, 16>, scalar_prefetch = 0 : i64, scratch_operands = 13 : i64, tpu.core_type = #tpu.core_type<sc_vector_subcore>, window_params = [{transform_indices = #map}, {transform_indices = #map1}, {transform_indices = #map}, {transform_indices = #map}, {transform_indices = #map1}, {transform_indices = #map1}]} {
    %mul3A = arith.constant 2 : i32
    %mul3A_0 = arith.muli %arg1, %mul3A : i32
    %add3A = arith.addi %mul3A_0, %arg0 : i32
    "tpu.region"() ({
      %run_scoped3A = tpu.sem_alloc : memref<!tpu.dma_semaphore, #tpu.memory_space<semaphore_mem>>
      %dma_start3A_526 = arith.constant 0 : i32
      %dma_start3A_527 = arith.constant 0 : i32
      %dma_start3A_528 = tpu.memref_slice %arg3[%add3A, %dma_start3A_526, %dma_start3A_527] : memref<32x125x80xi32, #tpu.memory_space<hbm>> -> memref<1x125x80xi32, #tpu.memory_space<hbm>>
      %dma_start3A_529 = tpu.memref_squeeze %dma_start3A_528 : memref<1x125x80xi32, #tpu.memory_space<hbm>> -> memref<125x80xi32, #tpu.memory_space<hbm>>
      %dma_start3A_530 = arith.constant 0 : i32
      %dma_start3A_531 = arith.constant 0 : i32
      %dma_start3A_532 = tpu.memref_slice %arg3[%add3A, %dma_start3A_530, %dma_start3A_531] : memref<32x125x80xi32, #tpu.memory_space<hbm>> -> memref<1x125x80xi32, #tpu.memory_space<hbm>>
      %dma_start3A_533 = tpu.memref_squeeze %dma_start3A_532 : memref<1x125x80xi32, #tpu.memory_space<hbm>> -> memref<125x80xi32, #tpu.memory_space<hbm>>
      tpu.enqueue_dma source(%dma_start3A_533 : memref<125x80xi32, #tpu.memory_space<hbm>>) target(%arg8 : memref<125x80xi32, #tpu.memory_space<vmem>>) target_semaphore(%run_scoped3A : memref<!tpu.dma_semaphore, #tpu.memory_space<semaphore_mem>>)
      %dma_wait3A_534 = arith.constant 0 : i32
      %dma_wait3A_535 = arith.constant 0 : i32
      %dma_wait3A_536 = tpu.memref_slice %arg3[%add3A, %dma_wait3A_534, %dma_wait3A_535] : memref<32x125x80xi32, #tpu.memory_space<hbm>> -> memref<1x125x80xi32, #tpu.memory_space<hbm>>
      %dma_wait3A_537 = tpu.memref_squeeze %dma_wait3A_536 : memref<1x125x80xi32, #tpu.memory_space<hbm>> -> memref<125x80xi32, #tpu.memory_space<hbm>>
      %dma_wait3A_538 = arith.constant 0 : i32
      %dma_wait3A_539 = arith.constant 0 : i32
      %dma_wait3A_540 = tpu.memref_slice %arg3[%add3A, %dma_wait3A_538, %dma_wait3A_539] : memref<32x125x80xi32, #tpu.memory_space<hbm>> -> memref<1x125x80xi32, #tpu.memory_space<hbm>>
      %dma_wait3A_541 = tpu.memref_squeeze %dma_wait3A_540 : memref<1x125x80xi32, #tpu.memory_space<hbm>> -> memref<125x80xi32, #tpu.memory_space<hbm>>
      tpu.wait_dma2 semaphore(%run_scoped3A : memref<!tpu.dma_semaphore, #tpu.memory_space<semaphore_mem>>) src(%dma_wait3A_541 : memref<125x80xi32, #tpu.memory_space<hbm>>) dst(%arg8 : memref<125x80xi32, #tpu.memory_space<vmem>>)
      tpu.yield
    }) : () -> ()
    %mul3A_1 = arith.constant 640 : i32
    %mul3A_2 = arith.muli %arg1, %mul3A_1 : i32
    "tpu.region"() ({
      %run_scoped3A = tpu.sem_alloc : memref<!tpu.dma_semaphore, #tpu.memory_space<semaphore_mem>>
      %dma_start3A_526 = arith.constant 0 : i32
      %dma_start3A_527 = tpu.memref_slice %arg18[%mul3A_2, %dma_start3A_526] : memref<10240x128xf32, #tpu.memory_space<vmem_shared>> -> memref<640x128xf32, #tpu.memory_space<vmem_shared>>
      tpu.enqueue_dma source(%arg4 : memref<640x128xf32, #tpu.memory_space<hbm>>) target(%dma_start3A_527 : memref<640x128xf32, #tpu.memory_space<vmem_shared>>) target_semaphore(%run_scoped3A : memref<!tpu.dma_semaphore, #tpu.memory_space<semaphore_mem>>)
      %dma_wait3A_528 = arith.constant 0 : i32
      %dma_wait3A_529 = tpu.memref_slice %arg18[%mul3A_2, %dma_wait3A_528] : memref<10240x128xf32, #tpu.memory_space<vmem_shared>> -> memref<640x128xf32, #tpu.memory_space<vmem_shared>>
      tpu.wait_dma2 semaphore(%run_scoped3A : memref<!tpu.dma_semaphore, #tpu.memory_space<semaphore_mem>>) src(%arg4 : memref<640x128xf32, #tpu.memory_space<hbm>>) dst(%dma_wait3A_529 : memref<640x128xf32, #tpu.memory_space<vmem_shared>>)
      tpu.yield
    }) : () -> ()
    %barrier3A = arith.constant 0 : index
    tpu.barrier barrier_id(%barrier3A)
    %get3A = arith.constant 0 : i32
    %get3A_3 = arith.index_cast %get3A : i32 to index
    %get3A_4 = arith.constant 0 : index
    %get3A_5 = tpu.vector_load %arg8[%get3A_3, %get3A_4] {strides = array<i32>} : memref<125x80xi32, #tpu.memory_space<vmem>>, vector<1x16xi32>,
    %get3A_6 = vector.shape_cast %get3A_5 : vector<1x16xi32> to vector<16xi32>
    %and3A = arith.constant 65535 : i32
    %and3A_7 = vector.broadcast %and3A : i32 to vector<16xi32>
    %and3A_8 = arith.andi %get3A_6, %and3A_7 : vector<16xi32>
    %swap3A = arith.constant 0 : index
    %swap3A_9 = tpu.vector_load %arg9[%swap3A] {strides = array<i32>} : memref<80xi32, #tpu.memory_space<vmem>>, vector<16xi32>,
    %swap3A_10 = vector.shape_cast %swap3A_9 : vector<16xi32> to vector<16xi32>
    %swap3A_11 = vector.shape_cast %and3A_8 : vector<16xi32> to vector<16xi32>
    tpu.vector_store %arg9[%swap3A], %swap3A_11 {strides = array<i32>} : memref<80xi32, #tpu.memory_space<vmem>>, vector<16xi32>,
    %shift_right_logical3A = arith.constant 16 : i32
    %shift_right_logical3A_12 = vector.broadcast %shift_right_logical3A : i32 to vector<16xi32>
    %shift_right_logical3A_13 = arith.shrui %get3A_6, %shift_right_logical3A_12 : vector<16xi32>
    %swap3A_14 = arith.constant 0 : index
    %swap3A_15 = tpu.vector_load %arg12[%swap3A_14] {strides = array<i32>} : memref<80xi32, #tpu.memory_space<vmem>>, vector<16xi32>,
    %swap3A_16 = vector.shape_cast %swap3A_15 : vector<16xi32> to vector<16xi32>
    %swap3A_17 = vector.shape_cast %shift_right_logical3A_13 : vector<16xi32> to vector<16xi32>
    tpu.vector_store %arg12[%swap3A_14], %swap3A_17 {strides = array<i32>} : memref<80xi32, #tpu.memory_space<vmem>>, vector<16xi32>,
    %get3A_18 = arith.constant 0 : i32
    %get3A_19 = arith.index_cast %get3A_18 : i32 to index
    %get3A_20 = arith.constant 16 : index
    %get3A_21 = tpu.vector_load %arg8[%get3A_19, %get3A_20] {strides = array<i32>} : memref<125x80xi32, #tpu.memory_space<vmem>>, vector<1x16xi32>,
    %get3A_22 = vector.shape_cast %get3A_21 : vector<1x16xi32> to vector<16xi32>
    %and3A_23 = arith.constant 65535 : i32
    %and3A_24 = vector.broadcast %and3A_23 : i32 to vector<16xi32>
    %and3A_25 = arith.andi %get3A_22, %and3A_24 : vector<16xi32>
    %swap3A_26 = arith.constant 16 : index
    %swap3A_27 = tpu.vector_load %arg9[%swap3A_26] {strides = array<i32>} : memref<80xi32, #tpu.memory_space<vmem>>, vector<16xi32>,
    %swap3A_28 = vector.shape_cast %swap3A_27 : vector<16xi32> to vector<16xi32>
    %swap3A_29 = vector.shape_cast %and3A_25 : vector<16xi32> to vector<16xi32>
    tpu.vector_store %arg9[%swap3A_26], %swap3A_29 {strides = array<i32>} : memref<80xi32, #tpu.memory_space<vmem>>, vector<16xi32>,
    %shift_right_logical3A_30 = arith.constant 16 : i32
    %shift_right_logical3A_31 = vector.broadcast %shift_right_logical3A_30 : i32 to vector<16xi32>
    %shift_right_logical3A_32 = arith.shrui %get3A_22, %shift_right_logical3A_31 : vector<16xi32>
    %swap3A_33 = arith.constant 16 : index
    %swap3A_34 = tpu.vector_load %arg12[%swap3A_33] {strides = array<i32>} : memref<80xi32, #tpu.memory_space<vmem>>, vector<16xi32>,
    %swap3A_35 = vector.shape_cast %swap3A_34 : vector<16xi32> to vector<16xi32>
    %swap3A_36 = vector.shape_cast %shift_right_logical3A_32 : vector<16xi32> to vector<16xi32>
    tpu.vector_store %arg12[%swap3A_33], %swap3A_36 {strides = array<i32>} : memref<80xi32, #tpu.memory_space<vmem>>, vector<16xi32>,
    %get3A_37 = arith.constant 0 : i32
    %get3A_38 = arith.index_cast %get3A_37 : i32 to index
    %get3A_39 = arith.constant 32 : index
    %get3A_40 = tpu.vector_load %arg8[%get3A_38, %get3A_39] {strides = array<i32>} : memref<125x80xi32, #tpu.memory_space<vmem>>, vector<1x16xi32>,
    %get3A_41 = vector.shape_cast %get3A_40 : vector<1x16xi32> to vector<16xi32>
    %and3A_42 = arith.constant 65535 : i32
    %and3A_43 = vector.broadcast %and3A_42 : i32 to vector<16xi32>
    %and3A_44 = arith.andi %get3A_41, %and3A_43 : vector<16xi32>
    %swap3A_45 = arith.constant 32 : index
    %swap3A_46 = tpu.vector_load %arg9[%swap3A_45] {strides = array<i32>} : memref<80xi32, #tpu.memory_space<vmem>>, vector<16xi32>,
    %swap3A_47 = vector.shape_cast %swap3A_46 : vector<16xi32> to vector<16xi32>
    %swap3A_48 = vector.shape_cast %and3A_44 : vector<16xi32> to vector<16xi32>
    tpu.vector_store %arg9[%swap3A_45], %swap3A_48 {strides = array<i32>} : memref<80xi32, #tpu.memory_space<vmem>>, vector<16xi32>,
    %shift_right_logical3A_49 = arith.constant 16 : i32
    %shift_right_logical3A_50 = vector.broadcast %shift_right_logical3A_49 : i32 to vector<16xi32>
    %shift_right_logical3A_51 = arith.shrui %get3A_41, %shift_right_logical3A_50 : vector<16xi32>
    %swap3A_52 = arith.constant 32 : index
    %swap3A_53 = tpu.vector_load %arg12[%swap3A_52] {strides = array<i32>} : memref<80xi32, #tpu.memory_space<vmem>>, vector<16xi32>,
    %swap3A_54 = vector.shape_cast %swap3A_53 : vector<16xi32> to vector<16xi32>
    %swap3A_55 = vector.shape_cast %shift_right_logical3A_51 : vector<16xi32> to vector<16xi32>
    tpu.vector_store %arg12[%swap3A_52], %swap3A_55 {strides = array<i32>} : memref<80xi32, #tpu.memory_space<vmem>>, vector<16xi32>,
    %get3A_56 = arith.constant 0 : i32
    %get3A_57 = arith.index_cast %get3A_56 : i32 to index
    %get3A_58 = arith.constant 48 : index
    %get3A_59 = tpu.vector_load %arg8[%get3A_57, %get3A_58] {strides = array<i32>} : memref<125x80xi32, #tpu.memory_space<vmem>>, vector<1x16xi32>,
    %get3A_60 = vector.shape_cast %get3A_59 : vector<1x16xi32> to vector<16xi32>
    %and3A_61 = arith.constant 65535 : i32
    %and3A_62 = vector.broadcast %and3A_61 : i32 to vector<16xi32>
    %and3A_63 = arith.andi %get3A_60, %and3A_62 : vector<16xi32>
    %swap3A_64 = arith.constant 48 : index
    %swap3A_65 = tpu.vector_load %arg9[%swap3A_64] {strides = array<i32>} : memref<80xi32, #tpu.memory_space<vmem>>, vector<16xi32>,
    %swap3A_66 = vector.shape_cast %swap3A_65 : vector<16xi32> to vector<16xi32>
    %swap3A_67 = vector.shape_cast %and3A_63 : vector<16xi32> to vector<16xi32>
    tpu.vector_store %arg9[%swap3A_64], %swap3A_67 {strides = array<i32>} : memref<80xi32, #tpu.memory_space<vmem>>, vector<16xi32>,
    %shift_right_logical3A_68 = arith.constant 16 : i32
    %shift_right_logical3A_69 = vector.broadcast %shift_right_logical3A_68 : i32 to vector<16xi32>
    %shift_right_logical3A_70 = arith.shrui %get3A_60, %shift_right_logical3A_69 : vector<16xi32>
    %swap3A_71 = arith.constant 48 : index
    %swap3A_72 = tpu.vector_load %arg12[%swap3A_71] {strides = array<i32>} : memref<80xi32, #tpu.memory_space<vmem>>, vector<16xi32>,
    %swap3A_73 = vector.shape_cast %swap3A_72 : vector<16xi32> to vector<16xi32>
    %swap3A_74 = vector.shape_cast %shift_right_logical3A_70 : vector<16xi32> to vector<16xi32>
    tpu.vector_store %arg12[%swap3A_71], %swap3A_74 {strides = array<i32>} : memref<80xi32, #tpu.memory_space<vmem>>, vector<16xi32>,
    %get3A_75 = arith.constant 0 : i32
    %get3A_76 = arith.index_cast %get3A_75 : i32 to index
    %get3A_77 = arith.constant 64 : index
    %get3A_78 = tpu.vector_load %arg8[%get3A_76, %get3A_77] {strides = array<i32>} : memref<125x80xi32, #tpu.memory_space<vmem>>, vector<1x16xi32>,
    %get3A_79 = vector.shape_cast %get3A_78 : vector<1x16xi32> to vector<16xi32>
    %and3A_80 = arith.constant 65535 : i32
    %and3A_81 = vector.broadcast %and3A_80 : i32 to vector<16xi32>
    %and3A_82 = arith.andi %get3A_79, %and3A_81 : vector<16xi32>
    %swap3A_83 = arith.constant 64 : index
    %swap3A_84 = tpu.vector_load %arg9[%swap3A_83] {strides = array<i32>} : memref<80xi32, #tpu.memory_space<vmem>>, vector<16xi32>,
    %swap3A_85 = vector.shape_cast %swap3A_84 : vector<16xi32> to vector<16xi32>
    %swap3A_86 = vector.shape_cast %and3A_82 : vector<16xi32> to vector<16xi32>
    tpu.vector_store %arg9[%swap3A_83], %swap3A_86 {strides = array<i32>} : memref<80xi32, #tpu.memory_space<vmem>>, vector<16xi32>,
    %shift_right_logical3A_87 = arith.constant 16 : i32
    %shift_right_logical3A_88 = vector.broadcast %shift_right_logical3A_87 : i32 to vector<16xi32>
    %shift_right_logical3A_89 = arith.shrui %get3A_79, %shift_right_logical3A_88 : vector<16xi32>
    %swap3A_90 = arith.constant 64 : index
    %swap3A_91 = tpu.vector_load %arg12[%swap3A_90] {strides = array<i32>} : memref<80xi32, #tpu.memory_space<vmem>>, vector<16xi32>,
    %swap3A_92 = vector.shape_cast %swap3A_91 : vector<16xi32> to vector<16xi32>
    %swap3A_93 = vector.shape_cast %shift_right_logical3A_89 : vector<16xi32> to vector<16xi32>
    tpu.vector_store %arg12[%swap3A_90], %swap3A_93 {strides = array<i32>} : memref<80xi32, #tpu.memory_space<vmem>>, vector<16xi32>,
    %dma_start3A = arith.constant 0 : i32
    %dma_start3A_94 = arith.constant 0 : i32
    %dma_start3A_95 = tpu.memref_slice %arg2[%dma_start3A, %dma_start3A_94] : memref<10000x128xf32, #tpu.memory_space<hbm>> -> memref<10000x128xf32, #tpu.memory_space<hbm>>
    tpu.enqueue_indirect_dma source(%dma_start3A_95 : memref<10000x128xf32, #tpu.memory_space<hbm>>) target(%arg15 : memref<80x128xf32, #tpu.memory_space<vmem>>) offsets(%arg9 : memref<80xi32, #tpu.memory_space<vmem>>) semaphore(%arg19 : memref<!tpu.dma_semaphore, #tpu.memory_space<semaphore_mem>>)
    %get3A_96 = arith.constant 1 : i32
    %get3A_97 = arith.index_cast %get3A_96 : i32 to index
    %get3A_98 = arith.constant 0 : index
    %get3A_99 = tpu.vector_load %arg8[%get3A_97, %get3A_98] {strides = array<i32>} : memref<125x80xi32, #tpu.memory_space<vmem>>, vector<1x16xi32>,
    %get3A_100 = vector.shape_cast %get3A_99 : vector<1x16xi32> to vector<16xi32>
    %and3A_101 = arith.constant 65535 : i32
    %and3A_102 = vector.broadcast %and3A_101 : i32 to vector<16xi32>
    %and3A_103 = arith.andi %get3A_100, %and3A_102 : vector<16xi32>
    %swap3A_104 = arith.constant 0 : index
    %swap3A_105 = tpu.vector_load %arg10[%swap3A_104] {strides = array<i32>} : memref<80xi32, #tpu.memory_space<vmem>>, vector<16xi32>,
    %swap3A_106 = vector.shape_cast %swap3A_105 : vector<16xi32> to vector<16xi32>
    %swap3A_107 = vector.shape_cast %and3A_103 : vector<16xi32> to vector<16xi32>
    tpu.vector_store %arg10[%swap3A_104], %swap3A_107 {strides = array<i32>} : memref<80xi32, #tpu.memory_space<vmem>>, vector<16xi32>,
    %shift_right_logical3A_108 = arith.constant 16 : i32
    %shift_right_logical3A_109 = vector.broadcast %shift_right_logical3A_108 : i32 to vector<16xi32>
    %shift_right_logical3A_110 = arith.shrui %get3A_100, %shift_right_logical3A_109 : vector<16xi32>
    %swap3A_111 = arith.constant 0 : index
    %swap3A_112 = tpu.vector_load %arg13[%swap3A_111] {strides = array<i32>} : memref<80xi32, #tpu.memory_space<vmem>>, vector<16xi32>,
    %swap3A_113 = vector.shape_cast %swap3A_112 : vector<16xi32> to vector<16xi32>
    %swap3A_114 = vector.shape_cast %shift_right_logical3A_110 : vector<16xi32> to vector<16xi32>
    tpu.vector_store %arg13[%swap3A_111], %swap3A_114 {strides = array<i32>} : memref<80xi32, #tpu.memory_space<vmem>>, vector<16xi32>,
    %get3A_115 = arith.constant 1 : i32
    %get3A_116 = arith.index_cast %get3A_115 : i32 to index
    %get3A_117 = arith.constant 16 : index
    %get3A_118 = tpu.vector_load %arg8[%get3A_116, %get3A_117] {strides = array<i32>} : memref<125x80xi32, #tpu.memory_space<vmem>>, vector<1x16xi32>,
    %get3A_119 = vector.shape_cast %get3A_118 : vector<1x16xi32> to vector<16xi32>
    %and3A_120 = arith.constant 65535 : i32
    %and3A_121 = vector.broadcast %and3A_120 : i32 to vector<16xi32>
    %and3A_122 = arith.andi %get3A_119, %and3A_121 : vector<16xi32>
    %swap3A_123 = arith.constant 16 : index
    %swap3A_124 = tpu.vector_load %arg10[%swap3A_123] {strides = array<i32>} : memref<80xi32, #tpu.memory_space<vmem>>, vector<16xi32>,
    %swap3A_125 = vector.shape_cast %swap3A_124 : vector<16xi32> to vector<16xi32>
    %swap3A_126 = vector.shape_cast %and3A_122 : vector<16xi32> to vector<16xi32>
    tpu.vector_store %arg10[%swap3A_123], %swap3A_126 {strides = array<i32>} : memref<80xi32, #tpu.memory_space<vmem>>, vector<16xi32>,
    %shift_right_logical3A_127 = arith.constant 16 : i32
    %shift_right_logical3A_128 = vector.broadcast %shift_right_logical3A_127 : i32 to vector<16xi32>
    %shift_right_logical3A_129 = arith.shrui %get3A_119, %shift_right_logical3A_128 : vector<16xi32>
    %swap3A_130 = arith.constant 16 : index
    %swap3A_131 = tpu.vector_load %arg13[%swap3A_130] {strides = array<i32>} : memref<80xi32, #tpu.memory_space<vmem>>, vector<16xi32>,
    %swap3A_132 = vector.shape_cast %swap3A_131 : vector<16xi32> to vector<16xi32>
    %swap3A_133 = vector.shape_cast %shift_right_logical3A_129 : vector<16xi32> to vector<16xi32>
    tpu.vector_store %arg13[%swap3A_130], %swap3A_133 {strides = array<i32>} : memref<80xi32, #tpu.memory_space<vmem>>, vector<16xi32>,
    %get3A_134 = arith.constant 1 : i32
    %get3A_135 = arith.index_cast %get3A_134 : i32 to index
    %get3A_136 = arith.constant 32 : index
    %get3A_137 = tpu.vector_load %arg8[%get3A_135, %get3A_136] {strides = array<i32>} : memref<125x80xi32, #tpu.memory_space<vmem>>, vector<1x16xi32>,
    %get3A_138 = vector.shape_cast %get3A_137 : vector<1x16xi32> to vector<16xi32>
    %and3A_139 = arith.constant 65535 : i32
    %and3A_140 = vector.broadcast %and3A_139 : i32 to vector<16xi32>
    %and3A_141 = arith.andi %get3A_138, %and3A_140 : vector<16xi32>
    %swap3A_142 = arith.constant 32 : index
    %swap3A_143 = tpu.vector_load %arg10[%swap3A_142] {strides = array<i32>} : memref<80xi32, #tpu.memory_space<vmem>>, vector<16xi32>,
    %swap3A_144 = vector.shape_cast %swap3A_143 : vector<16xi32> to vector<16xi32>
    %swap3A_145 = vector.shape_cast %and3A_141 : vector<16xi32> to vector<16xi32>
    tpu.vector_store %arg10[%swap3A_142], %swap3A_145 {strides = array<i32>} : memref<80xi32, #tpu.memory_space<vmem>>, vector<16xi32>,
    %shift_right_logical3A_146 = arith.constant 16 : i32
    %shift_right_logical3A_147 = vector.broadcast %shift_right_logical3A_146 : i32 to vector<16xi32>
    %shift_right_logical3A_148 = arith.shrui %get3A_138, %shift_right_logical3A_147 : vector<16xi32>
    %swap3A_149 = arith.constant 32 : index
    %swap3A_150 = tpu.vector_load %arg13[%swap3A_149] {strides = array<i32>} : memref<80xi32, #tpu.memory_space<vmem>>, vector<16xi32>,
    %swap3A_151 = vector.shape_cast %swap3A_150 : vector<16xi32> to vector<16xi32>
    %swap3A_152 = vector.shape_cast %shift_right_logical3A_148 : vector<16xi32> to vector<16xi32>
    tpu.vector_store %arg13[%swap3A_149], %swap3A_152 {strides = array<i32>} : memref<80xi32, #tpu.memory_space<vmem>>, vector<16xi32>,
    %get3A_153 = arith.constant 1 : i32
    %get3A_154 = arith.index_cast %get3A_153 : i32 to index
    %get3A_155 = arith.constant 48 : index
    %get3A_156 = tpu.vector_load %arg8[%get3A_154, %get3A_155] {strides = array<i32>} : memref<125x80xi32, #tpu.memory_space<vmem>>, vector<1x16xi32>,
    %get3A_157 = vector.shape_cast %get3A_156 : vector<1x16xi32> to vector<16xi32>
    %and3A_158 = arith.constant 65535 : i32
    %and3A_159 = vector.broadcast %and3A_158 : i32 to vector<16xi32>
    %and3A_160 = arith.andi %get3A_157, %and3A_159 : vector<16xi32>
    %swap3A_161 = arith.constant 48 : index
    %swap3A_162 = tpu.vector_load %arg10[%swap3A_161] {strides = array<i32>} : memref<80xi32, #tpu.memory_space<vmem>>, vector<16xi32>,
    %swap3A_163 = vector.shape_cast %swap3A_162 : vector<16xi32> to vector<16xi32>
    %swap3A_164 = vector.shape_cast %and3A_160 : vector<16xi32> to vector<16xi32>
    tpu.vector_store %arg10[%swap3A_161], %swap3A_164 {strides = array<i32>} : memref<80xi32, #tpu.memory_space<vmem>>, vector<16xi32>,
    %shift_right_logical3A_165 = arith.constant 16 : i32
    %shift_right_logical3A_166 = vector.broadcast %shift_right_logical3A_165 : i32 to vector<16xi32>
    %shift_right_logical3A_167 = arith.shrui %get3A_157, %shift_right_logical3A_166 : vector<16xi32>
    %swap3A_168 = arith.constant 48 : index
    %swap3A_169 = tpu.vector_load %arg13[%swap3A_168] {strides = array<i32>} : memref<80xi32, #tpu.memory_space<vmem>>, vector<16xi32>,
    %swap3A_170 = vector.shape_cast %swap3A_169 : vector<16xi32> to vector<16xi32>
    %swap3A_171 = vector.shape_cast %shift_right_logical3A_167 : vector<16xi32> to vector<16xi32>
    tpu.vector_store %arg13[%swap3A_168], %swap3A_171 {strides = array<i32>} : memref<80xi32, #tpu.memory_space<vmem>>, vector<16xi32>,
    %get3A_172 = arith.constant 1 : i32
    %get3A_173 = arith.index_cast %get3A_172 : i32 to index
    %get3A_174 = arith.constant 64 : index
    %get3A_175 = tpu.vector_load %arg8[%get3A_173, %get3A_174] {strides = array<i32>} : memref<125x80xi32, #tpu.memory_space<vmem>>, vector<1x16xi32>,
    %get3A_176 = vector.shape_cast %get3A_175 : vector<1x16xi32> to vector<16xi32>
    %and3A_177 = arith.constant 65535 : i32
    %and3A_178 = vector.broadcast %and3A_177 : i32 to vector<16xi32>
    %and3A_179 = arith.andi %get3A_176, %and3A_178 : vector<16xi32>
    %swap3A_180 = arith.constant 64 : index
    %swap3A_181 = tpu.vector_load %arg10[%swap3A_180] {strides = array<i32>} : memref<80xi32, #tpu.memory_space<vmem>>, vector<16xi32>,
    %swap3A_182 = vector.shape_cast %swap3A_181 : vector<16xi32> to vector<16xi32>
    %swap3A_183 = vector.shape_cast %and3A_179 : vector<16xi32> to vector<16xi32>
    tpu.vector_store %arg10[%swap3A_180], %swap3A_183 {strides = array<i32>} : memref<80xi32, #tpu.memory_space<vmem>>, vector<16xi32>,
    %shift_right_logical3A_184 = arith.constant 16 : i32
    %shift_right_logical3A_185 = vector.broadcast %shift_right_logical3A_184 : i32 to vector<16xi32>
    %shift_right_logical3A_186 = arith.shrui %get3A_176, %shift_right_logical3A_185 : vector<16xi32>
    %swap3A_187 = arith.constant 64 : index
    %swap3A_188 = tpu.vector_load %arg13[%swap3A_187] {strides = array<i32>} : memref<80xi32, #tpu.memory_space<vmem>>, vector<16xi32>,
    %swap3A_189 = vector.shape_cast %swap3A_188 : vector<16xi32> to vector<16xi32>
    %swap3A_190 = vector.shape_cast %shift_right_logical3A_186 : vector<16xi32> to vector<16xi32>
    tpu.vector_store %arg13[%swap3A_187], %swap3A_190 {strides = array<i32>} : memref<80xi32, #tpu.memory_space<vmem>>, vector<16xi32>,
    %dma_start3A_191 = arith.constant 0 : i32
    %dma_start3A_192 = arith.constant 0 : i32
    %dma_start3A_193 = tpu.memref_slice %arg2[%dma_start3A_191, %dma_start3A_192] : memref<10000x128xf32, #tpu.memory_space<hbm>> -> memref<10000x128xf32, #tpu.memory_space<hbm>>
    tpu.enqueue_indirect_dma source(%dma_start3A_193 : memref<10000x128xf32, #tpu.memory_space<hbm>>) target(%arg16 : memref<80x128xf32, #tpu.memory_space<vmem>>) offsets(%arg10 : memref<80xi32, #tpu.memory_space<vmem>>) semaphore(%arg19 : memref<!tpu.dma_semaphore, #tpu.memory_space<semaphore_mem>>)
    %dma_wait3A = arith.constant 0 : i32
    %dma_wait3A_194 = arith.constant 0 : i32
    %dma_wait3A_195 = tpu.memref_slice %arg2[%dma_wait3A, %dma_wait3A_194] : memref<10000x128xf32, #tpu.memory_space<hbm>> -> memref<10000x128xf32, #tpu.memory_space<hbm>>
    tpu.wait_indirect_dma semaphore(%arg19 : memref<!tpu.dma_semaphore, #tpu.memory_space<semaphore_mem>>) src(%dma_wait3A_195 : memref<10000x128xf32, #tpu.memory_space<hbm>>) dst(%arg15 : memref<80x128xf32, #tpu.memory_space<vmem>>)
    %dma_start3A_196 = arith.constant 0 : i32
    %dma_start3A_197 = arith.constant 0 : i32
    %dma_start3A_198 = tpu.memref_slice %arg18[%dma_start3A_196, %dma_start3A_197] : memref<10240x128xf32, #tpu.memory_space<vmem_shared>> -> memref<10240x128xf32, #tpu.memory_space<vmem_shared>>
    tpu.enqueue_indirect_dma source(%arg15 : memref<80x128xf32, #tpu.memory_space<vmem>>) target(%dma_start3A_198 : memref<10240x128xf32, #tpu.memory_space<vmem_shared>>) offsets(%arg12 : memref<80xi32, #tpu.memory_space<vmem>>) semaphore(%arg20 : memref<!tpu.dma_semaphore, #tpu.memory_space<semaphore_mem>>) {add = true}
    %get3A_199 = arith.constant 2 : i32
    %get3A_200 = arith.index_cast %get3A_199 : i32 to index
    %get3A_201 = arith.constant 0 : index
    %get3A_202 = tpu.vector_load %arg8[%get3A_200, %get3A_201] {strides = array<i32>} : memref<125x80xi32, #tpu.memory_space<vmem>>, vector<1x16xi32>,
    %get3A_203 = vector.shape_cast %get3A_202 : vector<1x16xi32> to vector<16xi32>
    %and3A_204 = arith.constant 65535 : i32
    %and3A_205 = vector.broadcast %and3A_204 : i32 to vector<16xi32>
    %and3A_206 = arith.andi %get3A_203, %and3A_205 : vector<16xi32>
    %swap3A_207 = arith.constant 0 : index
    %swap3A_208 = tpu.vector_load %arg11[%swap3A_207] {strides = array<i32>} : memref<80xi32, #tpu.memory_space<vmem>>, vector<16xi32>,
    %swap3A_209 = vector.shape_cast %swap3A_208 : vector<16xi32> to vector<16xi32>
    %swap3A_210 = vector.shape_cast %and3A_206 : vector<16xi32> to vector<16xi32>
    tpu.vector_store %arg11[%swap3A_207], %swap3A_210 {strides = array<i32>} : memref<80xi32, #tpu.memory_space<vmem>>, vector<16xi32>,
    %shift_right_logical3A_211 = arith.constant 16 : i32
    %shift_right_logical3A_212 = vector.broadcast %shift_right_logical3A_211 : i32 to vector<16xi32>
    %shift_right_logical3A_213 = arith.shrui %get3A_203, %shift_right_logical3A_212 : vector<16xi32>
    %swap3A_214 = arith.constant 0 : index
    %swap3A_215 = tpu.vector_load %arg14[%swap3A_214] {strides = array<i32>} : memref<80xi32, #tpu.memory_space<vmem>>, vector<16xi32>,
    %swap3A_216 = vector.shape_cast %swap3A_215 : vector<16xi32> to vector<16xi32>
    %swap3A_217 = vector.shape_cast %shift_right_logical3A_213 : vector<16xi32> to vector<16xi32>
    tpu.vector_store %arg14[%swap3A_214], %swap3A_217 {strides = array<i32>} : memref<80xi32, #tpu.memory_space<vmem>>, vector<16xi32>,
    %get3A_218 = arith.constant 2 : i32
    %get3A_219 = arith.index_cast %get3A_218 : i32 to index
    %get3A_220 = arith.constant 16 : index
    %get3A_221 = tpu.vector_load %arg8[%get3A_219, %get3A_220] {strides = array<i32>} : memref<125x80xi32, #tpu.memory_space<vmem>>, vector<1x16xi32>,
    %get3A_222 = vector.shape_cast %get3A_221 : vector<1x16xi32> to vector<16xi32>
    %and3A_223 = arith.constant 65535 : i32
    %and3A_224 = vector.broadcast %and3A_223 : i32 to vector<16xi32>
    %and3A_225 = arith.andi %get3A_222, %and3A_224 : vector<16xi32>
    %swap3A_226 = arith.constant 16 : index
    %swap3A_227 = tpu.vector_load %arg11[%swap3A_226] {strides = array<i32>} : memref<80xi32, #tpu.memory_space<vmem>>, vector<16xi32>,
    %swap3A_228 = vector.shape_cast %swap3A_227 : vector<16xi32> to vector<16xi32>
    %swap3A_229 = vector.shape_cast %and3A_225 : vector<16xi32> to vector<16xi32>
    tpu.vector_store %arg11[%swap3A_226], %swap3A_229 {strides = array<i32>} : memref<80xi32, #tpu.memory_space<vmem>>, vector<16xi32>,
    %shift_right_logical3A_230 = arith.constant 16 : i32
    %shift_right_logical3A_231 = vector.broadcast %shift_right_logical3A_230 : i32 to vector<16xi32>
    %shift_right_logical3A_232 = arith.shrui %get3A_222, %shift_right_logical3A_231 : vector<16xi32>
    %swap3A_233 = arith.constant 16 : index
    %swap3A_234 = tpu.vector_load %arg14[%swap3A_233] {strides = array<i32>} : memref<80xi32, #tpu.memory_space<vmem>>, vector<16xi32>,
    %swap3A_235 = vector.shape_cast %swap3A_234 : vector<16xi32> to vector<16xi32>
    %swap3A_236 = vector.shape_cast %shift_right_logical3A_232 : vector<16xi32> to vector<16xi32>
    tpu.vector_store %arg14[%swap3A_233], %swap3A_236 {strides = array<i32>} : memref<80xi32, #tpu.memory_space<vmem>>, vector<16xi32>,
    %get3A_237 = arith.constant 2 : i32
    %get3A_238 = arith.index_cast %get3A_237 : i32 to index
    %get3A_239 = arith.constant 32 : index
    %get3A_240 = tpu.vector_load %arg8[%get3A_238, %get3A_239] {strides = array<i32>} : memref<125x80xi32, #tpu.memory_space<vmem>>, vector<1x16xi32>,
    %get3A_241 = vector.shape_cast %get3A_240 : vector<1x16xi32> to vector<16xi32>
    %and3A_242 = arith.constant 65535 : i32
    %and3A_243 = vector.broadcast %and3A_242 : i32 to vector<16xi32>
    %and3A_244 = arith.andi %get3A_241, %and3A_243 : vector<16xi32>
    %swap3A_245 = arith.constant 32 : index
    %swap3A_246 = tpu.vector_load %arg11[%swap3A_245] {strides = array<i32>} : memref<80xi32, #tpu.memory_space<vmem>>, vector<16xi32>,
    %swap3A_247 = vector.shape_cast %swap3A_246 : vector<16xi32> to vector<16xi32>
    %swap3A_248 = vector.shape_cast %and3A_244 : vector<16xi32> to vector<16xi32>
    tpu.vector_store %arg11[%swap3A_245], %swap3A_248 {strides = array<i32>} : memref<80xi32, #tpu.memory_space<vmem>>, vector<16xi32>,
    %shift_right_logical3A_249 = arith.constant 16 : i32
    %shift_right_logical3A_250 = vector.broadcast %shift_right_logical3A_249 : i32 to vector<16xi32>
    %shift_right_logical3A_251 = arith.shrui %get3A_241, %shift_right_logical3A_250 : vector<16xi32>
    %swap3A_252 = arith.constant 32 : index
    %swap3A_253 = tpu.vector_load %arg14[%swap3A_252] {strides = array<i32>} : memref<80xi32, #tpu.memory_space<vmem>>, vector<16xi32>,
    %swap3A_254 = vector.shape_cast %swap3A_253 : vector<16xi32> to vector<16xi32>
    %swap3A_255 = vector.shape_cast %shift_right_logical3A_251 : vector<16xi32> to vector<16xi32>
    tpu.vector_store %arg14[%swap3A_252], %swap3A_255 {strides = array<i32>} : memref<80xi32, #tpu.memory_space<vmem>>, vector<16xi32>,
    %get3A_256 = arith.constant 2 : i32
    %get3A_257 = arith.index_cast %get3A_256 : i32 to index
    %get3A_258 = arith.constant 48 : index
    %get3A_259 = tpu.vector_load %arg8[%get3A_257, %get3A_258] {strides = array<i32>} : memref<125x80xi32, #tpu.memory_space<vmem>>, vector<1x16xi32>,
    %get3A_260 = vector.shape_cast %get3A_259 : vector<1x16xi32> to vector<16xi32>
    %and3A_261 = arith.constant 65535 : i32
    %and3A_262 = vector.broadcast %and3A_261 : i32 to vector<16xi32>
    %and3A_263 = arith.andi %get3A_260, %and3A_262 : vector<16xi32>
    %swap3A_264 = arith.constant 48 : index
    %swap3A_265 = tpu.vector_load %arg11[%swap3A_264] {strides = array<i32>} : memref<80xi32, #tpu.memory_space<vmem>>, vector<16xi32>,
    %swap3A_266 = vector.shape_cast %swap3A_265 : vector<16xi32> to vector<16xi32>
    %swap3A_267 = vector.shape_cast %and3A_263 : vector<16xi32> to vector<16xi32>
    tpu.vector_store %arg11[%swap3A_264], %swap3A_267 {strides = array<i32>} : memref<80xi32, #tpu.memory_space<vmem>>, vector<16xi32>,
    %shift_right_logical3A_268 = arith.constant 16 : i32
    %shift_right_logical3A_269 = vector.broadcast %shift_right_logical3A_268 : i32 to vector<16xi32>
    %shift_right_logical3A_270 = arith.shrui %get3A_260, %shift_right_logical3A_269 : vector<16xi32>
    %swap3A_271 = arith.constant 48 : index
    %swap3A_272 = tpu.vector_load %arg14[%swap3A_271] {strides = array<i32>} : memref<80xi32, #tpu.memory_space<vmem>>, vector<16xi32>,
    %swap3A_273 = vector.shape_cast %swap3A_272 : vector<16xi32> to vector<16xi32>
    %swap3A_274 = vector.shape_cast %shift_right_logical3A_270 : vector<16xi32> to vector<16xi32>
    tpu.vector_store %arg14[%swap3A_271], %swap3A_274 {strides = array<i32>} : memref<80xi32, #tpu.memory_space<vmem>>, vector<16xi32>,
    %get3A_275 = arith.constant 2 : i32
    %get3A_276 = arith.index_cast %get3A_275 : i32 to index
    %get3A_277 = arith.constant 64 : index
    %get3A_278 = tpu.vector_load %arg8[%get3A_276, %get3A_277] {strides = array<i32>} : memref<125x80xi32, #tpu.memory_space<vmem>>, vector<1x16xi32>,
    %get3A_279 = vector.shape_cast %get3A_278 : vector<1x16xi32> to vector<16xi32>
    %and3A_280 = arith.constant 65535 : i32
    %and3A_281 = vector.broadcast %and3A_280 : i32 to vector<16xi32>
    %and3A_282 = arith.andi %get3A_279, %and3A_281 : vector<16xi32>
    %swap3A_283 = arith.constant 64 : index
    %swap3A_284 = tpu.vector_load %arg11[%swap3A_283] {strides = array<i32>} : memref<80xi32, #tpu.memory_space<vmem>>, vector<16xi32>,
    %swap3A_285 = vector.shape_cast %swap3A_284 : vector<16xi32> to vector<16xi32>
    %swap3A_286 = vector.shape_cast %and3A_282 : vector<16xi32> to vector<16xi32>
    tpu.vector_store %arg11[%swap3A_283], %swap3A_286 {strides = array<i32>} : memref<80xi32, #tpu.memory_space<vmem>>, vector<16xi32>,
    %shift_right_logical3A_287 = arith.constant 16 : i32
    %shift_right_logical3A_288 = vector.broadcast %shift_right_logical3A_287 : i32 to vector<16xi32>
    %shift_right_logical3A_289 = arith.shrui %get3A_279, %shift_right_logical3A_288 : vector<16xi32>
    %swap3A_290 = arith.constant 64 : index
    %swap3A_291 = tpu.vector_load %arg14[%swap3A_290] {strides = array<i32>} : memref<80xi32, #tpu.memory_space<vmem>>, vector<16xi32>,
    %swap3A_292 = vector.shape_cast %swap3A_291 : vector<16xi32> to vector<16xi32>
    %swap3A_293 = vector.shape_cast %shift_right_logical3A_289 : vector<16xi32> to vector<16xi32>
    tpu.vector_store %arg14[%swap3A_290], %swap3A_293 {strides = array<i32>} : memref<80xi32, #tpu.memory_space<vmem>>, vector<16xi32>,
    %dma_start3A_294 = arith.constant 0 : i32
    %dma_start3A_295 = arith.constant 0 : i32
    %dma_start3A_296 = tpu.memref_slice %arg2[%dma_start3A_294, %dma_start3A_295] : memref<10000x128xf32, #tpu.memory_space<hbm>> -> memref<10000x128xf32, #tpu.memory_space<hbm>>
    tpu.enqueue_indirect_dma source(%dma_start3A_296 : memref<10000x128xf32, #tpu.memory_space<hbm>>) target(%arg17 : memref<80x128xf32, #tpu.memory_space<vmem>>) offsets(%arg11 : memref<80xi32, #tpu.memory_space<vmem>>) semaphore(%arg19 : memref<!tpu.dma_semaphore, #tpu.memory_space<semaphore_mem>>)
    %scan3A = arith.constant 0 : i32
    %scan3A_297 = arith.constant 0 : i32
    %scan3A_298 = arith.constant 41 : i32
    %scan3A_299 = arith.addi %scan3A_297, %scan3A_298 : i32
    %scan3A_300 = arith.constant 1 : i32
    %scan3A_301 = scf.for %scan3A_526 = %scan3A_297 to %scan3A_299 step %scan3A_300 iter_args(%scan3A_527 = %scan3A) -> (i32)  : i32 {
      %mul3A_528 = arith.constant 3 : i32
      %mul3A_529 = arith.muli %mul3A_528, %scan3A_526 : i32
      %add3A_530 = arith.constant 1 : i32
      %add3A_531 = arith.addi %mul3A_529, %add3A_530 : i32
      %add3A_532 = arith.constant 0 : i32
      %add3A_533 = arith.addi %add3A_531, %add3A_532 : i32
      %dma_wait3A_534 = arith.constant 0 : i32
      %dma_wait3A_535 = arith.constant 0 : i32
      %dma_wait3A_536 = tpu.memref_slice %arg2[%dma_wait3A_534, %dma_wait3A_535] : memref<10000x128xf32, #tpu.memory_space<hbm>> -> memref<10000x128xf32, #tpu.memory_space<hbm>>
      tpu.wait_indirect_dma semaphore(%arg19 : memref<!tpu.dma_semaphore, #tpu.memory_space<semaphore_mem>>) src(%dma_wait3A_536 : memref<10000x128xf32, #tpu.memory_space<hbm>>) dst(%arg16 : memref<80x128xf32, #tpu.memory_space<vmem>>)
      %dma_start3A_537 = arith.constant 0 : i32
      %dma_start3A_538 = arith.constant 0 : i32
      %dma_start3A_539 = tpu.memref_slice %arg18[%dma_start3A_537, %dma_start3A_538] : memref<10240x128xf32, #tpu.memory_space<vmem_shared>> -> memref<10240x128xf32, #tpu.memory_space<vmem_shared>>
      tpu.enqueue_indirect_dma source(%arg16 : memref<80x128xf32, #tpu.memory_space<vmem>>) target(%dma_start3A_539 : memref<10240x128xf32, #tpu.memory_space<vmem_shared>>) offsets(%arg13 : memref<80xi32, #tpu.memory_space<vmem>>) semaphore(%arg20 : memref<!tpu.dma_semaphore, #tpu.memory_space<semaphore_mem>>) {add = true}
      %dma_wait3A_540 = arith.constant 0 : i32
      %dma_wait3A_541 = arith.constant 0 : i32
      %dma_wait3A_542 = tpu.memref_slice %arg18[%dma_wait3A_540, %dma_wait3A_541] : memref<10240x128xf32, #tpu.memory_space<vmem_shared>> -> memref<10240x128xf32, #tpu.memory_space<vmem_shared>>
      tpu.wait_indirect_dma semaphore(%arg20 : memref<!tpu.dma_semaphore, #tpu.memory_space<semaphore_mem>>) src(%arg15 : memref<80x128xf32, #tpu.memory_space<vmem>>) dst(%dma_wait3A_542 : memref<10240x128xf32, #tpu.memory_space<vmem_shared>>)
      %add3A_543 = arith.constant 2 : i32
      %add3A_544 = arith.addi %add3A_533, %add3A_543 : i32
      %min3A = arith.constant 124 : i32
      %min3A_545 = arith.minsi %add3A_544, %min3A : i32
      %get3A_546 = arith.index_cast %min3A_545 : i32 to index
      %get3A_547 = arith.constant 0 : index
      %get3A_548 = tpu.vector_load %arg8[%get3A_546, %get3A_547] {strides = array<i32>} : memref<125x80xi32, #tpu.memory_space<vmem>>, vector<1x16xi32>,
      %get3A_549 = vector.shape_cast %get3A_548 : vector<1x16xi32> to vector<16xi32>
      %and3A_550 = arith.constant 65535 : i32
      %and3A_551 = vector.broadcast %and3A_550 : i32 to vector<16xi32>
      %and3A_552 = arith.andi %get3A_549, %and3A_551 : vector<16xi32>
      %swap3A_553 = arith.constant 0 : index
      %swap3A_554 = tpu.vector_load %arg9[%swap3A_553] {strides = array<i32>} : memref<80xi32, #tpu.memory_space<vmem>>, vector<16xi32>,
      %swap3A_555 = vector.shape_cast %swap3A_554 : vector<16xi32> to vector<16xi32>
      %swap3A_556 = vector.shape_cast %and3A_552 : vector<16xi32> to vector<16xi32>
      tpu.vector_store %arg9[%swap3A_553], %swap3A_556 {strides = array<i32>} : memref<80xi32, #tpu.memory_space<vmem>>, vector<16xi32>,
      %shift_right_logical3A_557 = arith.constant 16 : i32
      %shift_right_logical3A_558 = vector.broadcast %shift_right_logical3A_557 : i32 to vector<16xi32>
      %shift_right_logical3A_559 = arith.shrui %get3A_549, %shift_right_logical3A_558 : vector<16xi32>
      %swap3A_560 = arith.constant 0 : index
      %swap3A_561 = tpu.vector_load %arg12[%swap3A_560] {strides = array<i32>} : memref<80xi32, #tpu.memory_space<vmem>>, vector<16xi32>,
      %swap3A_562 = vector.shape_cast %swap3A_561 : vector<16xi32> to vector<16xi32>
      %swap3A_563 = vector.shape_cast %shift_right_logical3A_559 : vector<16xi32> to vector<16xi32>
      tpu.vector_store %arg12[%swap3A_560], %swap3A_563 {strides = array<i32>} : memref<80xi32, #tpu.memory_space<vmem>>, vector<16xi32>,
      %get3A_564 = arith.index_cast %min3A_545 : i32 to index
      %get3A_565 = arith.constant 16 : index
      %get3A_566 = tpu.vector_load %arg8[%get3A_564, %get3A_565] {strides = array<i32>} : memref<125x80xi32, #tpu.memory_space<vmem>>, vector<1x16xi32>,
      %get3A_567 = vector.shape_cast %get3A_566 : vector<1x16xi32> to vector<16xi32>
      %and3A_568 = arith.constant 65535 : i32
      %and3A_569 = vector.broadcast %and3A_568 : i32 to vector<16xi32>
      %and3A_570 = arith.andi %get3A_567, %and3A_569 : vector<16xi32>
      %swap3A_571 = arith.constant 16 : index
      %swap3A_572 = tpu.vector_load %arg9[%swap3A_571] {strides = array<i32>} : memref<80xi32, #tpu.memory_space<vmem>>, vector<16xi32>,
      %swap3A_573 = vector.shape_cast %swap3A_572 : vector<16xi32> to vector<16xi32>
      %swap3A_574 = vector.shape_cast %and3A_570 : vector<16xi32> to vector<16xi32>
      tpu.vector_store %arg9[%swap3A_571], %swap3A_574 {strides = array<i32>} : memref<80xi32, #tpu.memory_space<vmem>>, vector<16xi32>,
      %shift_right_logical3A_575 = arith.constant 16 : i32
      %shift_right_logical3A_576 = vector.broadcast %shift_right_logical3A_575 : i32 to vector<16xi32>
      %shift_right_logical3A_577 = arith.shrui %get3A_567, %shift_right_logical3A_576 : vector<16xi32>
      %swap3A_578 = arith.constant 16 : index
      %swap3A_579 = tpu.vector_load %arg12[%swap3A_578] {strides = array<i32>} : memref<80xi32, #tpu.memory_space<vmem>>, vector<16xi32>,
      %swap3A_580 = vector.shape_cast %swap3A_579 : vector<16xi32> to vector<16xi32>
      %swap3A_581 = vector.shape_cast %shift_right_logical3A_577 : vector<16xi32> to vector<16xi32>
      tpu.vector_store %arg12[%swap3A_578], %swap3A_581 {strides = array<i32>} : memref<80xi32, #tpu.memory_space<vmem>>, vector<16xi32>,
      %get3A_582 = arith.index_cast %min3A_545 : i32 to index
      %get3A_583 = arith.constant 32 : index
      %get3A_584 = tpu.vector_load %arg8[%get3A_582, %get3A_583] {strides = array<i32>} : memref<125x80xi32, #tpu.memory_space<vmem>>, vector<1x16xi32>,
      %get3A_585 = vector.shape_cast %get3A_584 : vector<1x16xi32> to vector<16xi32>
      %and3A_586 = arith.constant 65535 : i32
      %and3A_587 = vector.broadcast %and3A_586 : i32 to vector<16xi32>
      %and3A_588 = arith.andi %get3A_585, %and3A_587 : vector<16xi32>
      %swap3A_589 = arith.constant 32 : index
      %swap3A_590 = tpu.vector_load %arg9[%swap3A_589] {strides = array<i32>} : memref<80xi32, #tpu.memory_space<vmem>>, vector<16xi32>,
      %swap3A_591 = vector.shape_cast %swap3A_590 : vector<16xi32> to vector<16xi32>
      %swap3A_592 = vector.shape_cast %and3A_588 : vector<16xi32> to vector<16xi32>
      tpu.vector_store %arg9[%swap3A_589], %swap3A_592 {strides = array<i32>} : memref<80xi32, #tpu.memory_space<vmem>>, vector<16xi32>,
      %shift_right_logical3A_593 = arith.constant 16 : i32
      %shift_right_logical3A_594 = vector.broadcast %shift_right_logical3A_593 : i32 to vector<16xi32>
      %shift_right_logical3A_595 = arith.shrui %get3A_585, %shift_right_logical3A_594 : vector<16xi32>
      %swap3A_596 = arith.constant 32 : index
      %swap3A_597 = tpu.vector_load %arg12[%swap3A_596] {strides = array<i32>} : memref<80xi32, #tpu.memory_space<vmem>>, vector<16xi32>,
      %swap3A_598 = vector.shape_cast %swap3A_597 : vector<16xi32> to vector<16xi32>
      %swap3A_599 = vector.shape_cast %shift_right_logical3A_595 : vector<16xi32> to vector<16xi32>
      tpu.vector_store %arg12[%swap3A_596], %swap3A_599 {strides = array<i32>} : memref<80xi32, #tpu.memory_space<vmem>>, vector<16xi32>,
      %get3A_600 = arith.index_cast %min3A_545 : i32 to index
      %get3A_601 = arith.constant 48 : index
      %get3A_602 = tpu.vector_load %arg8[%get3A_600, %get3A_601] {strides = array<i32>} : memref<125x80xi32, #tpu.memory_space<vmem>>, vector<1x16xi32>,
      %get3A_603 = vector.shape_cast %get3A_602 : vector<1x16xi32> to vector<16xi32>
      %and3A_604 = arith.constant 65535 : i32
      %and3A_605 = vector.broadcast %and3A_604 : i32 to vector<16xi32>
      %and3A_606 = arith.andi %get3A_603, %and3A_605 : vector<16xi32>
      %swap3A_607 = arith.constant 48 : index
      %swap3A_608 = tpu.vector_load %arg9[%swap3A_607] {strides = array<i32>} : memref<80xi32, #tpu.memory_space<vmem>>, vector<16xi32>,
      %swap3A_609 = vector.shape_cast %swap3A_608 : vector<16xi32> to vector<16xi32>
      %swap3A_610 = vector.shape_cast %and3A_606 : vector<16xi32> to vector<16xi32>
      tpu.vector_store %arg9[%swap3A_607], %swap3A_610 {strides = array<i32>} : memref<80xi32, #tpu.memory_space<vmem>>, vector<16xi32>,
      %shift_right_logical3A_611 = arith.constant 16 : i32
      %shift_right_logical3A_612 = vector.broadcast %shift_right_logical3A_611 : i32 to vector<16xi32>
      %shift_right_logical3A_613 = arith.shrui %get3A_603, %shift_right_logical3A_612 : vector<16xi32>
      %swap3A_614 = arith.constant 48 : index
      %swap3A_615 = tpu.vector_load %arg12[%swap3A_614] {strides = array<i32>} : memref<80xi32, #tpu.memory_space<vmem>>, vector<16xi32>,
      %swap3A_616 = vector.shape_cast %swap3A_615 : vector<16xi32> to vector<16xi32>
      %swap3A_617 = vector.shape_cast %shift_right_logical3A_613 : vector<16xi32> to vector<16xi32>
      tpu.vector_store %arg12[%swap3A_614], %swap3A_617 {strides = array<i32>} : memref<80xi32, #tpu.memory_space<vmem>>, vector<16xi32>,
      %get3A_618 = arith.index_cast %min3A_545 : i32 to index
      %get3A_619 = arith.constant 64 : index
      %get3A_620 = tpu.vector_load %arg8[%get3A_618, %get3A_619] {strides = array<i32>} : memref<125x80xi32, #tpu.memory_space<vmem>>, vector<1x16xi32>,
      %get3A_621 = vector.shape_cast %get3A_620 : vector<1x16xi32> to vector<16xi32>
      %and3A_622 = arith.constant 65535 : i32
      %and3A_623 = vector.broadcast %and3A_622 : i32 to vector<16xi32>
      %and3A_624 = arith.andi %get3A_621, %and3A_623 : vector<16xi32>
      %swap3A_625 = arith.constant 64 : index
      %swap3A_626 = tpu.vector_load %arg9[%swap3A_625] {strides = array<i32>} : memref<80xi32, #tpu.memory_space<vmem>>, vector<16xi32>,
      %swap3A_627 = vector.shape_cast %swap3A_626 : vector<16xi32> to vector<16xi32>
      %swap3A_628 = vector.shape_cast %and3A_624 : vector<16xi32> to vector<16xi32>
      tpu.vector_store %arg9[%swap3A_625], %swap3A_628 {strides = array<i32>} : memref<80xi32, #tpu.memory_space<vmem>>, vector<16xi32>,
      %shift_right_logical3A_629 = arith.constant 16 : i32
      %shift_right_logical3A_630 = vector.broadcast %shift_right_logical3A_629 : i32 to vector<16xi32>
      %shift_right_logical3A_631 = arith.shrui %get3A_621, %shift_right_logical3A_630 : vector<16xi32>
      %swap3A_632 = arith.constant 64 : index
      %swap3A_633 = tpu.vector_load %arg12[%swap3A_632] {strides = array<i32>} : memref<80xi32, #tpu.memory_space<vmem>>, vector<16xi32>,
      %swap3A_634 = vector.shape_cast %swap3A_633 : vector<16xi32> to vector<16xi32>
      %swap3A_635 = vector.shape_cast %shift_right_logical3A_631 : vector<16xi32> to vector<16xi32>
      tpu.vector_store %arg12[%swap3A_632], %swap3A_635 {strides = array<i32>} : memref<80xi32, #tpu.memory_space<vmem>>, vector<16xi32>,
      %dma_start3A_636 = arith.constant 0 : i32
      %dma_start3A_637 = arith.constant 0 : i32
      %dma_start3A_638 = tpu.memref_slice %arg2[%dma_start3A_636, %dma_start3A_637] : memref<10000x128xf32, #tpu.memory_space<hbm>> -> memref<10000x128xf32, #tpu.memory_space<hbm>>
      tpu.enqueue_indirect_dma source(%dma_start3A_638 : memref<10000x128xf32, #tpu.memory_space<hbm>>) target(%arg15 : memref<80x128xf32, #tpu.memory_space<vmem>>) offsets(%arg9 : memref<80xi32, #tpu.memory_space<vmem>>) semaphore(%arg19 : memref<!tpu.dma_semaphore, #tpu.memory_space<semaphore_mem>>)
      %mul3A_639 = arith.constant 3 : i32
      %mul3A_640 = arith.muli %mul3A_639, %scan3A_526 : i32
      %add3A_641 = arith.constant 1 : i32
      %add3A_642 = arith.addi %mul3A_640, %add3A_641 : i32
      %add3A_643 = arith.constant 1 : i32
      %add3A_644 = arith.addi %add3A_642, %add3A_643 : i32
      %dma_wait3A_645 = arith.constant 0 : i32
      %dma_wait3A_646 = arith.constant 0 : i32
      %dma_wait3A_647 = tpu.memref_slice %arg2[%dma_wait3A_645, %dma_wait3A_646] : memref<10000x128xf32, #tpu.memory_space<hbm>> -> memref<10000x128xf32, #tpu.memory_space<hbm>>
      tpu.wait_indirect_dma semaphore(%arg19 : memref<!tpu.dma_semaphore, #tpu.memory_space<semaphore_mem>>) src(%dma_wait3A_647 : memref<10000x128xf32, #tpu.memory_space<hbm>>) dst(%arg17 : memref<80x128xf32, #tpu.memory_space<vmem>>)
      %dma_start3A_648 = arith.constant 0 : i32
      %dma_start3A_649 = arith.constant 0 : i32
      %dma_start3A_650 = tpu.memref_slice %arg18[%dma_start3A_648, %dma_start3A_649] : memref<10240x128xf32, #tpu.memory_space<vmem_shared>> -> memref<10240x128xf32, #tpu.memory_space<vmem_shared>>
      tpu.enqueue_indirect_dma source(%arg17 : memref<80x128xf32, #tpu.memory_space<vmem>>) target(%dma_start3A_650 : memref<10240x128xf32, #tpu.memory_space<vmem_shared>>) offsets(%arg14 : memref<80xi32, #tpu.memory_space<vmem>>) semaphore(%arg20 : memref<!tpu.dma_semaphore, #tpu.memory_space<semaphore_mem>>) {add = true}
      %dma_wait3A_651 = arith.constant 0 : i32
      %dma_wait3A_652 = arith.constant 0 : i32
      %dma_wait3A_653 = tpu.memref_slice %arg18[%dma_wait3A_651, %dma_wait3A_652] : memref<10240x128xf32, #tpu.memory_space<vmem_shared>> -> memref<10240x128xf32, #tpu.memory_space<vmem_shared>>
      tpu.wait_indirect_dma semaphore(%arg20 : memref<!tpu.dma_semaphore, #tpu.memory_space<semaphore_mem>>) src(%arg16 : memref<80x128xf32, #tpu.memory_space<vmem>>) dst(%dma_wait3A_653 : memref<10240x128xf32, #tpu.memory_space<vmem_shared>>)
      %add3A_654 = arith.constant 2 : i32
      %add3A_655 = arith.addi %add3A_644, %add3A_654 : i32
      %min3A_656 = arith.constant 124 : i32
      %min3A_657 = arith.minsi %add3A_655, %min3A_656 : i32
      %get3A_658 = arith.index_cast %min3A_657 : i32 to index
      %get3A_659 = arith.constant 0 : index
      %get3A_660 = tpu.vector_load %arg8[%get3A_658, %get3A_659] {strides = array<i32>} : memref<125x80xi32, #tpu.memory_space<vmem>>, vector<1x16xi32>,
      %get3A_661 = vector.shape_cast %get3A_660 : vector<1x16xi32> to vector<16xi32>
      %and3A_662 = arith.constant 65535 : i32
      %and3A_663 = vector.broadcast %and3A_662 : i32 to vector<16xi32>
      %and3A_664 = arith.andi %get3A_661, %and3A_663 : vector<16xi32>
      %swap3A_665 = arith.constant 0 : index
      %swap3A_666 = tpu.vector_load %arg10[%swap3A_665] {strides = array<i32>} : memref<80xi32, #tpu.memory_space<vmem>>, vector<16xi32>,
      %swap3A_667 = vector.shape_cast %swap3A_666 : vector<16xi32> to vector<16xi32>
      %swap3A_668 = vector.shape_cast %and3A_664 : vector<16xi32> to vector<16xi32>
      tpu.vector_store %arg10[%swap3A_665], %swap3A_668 {strides = array<i32>} : memref<80xi32, #tpu.memory_space<vmem>>, vector<16xi32>,
      %shift_right_logical3A_669 = arith.constant 16 : i32
      %shift_right_logical3A_670 = vector.broadcast %shift_right_logical3A_669 : i32 to vector<16xi32>
      %shift_right_logical3A_671 = arith.shrui %get3A_661, %shift_right_logical3A_670 : vector<16xi32>
      %swap3A_672 = arith.constant 0 : index
      %swap3A_673 = tpu.vector_load %arg13[%swap3A_672] {strides = array<i32>} : memref<80xi32, #tpu.memory_space<vmem>>, vector<16xi32>,
      %swap3A_674 = vector.shape_cast %swap3A_673 : vector<16xi32> to vector<16xi32>
      %swap3A_675 = vector.shape_cast %shift_right_logical3A_671 : vector<16xi32> to vector<16xi32>
      tpu.vector_store %arg13[%swap3A_672], %swap3A_675 {strides = array<i32>} : memref<80xi32, #tpu.memory_space<vmem>>, vector<16xi32>,
      %get3A_676 = arith.index_cast %min3A_657 : i32 to index
      %get3A_677 = arith.constant 16 : index
      %get3A_678 = tpu.vector_load %arg8[%get3A_676, %get3A_677] {strides = array<i32>} : memref<125x80xi32, #tpu.memory_space<vmem>>, vector<1x16xi32>,
      %get3A_679 = vector.shape_cast %get3A_678 : vector<1x16xi32> to vector<16xi32>
      %and3A_680 = arith.constant 65535 : i32
      %and3A_681 = vector.broadcast %and3A_680 : i32 to vector<16xi32>
      %and3A_682 = arith.andi %get3A_679, %and3A_681 : vector<16xi32>
      %swap3A_683 = arith.constant 16 : index
      %swap3A_684 = tpu.vector_load %arg10[%swap3A_683] {strides = array<i32>} : memref<80xi32, #tpu.memory_space<vmem>>, vector<16xi32>,
      %swap3A_685 = vector.shape_cast %swap3A_684 : vector<16xi32> to vector<16xi32>
      %swap3A_686 = vector.shape_cast %and3A_682 : vector<16xi32> to vector<16xi32>
      tpu.vector_store %arg10[%swap3A_683], %swap3A_686 {strides = array<i32>} : memref<80xi32, #tpu.memory_space<vmem>>, vector<16xi32>,
      %shift_right_logical3A_687 = arith.constant 16 : i32
      %shift_right_logical3A_688 = vector.broadcast %shift_right_logical3A_687 : i32 to vector<16xi32>
      %shift_right_logical3A_689 = arith.shrui %get3A_679, %shift_right_logical3A_688 : vector<16xi32>
      %swap3A_690 = arith.constant 16 : index
      %swap3A_691 = tpu.vector_load %arg13[%swap3A_690] {strides = array<i32>} : memref<80xi32, #tpu.memory_space<vmem>>, vector<16xi32>,
      %swap3A_692 = vector.shape_cast %swap3A_691 : vector<16xi32> to vector<16xi32>
      %swap3A_693 = vector.shape_cast %shift_right_logical3A_689 : vector<16xi32> to vector<16xi32>
      tpu.vector_store %arg13[%swap3A_690], %swap3A_693 {strides = array<i32>} : memref<80xi32, #tpu.memory_space<vmem>>, vector<16xi32>,
      %get3A_694 = arith.index_cast %min3A_657 : i32 to index
      %get3A_695 = arith.constant 32 : index
      %get3A_696 = tpu.vector_load %arg8[%get3A_694, %get3A_695] {strides = array<i32>} : memref<125x80xi32, #tpu.memory_space<vmem>>, vector<1x16xi32>,
      %get3A_697 = vector.shape_cast %get3A_696 : vector<1x16xi32> to vector<16xi32>
      %and3A_698 = arith.constant 65535 : i32
      %and3A_699 = vector.broadcast %and3A_698 : i32 to vector<16xi32>
      %and3A_700 = arith.andi %get3A_697, %and3A_699 : vector<16xi32>
      %swap3A_701 = arith.constant 32 : index
      %swap3A_702 = tpu.vector_load %arg10[%swap3A_701] {strides = array<i32>} : memref<80xi32, #tpu.memory_space<vmem>>, vector<16xi32>,
      %swap3A_703 = vector.shape_cast %swap3A_702 : vector<16xi32> to vector<16xi32>
      %swap3A_704 = vector.shape_cast %and3A_700 : vector<16xi32> to vector<16xi32>
      tpu.vector_store %arg10[%swap3A_701], %swap3A_704 {strides = array<i32>} : memref<80xi32, #tpu.memory_space<vmem>>, vector<16xi32>,
      %shift_right_logical3A_705 = arith.constant 16 : i32
      %shift_right_logical3A_706 = vector.broadcast %shift_right_logical3A_705 : i32 to vector<16xi32>
      %shift_right_logical3A_707 = arith.shrui %get3A_697, %shift_right_logical3A_706 : vector<16xi32>
      %swap3A_708 = arith.constant 32 : index
      %swap3A_709 = tpu.vector_load %arg13[%swap3A_708] {strides = array<i32>} : memref<80xi32, #tpu.memory_space<vmem>>, vector<16xi32>,
      %swap3A_710 = vector.shape_cast %swap3A_709 : vector<16xi32> to vector<16xi32>
      %swap3A_711 = vector.shape_cast %shift_right_logical3A_707 : vector<16xi32> to vector<16xi32>
      tpu.vector_store %arg13[%swap3A_708], %swap3A_711 {strides = array<i32>} : memref<80xi32, #tpu.memory_space<vmem>>, vector<16xi32>,
      %get3A_712 = arith.index_cast %min3A_657 : i32 to index
      %get3A_713 = arith.constant 48 : index
      %get3A_714 = tpu.vector_load %arg8[%get3A_712, %get3A_713] {strides = array<i32>} : memref<125x80xi32, #tpu.memory_space<vmem>>, vector<1x16xi32>,
      %get3A_715 = vector.shape_cast %get3A_714 : vector<1x16xi32> to vector<16xi32>
      %and3A_716 = arith.constant 65535 : i32
      %and3A_717 = vector.broadcast %and3A_716 : i32 to vector<16xi32>
      %and3A_718 = arith.andi %get3A_715, %and3A_717 : vector<16xi32>
      %swap3A_719 = arith.constant 48 : index
      %swap3A_720 = tpu.vector_load %arg10[%swap3A_719] {strides = array<i32>} : memref<80xi32, #tpu.memory_space<vmem>>, vector<16xi32>,
      %swap3A_721 = vector.shape_cast %swap3A_720 : vector<16xi32> to vector<16xi32>
      %swap3A_722 = vector.shape_cast %and3A_718 : vector<16xi32> to vector<16xi32>
      tpu.vector_store %arg10[%swap3A_719], %swap3A_722 {strides = array<i32>} : memref<80xi32, #tpu.memory_space<vmem>>, vector<16xi32>,
      %shift_right_logical3A_723 = arith.constant 16 : i32
      %shift_right_logical3A_724 = vector.broadcast %shift_right_logical3A_723 : i32 to vector<16xi32>
      %shift_right_logical3A_725 = arith.shrui %get3A_715, %shift_right_logical3A_724 : vector<16xi32>
      %swap3A_726 = arith.constant 48 : index
      %swap3A_727 = tpu.vector_load %arg13[%swap3A_726] {strides = array<i32>} : memref<80xi32, #tpu.memory_space<vmem>>, vector<16xi32>,
      %swap3A_728 = vector.shape_cast %swap3A_727 : vector<16xi32> to vector<16xi32>
      %swap3A_729 = vector.shape_cast %shift_right_logical3A_725 : vector<16xi32> to vector<16xi32>
      tpu.vector_store %arg13[%swap3A_726], %swap3A_729 {strides = array<i32>} : memref<80xi32, #tpu.memory_space<vmem>>, vector<16xi32>,
      %get3A_730 = arith.index_cast %min3A_657 : i32 to index
      %get3A_731 = arith.constant 64 : index
      %get3A_732 = tpu.vector_load %arg8[%get3A_730, %get3A_731] {strides = array<i32>} : memref<125x80xi32, #tpu.memory_space<vmem>>, vector<1x16xi32>,
      %get3A_733 = vector.shape_cast %get3A_732 : vector<1x16xi32> to vector<16xi32>
      %and3A_734 = arith.constant 65535 : i32
      %and3A_735 = vector.broadcast %and3A_734 : i32 to vector<16xi32>
      %and3A_736 = arith.andi %get3A_733, %and3A_735 : vector<16xi32>
      %swap3A_737 = arith.constant 64 : index
      %swap3A_738 = tpu.vector_load %arg10[%swap3A_737] {strides = array<i32>} : memref<80xi32, #tpu.memory_space<vmem>>, vector<16xi32>,
      %swap3A_739 = vector.shape_cast %swap3A_738 : vector<16xi32> to vector<16xi32>
      %swap3A_740 = vector.shape_cast %and3A_736 : vector<16xi32> to vector<16xi32>
      tpu.vector_store %arg10[%swap3A_737], %swap3A_740 {strides = array<i32>} : memref<80xi32, #tpu.memory_space<vmem>>, vector<16xi32>,
      %shift_right_logical3A_741 = arith.constant 16 : i32
      %shift_right_logical3A_742 = vector.broadcast %shift_right_logical3A_741 : i32 to vector<16xi32>
      %shift_right_logical3A_743 = arith.shrui %get3A_733, %shift_right_logical3A_742 : vector<16xi32>
      %swap3A_744 = arith.constant 64 : index
      %swap3A_745 = tpu.vector_load %arg13[%swap3A_744] {strides = array<i32>} : memref<80xi32, #tpu.memory_space<vmem>>, vector<16xi32>,
      %swap3A_746 = vector.shape_cast %swap3A_745 : vector<16xi32> to vector<16xi32>
      %swap3A_747 = vector.shape_cast %shift_right_logical3A_743 : vector<16xi32> to vector<16xi32>
      tpu.vector_store %arg13[%swap3A_744], %swap3A_747 {strides = array<i32>} : memref<80xi32, #tpu.memory_space<vmem>>, vector<16xi32>,
      %dma_start3A_748 = arith.constant 0 : i32
      %dma_start3A_749 = arith.constant 0 : i32
      %dma_start3A_750 = tpu.memref_slice %arg2[%dma_start3A_748, %dma_start3A_749] : memref<10000x128xf32, #tpu.memory_space<hbm>> -> memref<10000x128xf32, #tpu.memory_space<hbm>>
      tpu.enqueue_indirect_dma source(%dma_start3A_750 : memref<10000x128xf32, #tpu.memory_space<hbm>>) target(%arg16 : memref<80x128xf32, #tpu.memory_space<vmem>>) offsets(%arg10 : memref<80xi32, #tpu.memory_space<vmem>>) semaphore(%arg19 : memref<!tpu.dma_semaphore, #tpu.memory_space<semaphore_mem>>)
      %mul3A_751 = arith.constant 3 : i32
      %mul3A_752 = arith.muli %mul3A_751, %scan3A_526 : i32
      %add3A_753 = arith.constant 1 : i32
      %add3A_754 = arith.addi %mul3A_752, %add3A_753 : i32
      %add3A_755 = arith.constant 2 : i32
      %add3A_756 = arith.addi %add3A_754, %add3A_755 : i32
      %dma_wait3A_757 = arith.constant 0 : i32
      %dma_wait3A_758 = arith.constant 0 : i32
      %dma_wait3A_759 = tpu.memref_slice %arg2[%dma_wait3A_757, %dma_wait3A_758] : memref<10000x128xf32, #tpu.memory_space<hbm>> -> memref<10000x128xf32, #tpu.memory_space<hbm>>
      tpu.wait_indirect_dma semaphore(%arg19 : memref<!tpu.dma_semaphore, #tpu.memory_space<semaphore_mem>>) src(%dma_wait3A_759 : memref<10000x128xf32, #tpu.memory_space<hbm>>) dst(%arg15 : memref<80x128xf32, #tpu.memory_space<vmem>>)
      %dma_start3A_760 = arith.constant 0 : i32
      %dma_start3A_761 = arith.constant 0 : i32
      %dma_start3A_762 = tpu.memref_slice %arg18[%dma_start3A_760, %dma_start3A_761] : memref<10240x128xf32, #tpu.memory_space<vmem_shared>> -> memref<10240x128xf32, #tpu.memory_space<vmem_shared>>
      tpu.enqueue_indirect_dma source(%arg15 : memref<80x128xf32, #tpu.memory_space<vmem>>) target(%dma_start3A_762 : memref<10240x128xf32, #tpu.memory_space<vmem_shared>>) offsets(%arg12 : memref<80xi32, #tpu.memory_space<vmem>>) semaphore(%arg20 : memref<!tpu.dma_semaphore, #tpu.memory_space<semaphore_mem>>) {add = true}
      %dma_wait3A_763 = arith.constant 0 : i32
      %dma_wait3A_764 = arith.constant 0 : i32
      %dma_wait3A_765 = tpu.memref_slice %arg18[%dma_wait3A_763, %dma_wait3A_764] : memref<10240x128xf32, #tpu.memory_space<vmem_shared>> -> memref<10240x128xf32, #tpu.memory_space<vmem_shared>>
      tpu.wait_indirect_dma semaphore(%arg20 : memref<!tpu.dma_semaphore, #tpu.memory_space<semaphore_mem>>) src(%arg17 : memref<80x128xf32, #tpu.memory_space<vmem>>) dst(%dma_wait3A_765 : memref<10240x128xf32, #tpu.memory_space<vmem_shared>>)
      %add3A_766 = arith.constant 2 : i32
      %add3A_767 = arith.addi %add3A_756, %add3A_766 : i32
      %min3A_768 = arith.constant 124 : i32
      %min3A_769 = arith.minsi %add3A_767, %min3A_768 : i32
      %get3A_770 = arith.index_cast %min3A_769 : i32 to index
      %get3A_771 = arith.constant 0 : index
      %get3A_772 = tpu.vector_load %arg8[%get3A_770, %get3A_771] {strides = array<i32>} : memref<125x80xi32, #tpu.memory_space<vmem>>, vector<1x16xi32>,
      %get3A_773 = vector.shape_cast %get3A_772 : vector<1x16xi32> to vector<16xi32>
      %and3A_774 = arith.constant 65535 : i32
      %and3A_775 = vector.broadcast %and3A_774 : i32 to vector<16xi32>
      %and3A_776 = arith.andi %get3A_773, %and3A_775 : vector<16xi32>
      %swap3A_777 = arith.constant 0 : index
      %swap3A_778 = tpu.vector_load %arg11[%swap3A_777] {strides = array<i32>} : memref<80xi32, #tpu.memory_space<vmem>>, vector<16xi32>,
      %swap3A_779 = vector.shape_cast %swap3A_778 : vector<16xi32> to vector<16xi32>
      %swap3A_780 = vector.shape_cast %and3A_776 : vector<16xi32> to vector<16xi32>
      tpu.vector_store %arg11[%swap3A_777], %swap3A_780 {strides = array<i32>} : memref<80xi32, #tpu.memory_space<vmem>>, vector<16xi32>,
      %shift_right_logical3A_781 = arith.constant 16 : i32
      %shift_right_logical3A_782 = vector.broadcast %shift_right_logical3A_781 : i32 to vector<16xi32>
      %shift_right_logical3A_783 = arith.shrui %get3A_773, %shift_right_logical3A_782 : vector<16xi32>
      %swap3A_784 = arith.constant 0 : index
      %swap3A_785 = tpu.vector_load %arg14[%swap3A_784] {strides = array<i32>} : memref<80xi32, #tpu.memory_space<vmem>>, vector<16xi32>,
      %swap3A_786 = vector.shape_cast %swap3A_785 : vector<16xi32> to vector<16xi32>
      %swap3A_787 = vector.shape_cast %shift_right_logical3A_783 : vector<16xi32> to vector<16xi32>
      tpu.vector_store %arg14[%swap3A_784], %swap3A_787 {strides = array<i32>} : memref<80xi32, #tpu.memory_space<vmem>>, vector<16xi32>,
      %get3A_788 = arith.index_cast %min3A_769 : i32 to index
      %get3A_789 = arith.constant 16 : index
      %get3A_790 = tpu.vector_load %arg8[%get3A_788, %get3A_789] {strides = array<i32>} : memref<125x80xi32, #tpu.memory_space<vmem>>, vector<1x16xi32>,
      %get3A_791 = vector.shape_cast %get3A_790 : vector<1x16xi32> to vector<16xi32>
      %and3A_792 = arith.constant 65535 : i32
      %and3A_793 = vector.broadcast %and3A_792 : i32 to vector<16xi32>
      %and3A_794 = arith.andi %get3A_791, %and3A_793 : vector<16xi32>
      %swap3A_795 = arith.constant 16 : index
      %swap3A_796 = tpu.vector_load %arg11[%swap3A_795] {strides = array<i32>} : memref<80xi32, #tpu.memory_space<vmem>>, vector<16xi32>,
      %swap3A_797 = vector.shape_cast %swap3A_796 : vector<16xi32> to vector<16xi32>
      %swap3A_798 = vector.shape_cast %and3A_794 : vector<16xi32> to vector<16xi32>
      tpu.vector_store %arg11[%swap3A_795], %swap3A_798 {strides = array<i32>} : memref<80xi32, #tpu.memory_space<vmem>>, vector<16xi32>,
      %shift_right_logical3A_799 = arith.constant 16 : i32
      %shift_right_logical3A_800 = vector.broadcast %shift_right_logical3A_799 : i32 to vector<16xi32>
      %shift_right_logical3A_801 = arith.shrui %get3A_791, %shift_right_logical3A_800 : vector<16xi32>
      %swap3A_802 = arith.constant 16 : index
      %swap3A_803 = tpu.vector_load %arg14[%swap3A_802] {strides = array<i32>} : memref<80xi32, #tpu.memory_space<vmem>>, vector<16xi32>,
      %swap3A_804 = vector.shape_cast %swap3A_803 : vector<16xi32> to vector<16xi32>
      %swap3A_805 = vector.shape_cast %shift_right_logical3A_801 : vector<16xi32> to vector<16xi32>
      tpu.vector_store %arg14[%swap3A_802], %swap3A_805 {strides = array<i32>} : memref<80xi32, #tpu.memory_space<vmem>>, vector<16xi32>,
      %get3A_806 = arith.index_cast %min3A_769 : i32 to index
      %get3A_807 = arith.constant 32 : index
      %get3A_808 = tpu.vector_load %arg8[%get3A_806, %get3A_807] {strides = array<i32>} : memref<125x80xi32, #tpu.memory_space<vmem>>, vector<1x16xi32>,
      %get3A_809 = vector.shape_cast %get3A_808 : vector<1x16xi32> to vector<16xi32>
      %and3A_810 = arith.constant 65535 : i32
      %and3A_811 = vector.broadcast %and3A_810 : i32 to vector<16xi32>
      %and3A_812 = arith.andi %get3A_809, %and3A_811 : vector<16xi32>
      %swap3A_813 = arith.constant 32 : index
      %swap3A_814 = tpu.vector_load %arg11[%swap3A_813] {strides = array<i32>} : memref<80xi32, #tpu.memory_space<vmem>>, vector<16xi32>,
      %swap3A_815 = vector.shape_cast %swap3A_814 : vector<16xi32> to vector<16xi32>
      %swap3A_816 = vector.shape_cast %and3A_812 : vector<16xi32> to vector<16xi32>
      tpu.vector_store %arg11[%swap3A_813], %swap3A_816 {strides = array<i32>} : memref<80xi32, #tpu.memory_space<vmem>>, vector<16xi32>,
      %shift_right_logical3A_817 = arith.constant 16 : i32
      %shift_right_logical3A_818 = vector.broadcast %shift_right_logical3A_817 : i32 to vector<16xi32>
      %shift_right_logical3A_819 = arith.shrui %get3A_809, %shift_right_logical3A_818 : vector<16xi32>
      %swap3A_820 = arith.constant 32 : index
      %swap3A_821 = tpu.vector_load %arg14[%swap3A_820] {strides = array<i32>} : memref<80xi32, #tpu.memory_space<vmem>>, vector<16xi32>,
      %swap3A_822 = vector.shape_cast %swap3A_821 : vector<16xi32> to vector<16xi32>
      %swap3A_823 = vector.shape_cast %shift_right_logical3A_819 : vector<16xi32> to vector<16xi32>
      tpu.vector_store %arg14[%swap3A_820], %swap3A_823 {strides = array<i32>} : memref<80xi32, #tpu.memory_space<vmem>>, vector<16xi32>,
      %get3A_824 = arith.index_cast %min3A_769 : i32 to index
      %get3A_825 = arith.constant 48 : index
      %get3A_826 = tpu.vector_load %arg8[%get3A_824, %get3A_825] {strides = array<i32>} : memref<125x80xi32, #tpu.memory_space<vmem>>, vector<1x16xi32>,
      %get3A_827 = vector.shape_cast %get3A_826 : vector<1x16xi32> to vector<16xi32>
      %and3A_828 = arith.constant 65535 : i32
      %and3A_829 = vector.broadcast %and3A_828 : i32 to vector<16xi32>
      %and3A_830 = arith.andi %get3A_827, %and3A_829 : vector<16xi32>
      %swap3A_831 = arith.constant 48 : index
      %swap3A_832 = tpu.vector_load %arg11[%swap3A_831] {strides = array<i32>} : memref<80xi32, #tpu.memory_space<vmem>>, vector<16xi32>,
      %swap3A_833 = vector.shape_cast %swap3A_832 : vector<16xi32> to vector<16xi32>
      %swap3A_834 = vector.shape_cast %and3A_830 : vector<16xi32> to vector<16xi32>
      tpu.vector_store %arg11[%swap3A_831], %swap3A_834 {strides = array<i32>} : memref<80xi32, #tpu.memory_space<vmem>>, vector<16xi32>,
      %shift_right_logical3A_835 = arith.constant 16 : i32
      %shift_right_logical3A_836 = vector.broadcast %shift_right_logical3A_835 : i32 to vector<16xi32>
      %shift_right_logical3A_837 = arith.shrui %get3A_827, %shift_right_logical3A_836 : vector<16xi32>
      %swap3A_838 = arith.constant 48 : index
      %swap3A_839 = tpu.vector_load %arg14[%swap3A_838] {strides = array<i32>} : memref<80xi32, #tpu.memory_space<vmem>>, vector<16xi32>,
      %swap3A_840 = vector.shape_cast %swap3A_839 : vector<16xi32> to vector<16xi32>
      %swap3A_841 = vector.shape_cast %shift_right_logical3A_837 : vector<16xi32> to vector<16xi32>
      tpu.vector_store %arg14[%swap3A_838], %swap3A_841 {strides = array<i32>} : memref<80xi32, #tpu.memory_space<vmem>>, vector<16xi32>,
      %get3A_842 = arith.index_cast %min3A_769 : i32 to index
      %get3A_843 = arith.constant 64 : index
      %get3A_844 = tpu.vector_load %arg8[%get3A_842, %get3A_843] {strides = array<i32>} : memref<125x80xi32, #tpu.memory_space<vmem>>, vector<1x16xi32>,
      %get3A_845 = vector.shape_cast %get3A_844 : vector<1x16xi32> to vector<16xi32>
      %and3A_846 = arith.constant 65535 : i32
      %and3A_847 = vector.broadcast %and3A_846 : i32 to vector<16xi32>
      %and3A_848 = arith.andi %get3A_845, %and3A_847 : vector<16xi32>
      %swap3A_849 = arith.constant 64 : index
      %swap3A_850 = tpu.vector_load %arg11[%swap3A_849] {strides = array<i32>} : memref<80xi32, #tpu.memory_space<vmem>>, vector<16xi32>,
      %swap3A_851 = vector.shape_cast %swap3A_850 : vector<16xi32> to vector<16xi32>
      %swap3A_852 = vector.shape_cast %and3A_848 : vector<16xi32> to vector<16xi32>
      tpu.vector_store %arg11[%swap3A_849], %swap3A_852 {strides = array<i32>} : memref<80xi32, #tpu.memory_space<vmem>>, vector<16xi32>,
      %shift_right_logical3A_853 = arith.constant 16 : i32
      %shift_right_logical3A_854 = vector.broadcast %shift_right_logical3A_853 : i32 to vector<16xi32>
      %shift_right_logical3A_855 = arith.shrui %get3A_845, %shift_right_logical3A_854 : vector<16xi32>
      %swap3A_856 = arith.constant 64 : index
      %swap3A_857 = tpu.vector_load %arg14[%swap3A_856] {strides = array<i32>} : memref<80xi32, #tpu.memory_space<vmem>>, vector<16xi32>,
      %swap3A_858 = vector.shape_cast %swap3A_857 : vector<16xi32> to vector<16xi32>
      %swap3A_859 = vector.shape_cast %shift_right_logical3A_855 : vector<16xi32> to vector<16xi32>
      tpu.vector_store %arg14[%swap3A_856], %swap3A_859 {strides = array<i32>} : memref<80xi32, #tpu.memory_space<vmem>>, vector<16xi32>,
      %dma_start3A_860 = arith.constant 0 : i32
      %dma_start3A_861 = arith.constant 0 : i32
      %dma_start3A_862 = tpu.memref_slice %arg2[%dma_start3A_860, %dma_start3A_861] : memref<10000x128xf32, #tpu.memory_space<hbm>> -> memref<10000x128xf32, #tpu.memory_space<hbm>>
      tpu.enqueue_indirect_dma source(%dma_start3A_862 : memref<10000x128xf32, #tpu.memory_space<hbm>>) target(%arg17 : memref<80x128xf32, #tpu.memory_space<vmem>>) offsets(%arg11 : memref<80xi32, #tpu.memory_space<vmem>>) semaphore(%arg19 : memref<!tpu.dma_semaphore, #tpu.memory_space<semaphore_mem>>)
      %scan3A_863 = arith.constant 0 : i32
      scf.yield %scan3A_863 : i32
    }
    %scan3A_302 = arith.constant 41 : i32
    %dma_wait3A_303 = arith.constant 0 : i32
    %dma_wait3A_304 = arith.constant 0 : i32
    %dma_wait3A_305 = tpu.memref_slice %arg2[%dma_wait3A_303, %dma_wait3A_304] : memref<10000x128xf32, #tpu.memory_space<hbm>> -> memref<10000x128xf32, #tpu.memory_space<hbm>>
    tpu.wait_indirect_dma semaphore(%arg19 : memref<!tpu.dma_semaphore, #tpu.memory_space<semaphore_mem>>) src(%dma_wait3A_305 : memref<10000x128xf32, #tpu.memory_space<hbm>>) dst(%arg16 : memref<80x128xf32, #tpu.memory_space<vmem>>)
    %dma_wait3A_306 = arith.constant 0 : i32
    %dma_wait3A_307 = arith.constant 0 : i32
    %dma_wait3A_308 = tpu.memref_slice %arg2[%dma_wait3A_306, %dma_wait3A_307] : memref<10000x128xf32, #tpu.memory_space<hbm>> -> memref<10000x128xf32, #tpu.memory_space<hbm>>
    tpu.wait_indirect_dma semaphore(%arg19 : memref<!tpu.dma_semaphore, #tpu.memory_space<semaphore_mem>>) src(%dma_wait3A_308 : memref<10000x128xf32, #tpu.memory_space<hbm>>) dst(%arg17 : memref<80x128xf32, #tpu.memory_space<vmem>>)
    %dma_start3A_309 = arith.constant 0 : i32
    %dma_start3A_310 = arith.constant 0 : i32
    %dma_start3A_311 = tpu.memref_slice %arg18[%dma_start3A_309, %dma_start3A_310] : memref<10240x128xf32, #tpu.memory_space<vmem_shared>> -> memref<10240x128xf32, #tpu.memory_space<vmem_shared>>
    tpu.enqueue_indirect_dma source(%arg16 : memref<80x128xf32, #tpu.memory_space<vmem>>) target(%dma_start3A_311 : memref<10240x128xf32, #tpu.memory_space<vmem_shared>>) offsets(%arg13 : memref<80xi32, #tpu.memory_space<vmem>>) semaphore(%arg20 : memref<!tpu.dma_semaphore, #tpu.memory_space<semaphore_mem>>) {add = true}
    %dma_wait3A_312 = arith.constant 0 : i32
    %dma_wait3A_313 = arith.constant 0 : i32
    %dma_wait3A_314 = tpu.memref_slice %arg18[%dma_wait3A_312, %dma_wait3A_313] : memref<10240x128xf32, #tpu.memory_space<vmem_shared>> -> memref<10240x128xf32, #tpu.memory_space<vmem_shared>>
    tpu.wait_indirect_dma semaphore(%arg20 : memref<!tpu.dma_semaphore, #tpu.memory_space<semaphore_mem>>) src(%arg15 : memref<80x128xf32, #tpu.memory_space<vmem>>) dst(%dma_wait3A_314 : memref<10240x128xf32, #tpu.memory_space<vmem_shared>>)
    %dma_wait3A_315 = arith.constant 0 : i32
    %dma_wait3A_316 = arith.constant 0 : i32
    %dma_wait3A_317 = tpu.memref_slice %arg18[%dma_wait3A_315, %dma_wait3A_316] : memref<10240x128xf32, #tpu.memory_space<vmem_shared>> -> memref<10240x128xf32, #tpu.memory_space<vmem_shared>>
    tpu.wait_indirect_dma semaphore(%arg20 : memref<!tpu.dma_semaphore, #tpu.memory_space<semaphore_mem>>) src(%arg16 : memref<80x128xf32, #tpu.memory_space<vmem>>) dst(%dma_wait3A_317 : memref<10240x128xf32, #tpu.memory_space<vmem_shared>>)
    %barrier3A_318 = arith.constant 0 : index
    tpu.barrier barrier_id(%barrier3A_318)
    "tpu.region"() ({
      %run_scoped3A = tpu.sem_alloc : memref<!tpu.dma_semaphore, #tpu.memory_space<semaphore_mem>>
      %dma_start3A_526 = arith.constant 0 : i32
      %dma_start3A_527 = tpu.memref_slice %arg6[%arg0, %mul3A_2, %dma_start3A_526] : memref<2x10240x128xf32, #tpu.memory_space<hbm>> -> memref<1x640x128xf32, #tpu.memory_space<hbm>>
      %dma_start3A_528 = tpu.memref_squeeze %dma_start3A_527 : memref<1x640x128xf32, #tpu.memory_space<hbm>> -> memref<640x128xf32, #tpu.memory_space<hbm>>
      %dma_start3A_529 = arith.constant 0 : i32
      %dma_start3A_530 = tpu.memref_slice %arg18[%mul3A_2, %dma_start3A_529] : memref<10240x128xf32, #tpu.memory_space<vmem_shared>> -> memref<640x128xf32, #tpu.memory_space<vmem_shared>>
      tpu.enqueue_dma source(%dma_start3A_530 : memref<640x128xf32, #tpu.memory_space<vmem_shared>>) target(%dma_start3A_528 : memref<640x128xf32, #tpu.memory_space<hbm>>) target_semaphore(%run_scoped3A : memref<!tpu.dma_semaphore, #tpu.memory_space<semaphore_mem>>)
      %dma_wait3A_531 = arith.constant 0 : i32
      %dma_wait3A_532 = tpu.memref_slice %arg6[%arg0, %mul3A_2, %dma_wait3A_531] : memref<2x10240x128xf32, #tpu.memory_space<hbm>> -> memref<1x640x128xf32, #tpu.memory_space<hbm>>
      %dma_wait3A_533 = tpu.memref_squeeze %dma_wait3A_532 : memref<1x640x128xf32, #tpu.memory_space<hbm>> -> memref<640x128xf32, #tpu.memory_space<hbm>>
      %dma_wait3A_534 = arith.constant 0 : i32
      %dma_wait3A_535 = tpu.memref_slice %arg18[%mul3A_2, %dma_wait3A_534] : memref<10240x128xf32, #tpu.memory_space<vmem_shared>> -> memref<640x128xf32, #tpu.memory_space<vmem_shared>>
      tpu.wait_dma2 semaphore(%run_scoped3A : memref<!tpu.dma_semaphore, #tpu.memory_space<semaphore_mem>>) src(%dma_wait3A_535 : memref<640x128xf32, #tpu.memory_space<vmem_shared>>) dst(%dma_wait3A_533 : memref<640x128xf32, #tpu.memory_space<hbm>>)
      tpu.yield
    }) : () -> ()
    "tpu.region"() ({
      %run_scoped3A = tpu.sem_alloc : memref<!tpu.dma_semaphore, #tpu.memory_space<semaphore_mem>>
      %dma_start3A_526 = arith.constant 0 : i32
      %dma_start3A_527 = tpu.memref_slice %arg18[%mul3A_2, %dma_start3A_526] : memref<10240x128xf32, #tpu.memory_space<vmem_shared>> -> memref<640x128xf32, #tpu.memory_space<vmem_shared>>
      tpu.enqueue_dma source(%arg4 : memref<640x128xf32, #tpu.memory_space<hbm>>) target(%dma_start3A_527 : memref<640x128xf32, #tpu.memory_space<vmem_shared>>) target_semaphore(%run_scoped3A : memref<!tpu.dma_semaphore, #tpu.memory_space<semaphore_mem>>)
      %dma_wait3A_528 = arith.constant 0 : i32
      %dma_wait3A_529 = tpu.memref_slice %arg18[%mul3A_2, %dma_wait3A_528] : memref<10240x128xf32, #tpu.memory_space<vmem_shared>> -> memref<640x128xf32, #tpu.memory_space<vmem_shared>>
      tpu.wait_dma2 semaphore(%run_scoped3A : memref<!tpu.dma_semaphore, #tpu.memory_space<semaphore_mem>>) src(%arg4 : memref<640x128xf32, #tpu.memory_space<hbm>>) dst(%dma_wait3A_529 : memref<640x128xf32, #tpu.memory_space<vmem_shared>>)
      tpu.yield
    }) : () -> ()
    "tpu.region"() ({
      %run_scoped3A = tpu.sem_alloc : memref<!tpu.dma_semaphore, #tpu.memory_space<semaphore_mem>>
      tpu.enqueue_dma source(%arg5 : memref<80x128xf32, #tpu.memory_space<hbm>>) target(%arg15 : memref<80x128xf32, #tpu.memory_space<vmem>>) target_semaphore(%run_scoped3A : memref<!tpu.dma_semaphore, #tpu.memory_space<semaphore_mem>>)
      tpu.wait_dma2 semaphore(%run_scoped3A : memref<!tpu.dma_semaphore, #tpu.memory_space<semaphore_mem>>) src(%arg5 : memref<80x128xf32, #tpu.memory_space<hbm>>) dst(%arg15 : memref<80x128xf32, #tpu.memory_space<vmem>>)
      tpu.yield
    }) : () -> ()
    %barrier3A_319 = arith.constant 0 : index
    tpu.barrier barrier_id(%barrier3A_319)
    %get3A_320 = arith.constant 0 : i32
    %get3A_321 = arith.index_cast %get3A_320 : i32 to index
    %get3A_322 = arith.constant 0 : index
    %get3A_323 = tpu.vector_load %arg8[%get3A_321, %get3A_322] {strides = array<i32>} : memref<125x80xi32, #tpu.memory_space<vmem>>, vector<1x16xi32>,
    %get3A_324 = vector.shape_cast %get3A_323 : vector<1x16xi32> to vector<16xi32>
    %shift_right_logical3A_325 = arith.constant 16 : i32
    %shift_right_logical3A_326 = vector.broadcast %shift_right_logical3A_325 : i32 to vector<16xi32>
    %shift_right_logical3A_327 = arith.shrui %get3A_324, %shift_right_logical3A_326 : vector<16xi32>
    %swap3A_328 = arith.constant 0 : index
    %swap3A_329 = tpu.vector_load %arg12[%swap3A_328] {strides = array<i32>} : memref<80xi32, #tpu.memory_space<vmem>>, vector<16xi32>,
    %swap3A_330 = vector.shape_cast %swap3A_329 : vector<16xi32> to vector<16xi32>
    %swap3A_331 = vector.shape_cast %shift_right_logical3A_327 : vector<16xi32> to vector<16xi32>
    tpu.vector_store %arg12[%swap3A_328], %swap3A_331 {strides = array<i32>} : memref<80xi32, #tpu.memory_space<vmem>>, vector<16xi32>,
    %get3A_332 = arith.constant 0 : i32
    %get3A_333 = arith.index_cast %get3A_332 : i32 to index
    %get3A_334 = arith.constant 16 : index
    %get3A_335 = tpu.vector_load %arg8[%get3A_333, %get3A_334] {strides = array<i32>} : memref<125x80xi32, #tpu.memory_space<vmem>>, vector<1x16xi32>,
    %get3A_336 = vector.shape_cast %get3A_335 : vector<1x16xi32> to vector<16xi32>
    %shift_right_logical3A_337 = arith.constant 16 : i32
    %shift_right_logical3A_338 = vector.broadcast %shift_right_logical3A_337 : i32 to vector<16xi32>
    %shift_right_logical3A_339 = arith.shrui %get3A_336, %shift_right_logical3A_338 : vector<16xi32>
    %swap3A_340 = arith.constant 16 : index
    %swap3A_341 = tpu.vector_load %arg12[%swap3A_340] {strides = array<i32>} : memref<80xi32, #tpu.memory_space<vmem>>, vector<16xi32>,
    %swap3A_342 = vector.shape_cast %swap3A_341 : vector<16xi32> to vector<16xi32>
    %swap3A_343 = vector.shape_cast %shift_right_logical3A_339 : vector<16xi32> to vector<16xi32>
    tpu.vector_store %arg12[%swap3A_340], %swap3A_343 {strides = array<i32>} : memref<80xi32, #tpu.memory_space<vmem>>, vector<16xi32>,
    %get3A_344 = arith.constant 0 : i32
    %get3A_345 = arith.index_cast %get3A_344 : i32 to index
    %get3A_346 = arith.constant 32 : index
    %get3A_347 = tpu.vector_load %arg8[%get3A_345, %get3A_346] {strides = array<i32>} : memref<125x80xi32, #tpu.memory_space<vmem>>, vector<1x16xi32>,
    %get3A_348 = vector.shape_cast %get3A_347 : vector<1x16xi32> to vector<16xi32>
    %shift_right_logical3A_349 = arith.constant 16 : i32
    %shift_right_logical3A_350 = vector.broadcast %shift_right_logical3A_349 : i32 to vector<16xi32>
    %shift_right_logical3A_351 = arith.shrui %get3A_348, %shift_right_logical3A_350 : vector<16xi32>
    %swap3A_352 = arith.constant 32 : index
    %swap3A_353 = tpu.vector_load %arg12[%swap3A_352] {strides = array<i32>} : memref<80xi32, #tpu.memory_space<vmem>>, vector<16xi32>,
    %swap3A_354 = vector.shape_cast %swap3A_353 : vector<16xi32> to vector<16xi32>
    %swap3A_355 = vector.shape_cast %shift_right_logical3A_351 : vector<16xi32> to vector<16xi32>
    tpu.vector_store %arg12[%swap3A_352], %swap3A_355 {strides = array<i32>} : memref<80xi32, #tpu.memory_space<vmem>>, vector<16xi32>,
    %get3A_356 = arith.constant 0 : i32
    %get3A_357 = arith.index_cast %get3A_356 : i32 to index
    %get3A_358 = arith.constant 48 : index
    %get3A_359 = tpu.vector_load %arg8[%get3A_357, %get3A_358] {strides = array<i32>} : memref<125x80xi32, #tpu.memory_space<vmem>>, vector<1x16xi32>,
    %get3A_360 = vector.shape_cast %get3A_359 : vector<1x16xi32> to vector<16xi32>
    %shift_right_logical3A_361 = arith.constant 16 : i32
    %shift_right_logical3A_362 = vector.broadcast %shift_right_logical3A_361 : i32 to vector<16xi32>
    %shift_right_logical3A_363 = arith.shrui %get3A_360, %shift_right_logical3A_362 : vector<16xi32>
    %swap3A_364 = arith.constant 48 : index
    %swap3A_365 = tpu.vector_load %arg12[%swap3A_364] {strides = array<i32>} : memref<80xi32, #tpu.memory_space<vmem>>, vector<16xi32>,
    %swap3A_366 = vector.shape_cast %swap3A_365 : vector<16xi32> to vector<16xi32>
    %swap3A_367 = vector.shape_cast %shift_right_logical3A_363 : vector<16xi32> to vector<16xi32>
    tpu.vector_store %arg12[%swap3A_364], %swap3A_367 {strides = array<i32>} : memref<80xi32, #tpu.memory_space<vmem>>, vector<16xi32>,
    %get3A_368 = arith.constant 0 : i32
    %get3A_369 = arith.index_cast %get3A_368 : i32 to index
    %get3A_370 = arith.constant 64 : index
    %get3A_371 = tpu.vector_load %arg8[%get3A_369, %get3A_370] {strides = array<i32>} : memref<125x80xi32, #tpu.memory_space<vmem>>, vector<1x16xi32>,
    %get3A_372 = vector.shape_cast %get3A_371 : vector<1x16xi32> to vector<16xi32>
    %shift_right_logical3A_373 = arith.constant 16 : i32
    %shift_right_logical3A_374 = vector.broadcast %shift_right_logical3A_373 : i32 to vector<16xi32>
    %shift_right_logical3A_375 = arith.shrui %get3A_372, %shift_right_logical3A_374 : vector<16xi32>
    %swap3A_376 = arith.constant 64 : index
    %swap3A_377 = tpu.vector_load %arg12[%swap3A_376] {strides = array<i32>} : memref<80xi32, #tpu.memory_space<vmem>>, vector<16xi32>,
    %swap3A_378 = vector.shape_cast %swap3A_377 : vector<16xi32> to vector<16xi32>
    %swap3A_379 = vector.shape_cast %shift_right_logical3A_375 : vector<16xi32> to vector<16xi32>
    tpu.vector_store %arg12[%swap3A_376], %swap3A_379 {strides = array<i32>} : memref<80xi32, #tpu.memory_space<vmem>>, vector<16xi32>,
    %dma_start3A_380 = arith.constant 0 : i32
    %dma_start3A_381 = arith.constant 0 : i32
    %dma_start3A_382 = tpu.memref_slice %arg18[%dma_start3A_380, %dma_start3A_381] : memref<10240x128xf32, #tpu.memory_space<vmem_shared>> -> memref<10240x128xf32, #tpu.memory_space<vmem_shared>>
    tpu.enqueue_indirect_dma source(%arg15 : memref<80x128xf32, #tpu.memory_space<vmem>>) target(%dma_start3A_382 : memref<10240x128xf32, #tpu.memory_space<vmem_shared>>) offsets(%arg12 : memref<80xi32, #tpu.memory_space<vmem>>) semaphore(%arg20 : memref<!tpu.dma_semaphore, #tpu.memory_space<semaphore_mem>>) {add = true}
    %get3A_383 = arith.constant 1 : i32
    %get3A_384 = arith.index_cast %get3A_383 : i32 to index
    %get3A_385 = arith.constant 0 : index
    %get3A_386 = tpu.vector_load %arg8[%get3A_384, %get3A_385] {strides = array<i32>} : memref<125x80xi32, #tpu.memory_space<vmem>>, vector<1x16xi32>,
    %get3A_387 = vector.shape_cast %get3A_386 : vector<1x16xi32> to vector<16xi32>
    %shift_right_logical3A_388 = arith.constant 16 : i32
    %shift_right_logical3A_389 = vector.broadcast %shift_right_logical3A_388 : i32 to vector<16xi32>
    %shift_right_logical3A_390 = arith.shrui %get3A_387, %shift_right_logical3A_389 : vector<16xi32>
    %swap3A_391 = arith.constant 0 : index
    %swap3A_392 = tpu.vector_load %arg13[%swap3A_391] {strides = array<i32>} : memref<80xi32, #tpu.memory_space<vmem>>, vector<16xi32>,
    %swap3A_393 = vector.shape_cast %swap3A_392 : vector<16xi32> to vector<16xi32>
    %swap3A_394 = vector.shape_cast %shift_right_logical3A_390 : vector<16xi32> to vector<16xi32>
    tpu.vector_store %arg13[%swap3A_391], %swap3A_394 {strides = array<i32>} : memref<80xi32, #tpu.memory_space<vmem>>, vector<16xi32>,
    %get3A_395 = arith.constant 1 : i32
    %get3A_396 = arith.index_cast %get3A_395 : i32 to index
    %get3A_397 = arith.constant 16 : index
    %get3A_398 = tpu.vector_load %arg8[%get3A_396, %get3A_397] {strides = array<i32>} : memref<125x80xi32, #tpu.memory_space<vmem>>, vector<1x16xi32>,
    %get3A_399 = vector.shape_cast %get3A_398 : vector<1x16xi32> to vector<16xi32>
    %shift_right_logical3A_400 = arith.constant 16 : i32
    %shift_right_logical3A_401 = vector.broadcast %shift_right_logical3A_400 : i32 to vector<16xi32>
    %shift_right_logical3A_402 = arith.shrui %get3A_399, %shift_right_logical3A_401 : vector<16xi32>
    %swap3A_403 = arith.constant 16 : index
    %swap3A_404 = tpu.vector_load %arg13[%swap3A_403] {strides = array<i32>} : memref<80xi32, #tpu.memory_space<vmem>>, vector<16xi32>,
    %swap3A_405 = vector.shape_cast %swap3A_404 : vector<16xi32> to vector<16xi32>
    %swap3A_406 = vector.shape_cast %shift_right_logical3A_402 : vector<16xi32> to vector<16xi32>
    tpu.vector_store %arg13[%swap3A_403], %swap3A_406 {strides = array<i32>} : memref<80xi32, #tpu.memory_space<vmem>>, vector<16xi32>,
    %get3A_407 = arith.constant 1 : i32
    %get3A_408 = arith.index_cast %get3A_407 : i32 to index
    %get3A_409 = arith.constant 32 : index
    %get3A_410 = tpu.vector_load %arg8[%get3A_408, %get3A_409] {strides = array<i32>} : memref<125x80xi32, #tpu.memory_space<vmem>>, vector<1x16xi32>,
    %get3A_411 = vector.shape_cast %get3A_410 : vector<1x16xi32> to vector<16xi32>
    %shift_right_logical3A_412 = arith.constant 16 : i32
    %shift_right_logical3A_413 = vector.broadcast %shift_right_logical3A_412 : i32 to vector<16xi32>
    %shift_right_logical3A_414 = arith.shrui %get3A_411, %shift_right_logical3A_413 : vector<16xi32>
    %swap3A_415 = arith.constant 32 : index
    %swap3A_416 = tpu.vector_load %arg13[%swap3A_415] {strides = array<i32>} : memref<80xi32, #tpu.memory_space<vmem>>, vector<16xi32>,
    %swap3A_417 = vector.shape_cast %swap3A_416 : vector<16xi32> to vector<16xi32>
    %swap3A_418 = vector.shape_cast %shift_right_logical3A_414 : vector<16xi32> to vector<16xi32>
    tpu.vector_store %arg13[%swap3A_415], %swap3A_418 {strides = array<i32>} : memref<80xi32, #tpu.memory_space<vmem>>, vector<16xi32>,
    %get3A_419 = arith.constant 1 : i32
    %get3A_420 = arith.index_cast %get3A_419 : i32 to index
    %get3A_421 = arith.constant 48 : index
    %get3A_422 = tpu.vector_load %arg8[%get3A_420, %get3A_421] {strides = array<i32>} : memref<125x80xi32, #tpu.memory_space<vmem>>, vector<1x16xi32>,
    %get3A_423 = vector.shape_cast %get3A_422 : vector<1x16xi32> to vector<16xi32>
    %shift_right_logical3A_424 = arith.constant 16 : i32
    %shift_right_logical3A_425 = vector.broadcast %shift_right_logical3A_424 : i32 to vector<16xi32>
    %shift_right_logical3A_426 = arith.shrui %get3A_423, %shift_right_logical3A_425 : vector<16xi32>
    %swap3A_427 = arith.constant 48 : index
    %swap3A_428 = tpu.vector_load %arg13[%swap3A_427] {strides = array<i32>} : memref<80xi32, #tpu.memory_space<vmem>>, vector<16xi32>,
    %swap3A_429 = vector.shape_cast %swap3A_428 : vector<16xi32> to vector<16xi32>
    %swap3A_430 = vector.shape_cast %shift_right_logical3A_426 : vector<16xi32> to vector<16xi32>
    tpu.vector_store %arg13[%swap3A_427], %swap3A_430 {strides = array<i32>} : memref<80xi32, #tpu.memory_space<vmem>>, vector<16xi32>,
    %get3A_431 = arith.constant 1 : i32
    %get3A_432 = arith.index_cast %get3A_431 : i32 to index
    %get3A_433 = arith.constant 64 : index
    %get3A_434 = tpu.vector_load %arg8[%get3A_432, %get3A_433] {strides = array<i32>} : memref<125x80xi32, #tpu.memory_space<vmem>>, vector<1x16xi32>,
    %get3A_435 = vector.shape_cast %get3A_434 : vector<1x16xi32> to vector<16xi32>
    %shift_right_logical3A_436 = arith.constant 16 : i32
    %shift_right_logical3A_437 = vector.broadcast %shift_right_logical3A_436 : i32 to vector<16xi32>
    %shift_right_logical3A_438 = arith.shrui %get3A_435, %shift_right_logical3A_437 : vector<16xi32>
    %swap3A_439 = arith.constant 64 : index
    %swap3A_440 = tpu.vector_load %arg13[%swap3A_439] {strides = array<i32>} : memref<80xi32, #tpu.memory_space<vmem>>, vector<16xi32>,
    %swap3A_441 = vector.shape_cast %swap3A_440 : vector<16xi32> to vector<16xi32>
    %swap3A_442 = vector.shape_cast %shift_right_logical3A_438 : vector<16xi32> to vector<16xi32>
    tpu.vector_store %arg13[%swap3A_439], %swap3A_442 {strides = array<i32>} : memref<80xi32, #tpu.memory_space<vmem>>, vector<16xi32>,
    %dma_start3A_443 = arith.constant 0 : i32
    %dma_start3A_444 = arith.constant 0 : i32
    %dma_start3A_445 = tpu.memref_slice %arg18[%dma_start3A_443, %dma_start3A_444] : memref<10240x128xf32, #tpu.memory_space<vmem_shared>> -> memref<10240x128xf32, #tpu.memory_space<vmem_shared>>
    tpu.enqueue_indirect_dma source(%arg15 : memref<80x128xf32, #tpu.memory_space<vmem>>) target(%dma_start3A_445 : memref<10240x128xf32, #tpu.memory_space<vmem_shared>>) offsets(%arg13 : memref<80xi32, #tpu.memory_space<vmem>>) semaphore(%arg20 : memref<!tpu.dma_semaphore, #tpu.memory_space<semaphore_mem>>) {add = true}
    %scan3A_446 = arith.constant 0 : i32
    %scan3A_447 = arith.constant 0 : i32
    %scan3A_448 = arith.constant 61 : i32
    %scan3A_449 = arith.addi %scan3A_447, %scan3A_448 : i32
    %scan3A_450 = arith.constant 1 : i32
    %scan3A_451 = scf.for %scan3A_526 = %scan3A_447 to %scan3A_449 step %scan3A_450 iter_args(%scan3A_527 = %scan3A_446) -> (i32)  : i32 {
      %mul3A_528 = arith.constant 2 : i32
      %mul3A_529 = arith.muli %mul3A_528, %scan3A_526 : i32
      %add3A_530 = arith.constant 2 : i32
      %add3A_531 = arith.addi %mul3A_529, %add3A_530 : i32
      %dma_wait3A_532 = arith.constant 0 : i32
      %dma_wait3A_533 = arith.constant 0 : i32
      %dma_wait3A_534 = tpu.memref_slice %arg18[%dma_wait3A_532, %dma_wait3A_533] : memref<10240x128xf32, #tpu.memory_space<vmem_shared>> -> memref<10240x128xf32, #tpu.memory_space<vmem_shared>>
      tpu.wait_indirect_dma semaphore(%arg20 : memref<!tpu.dma_semaphore, #tpu.memory_space<semaphore_mem>>) src(%arg15 : memref<80x128xf32, #tpu.memory_space<vmem>>) dst(%dma_wait3A_534 : memref<10240x128xf32, #tpu.memory_space<vmem_shared>>)
      %get3A_535 = arith.index_cast %add3A_531 : i32 to index
      %get3A_536 = arith.constant 0 : index
      %get3A_537 = tpu.vector_load %arg8[%get3A_535, %get3A_536] {strides = array<i32>} : memref<125x80xi32, #tpu.memory_space<vmem>>, vector<1x16xi32>,
      %get3A_538 = vector.shape_cast %get3A_537 : vector<1x16xi32> to vector<16xi32>
      %shift_right_logical3A_539 = arith.constant 16 : i32
      %shift_right_logical3A_540 = vector.broadcast %shift_right_logical3A_539 : i32 to vector<16xi32>
      %shift_right_logical3A_541 = arith.shrui %get3A_538, %shift_right_logical3A_540 : vector<16xi32>
      %swap3A_542 = arith.constant 0 : index
      %swap3A_543 = tpu.vector_load %arg12[%swap3A_542] {strides = array<i32>} : memref<80xi32, #tpu.memory_space<vmem>>, vector<16xi32>,
      %swap3A_544 = vector.shape_cast %swap3A_543 : vector<16xi32> to vector<16xi32>
      %swap3A_545 = vector.shape_cast %shift_right_logical3A_541 : vector<16xi32> to vector<16xi32>
      tpu.vector_store %arg12[%swap3A_542], %swap3A_545 {strides = array<i32>} : memref<80xi32, #tpu.memory_space<vmem>>, vector<16xi32>,
      %get3A_546 = arith.index_cast %add3A_531 : i32 to index
      %get3A_547 = arith.constant 16 : index
      %get3A_548 = tpu.vector_load %arg8[%get3A_546, %get3A_547] {strides = array<i32>} : memref<125x80xi32, #tpu.memory_space<vmem>>, vector<1x16xi32>,
      %get3A_549 = vector.shape_cast %get3A_548 : vector<1x16xi32> to vector<16xi32>
      %shift_right_logical3A_550 = arith.constant 16 : i32
      %shift_right_logical3A_551 = vector.broadcast %shift_right_logical3A_550 : i32 to vector<16xi32>
      %shift_right_logical3A_552 = arith.shrui %get3A_549, %shift_right_logical3A_551 : vector<16xi32>
      %swap3A_553 = arith.constant 16 : index
      %swap3A_554 = tpu.vector_load %arg12[%swap3A_553] {strides = array<i32>} : memref<80xi32, #tpu.memory_space<vmem>>, vector<16xi32>,
      %swap3A_555 = vector.shape_cast %swap3A_554 : vector<16xi32> to vector<16xi32>
      %swap3A_556 = vector.shape_cast %shift_right_logical3A_552 : vector<16xi32> to vector<16xi32>
      tpu.vector_store %arg12[%swap3A_553], %swap3A_556 {strides = array<i32>} : memref<80xi32, #tpu.memory_space<vmem>>, vector<16xi32>,
      %get3A_557 = arith.index_cast %add3A_531 : i32 to index
      %get3A_558 = arith.constant 32 : index
      %get3A_559 = tpu.vector_load %arg8[%get3A_557, %get3A_558] {strides = array<i32>} : memref<125x80xi32, #tpu.memory_space<vmem>>, vector<1x16xi32>,
      %get3A_560 = vector.shape_cast %get3A_559 : vector<1x16xi32> to vector<16xi32>
      %shift_right_logical3A_561 = arith.constant 16 : i32
      %shift_right_logical3A_562 = vector.broadcast %shift_right_logical3A_561 : i32 to vector<16xi32>
      %shift_right_logical3A_563 = arith.shrui %get3A_560, %shift_right_logical3A_562 : vector<16xi32>
      %swap3A_564 = arith.constant 32 : index
      %swap3A_565 = tpu.vector_load %arg12[%swap3A_564] {strides = array<i32>} : memref<80xi32, #tpu.memory_space<vmem>>, vector<16xi32>,
      %swap3A_566 = vector.shape_cast %swap3A_565 : vector<16xi32> to vector<16xi32>
      %swap3A_567 = vector.shape_cast %shift_right_logical3A_563 : vector<16xi32> to vector<16xi32>
      tpu.vector_store %arg12[%swap3A_564], %swap3A_567 {strides = array<i32>} : memref<80xi32, #tpu.memory_space<vmem>>, vector<16xi32>,
      %get3A_568 = arith.index_cast %add3A_531 : i32 to index
      %get3A_569 = arith.constant 48 : index
      %get3A_570 = tpu.vector_load %arg8[%get3A_568, %get3A_569] {strides = array<i32>} : memref<125x80xi32, #tpu.memory_space<vmem>>, vector<1x16xi32>,
      %get3A_571 = vector.shape_cast %get3A_570 : vector<1x16xi32> to vector<16xi32>
      %shift_right_logical3A_572 = arith.constant 16 : i32
      %shift_right_logical3A_573 = vector.broadcast %shift_right_logical3A_572 : i32 to vector<16xi32>
      %shift_right_logical3A_574 = arith.shrui %get3A_571, %shift_right_logical3A_573 : vector<16xi32>
      %swap3A_575 = arith.constant 48 : index
      %swap3A_576 = tpu.vector_load %arg12[%swap3A_575] {strides = array<i32>} : memref<80xi32, #tpu.memory_space<vmem>>, vector<16xi32>,
      %swap3A_577 = vector.shape_cast %swap3A_576 : vector<16xi32> to vector<16xi32>
      %swap3A_578 = vector.shape_cast %shift_right_logical3A_574 : vector<16xi32> to vector<16xi32>
      tpu.vector_store %arg12[%swap3A_575], %swap3A_578 {strides = array<i32>} : memref<80xi32, #tpu.memory_space<vmem>>, vector<16xi32>,
      %get3A_579 = arith.index_cast %add3A_531 : i32 to index
      %get3A_580 = arith.constant 64 : index
      %get3A_581 = tpu.vector_load %arg8[%get3A_579, %get3A_580] {strides = array<i32>} : memref<125x80xi32, #tpu.memory_space<vmem>>, vector<1x16xi32>,
      %get3A_582 = vector.shape_cast %get3A_581 : vector<1x16xi32> to vector<16xi32>
      %shift_right_logical3A_583 = arith.constant 16 : i32
      %shift_right_logical3A_584 = vector.broadcast %shift_right_logical3A_583 : i32 to vector<16xi32>
      %shift_right_logical3A_585 = arith.shrui %get3A_582, %shift_right_logical3A_584 : vector<16xi32>
      %swap3A_586 = arith.constant 64 : index
      %swap3A_587 = tpu.vector_load %arg12[%swap3A_586] {strides = array<i32>} : memref<80xi32, #tpu.memory_space<vmem>>, vector<16xi32>,
      %swap3A_588 = vector.shape_cast %swap3A_587 : vector<16xi32> to vector<16xi32>
      %swap3A_589 = vector.shape_cast %shift_right_logical3A_585 : vector<16xi32> to vector<16xi32>
      tpu.vector_store %arg12[%swap3A_586], %swap3A_589 {strides = array<i32>} : memref<80xi32, #tpu.memory_space<vmem>>, vector<16xi32>,
      %dma_start3A_590 = arith.constant 0 : i32
      %dma_start3A_591 = arith.constant 0 : i32
      %dma_start3A_592 = tpu.memref_slice %arg18[%dma_start3A_590, %dma_start3A_591] : memref<10240x128xf32, #tpu.memory_space<vmem_shared>> -> memref<10240x128xf32, #tpu.memory_space<vmem_shared>>
      tpu.enqueue_indirect_dma source(%arg15 : memref<80x128xf32, #tpu.memory_space<vmem>>) target(%dma_start3A_592 : memref<10240x128xf32, #tpu.memory_space<vmem_shared>>) offsets(%arg12 : memref<80xi32, #tpu.memory_space<vmem>>) semaphore(%arg20 : memref<!tpu.dma_semaphore, #tpu.memory_space<semaphore_mem>>) {add = true}
      %dma_wait3A_593 = arith.constant 0 : i32
      %dma_wait3A_594 = arith.constant 0 : i32
      %dma_wait3A_595 = tpu.memref_slice %arg18[%dma_wait3A_593, %dma_wait3A_594] : memref<10240x128xf32, #tpu.memory_space<vmem_shared>> -> memref<10240x128xf32, #tpu.memory_space<vmem_shared>>
      tpu.wait_indirect_dma semaphore(%arg20 : memref<!tpu.dma_semaphore, #tpu.memory_space<semaphore_mem>>) src(%arg15 : memref<80x128xf32, #tpu.memory_space<vmem>>) dst(%dma_wait3A_595 : memref<10240x128xf32, #tpu.memory_space<vmem_shared>>)
      %add3A_596 = arith.constant 1 : i32
      %add3A_597 = arith.addi %add3A_531, %add3A_596 : i32
      %get3A_598 = arith.index_cast %add3A_597 : i32 to index
      %get3A_599 = arith.constant 0 : index
      %get3A_600 = tpu.vector_load %arg8[%get3A_598, %get3A_599] {strides = array<i32>} : memref<125x80xi32, #tpu.memory_space<vmem>>, vector<1x16xi32>,
      %get3A_601 = vector.shape_cast %get3A_600 : vector<1x16xi32> to vector<16xi32>
      %shift_right_logical3A_602 = arith.constant 16 : i32
      %shift_right_logical3A_603 = vector.broadcast %shift_right_logical3A_602 : i32 to vector<16xi32>
      %shift_right_logical3A_604 = arith.shrui %get3A_601, %shift_right_logical3A_603 : vector<16xi32>
      %swap3A_605 = arith.constant 0 : index
      %swap3A_606 = tpu.vector_load %arg13[%swap3A_605] {strides = array<i32>} : memref<80xi32, #tpu.memory_space<vmem>>, vector<16xi32>,
      %swap3A_607 = vector.shape_cast %swap3A_606 : vector<16xi32> to vector<16xi32>
      %swap3A_608 = vector.shape_cast %shift_right_logical3A_604 : vector<16xi32> to vector<16xi32>
      tpu.vector_store %arg13[%swap3A_605], %swap3A_608 {strides = array<i32>} : memref<80xi32, #tpu.memory_space<vmem>>, vector<16xi32>,
      %get3A_609 = arith.index_cast %add3A_597 : i32 to index
      %get3A_610 = arith.constant 16 : index
      %get3A_611 = tpu.vector_load %arg8[%get3A_609, %get3A_610] {strides = array<i32>} : memref<125x80xi32, #tpu.memory_space<vmem>>, vector<1x16xi32>,
      %get3A_612 = vector.shape_cast %get3A_611 : vector<1x16xi32> to vector<16xi32>
      %shift_right_logical3A_613 = arith.constant 16 : i32
      %shift_right_logical3A_614 = vector.broadcast %shift_right_logical3A_613 : i32 to vector<16xi32>
      %shift_right_logical3A_615 = arith.shrui %get3A_612, %shift_right_logical3A_614 : vector<16xi32>
      %swap3A_616 = arith.constant 16 : index
      %swap3A_617 = tpu.vector_load %arg13[%swap3A_616] {strides = array<i32>} : memref<80xi32, #tpu.memory_space<vmem>>, vector<16xi32>,
      %swap3A_618 = vector.shape_cast %swap3A_617 : vector<16xi32> to vector<16xi32>
      %swap3A_619 = vector.shape_cast %shift_right_logical3A_615 : vector<16xi32> to vector<16xi32>
      tpu.vector_store %arg13[%swap3A_616], %swap3A_619 {strides = array<i32>} : memref<80xi32, #tpu.memory_space<vmem>>, vector<16xi32>,
      %get3A_620 = arith.index_cast %add3A_597 : i32 to index
      %get3A_621 = arith.constant 32 : index
      %get3A_622 = tpu.vector_load %arg8[%get3A_620, %get3A_621] {strides = array<i32>} : memref<125x80xi32, #tpu.memory_space<vmem>>, vector<1x16xi32>,
      %get3A_623 = vector.shape_cast %get3A_622 : vector<1x16xi32> to vector<16xi32>
      %shift_right_logical3A_624 = arith.constant 16 : i32
      %shift_right_logical3A_625 = vector.broadcast %shift_right_logical3A_624 : i32 to vector<16xi32>
      %shift_right_logical3A_626 = arith.shrui %get3A_623, %shift_right_logical3A_625 : vector<16xi32>
      %swap3A_627 = arith.constant 32 : index
      %swap3A_628 = tpu.vector_load %arg13[%swap3A_627] {strides = array<i32>} : memref<80xi32, #tpu.memory_space<vmem>>, vector<16xi32>,
      %swap3A_629 = vector.shape_cast %swap3A_628 : vector<16xi32> to vector<16xi32>
      %swap3A_630 = vector.shape_cast %shift_right_logical3A_626 : vector<16xi32> to vector<16xi32>
      tpu.vector_store %arg13[%swap3A_627], %swap3A_630 {strides = array<i32>} : memref<80xi32, #tpu.memory_space<vmem>>, vector<16xi32>,
      %get3A_631 = arith.index_cast %add3A_597 : i32 to index
      %get3A_632 = arith.constant 48 : index
      %get3A_633 = tpu.vector_load %arg8[%get3A_631, %get3A_632] {strides = array<i32>} : memref<125x80xi32, #tpu.memory_space<vmem>>, vector<1x16xi32>,
      %get3A_634 = vector.shape_cast %get3A_633 : vector<1x16xi32> to vector<16xi32>
      %shift_right_logical3A_635 = arith.constant 16 : i32
      %shift_right_logical3A_636 = vector.broadcast %shift_right_logical3A_635 : i32 to vector<16xi32>
      %shift_right_logical3A_637 = arith.shrui %get3A_634, %shift_right_logical3A_636 : vector<16xi32>
      %swap3A_638 = arith.constant 48 : index
      %swap3A_639 = tpu.vector_load %arg13[%swap3A_638] {strides = array<i32>} : memref<80xi32, #tpu.memory_space<vmem>>, vector<16xi32>,
      %swap3A_640 = vector.shape_cast %swap3A_639 : vector<16xi32> to vector<16xi32>
      %swap3A_641 = vector.shape_cast %shift_right_logical3A_637 : vector<16xi32> to vector<16xi32>
      tpu.vector_store %arg13[%swap3A_638], %swap3A_641 {strides = array<i32>} : memref<80xi32, #tpu.memory_space<vmem>>, vector<16xi32>,
      %get3A_642 = arith.index_cast %add3A_597 : i32 to index
      %get3A_643 = arith.constant 64 : index
      %get3A_644 = tpu.vector_load %arg8[%get3A_642, %get3A_643] {strides = array<i32>} : memref<125x80xi32, #tpu.memory_space<vmem>>, vector<1x16xi32>,
      %get3A_645 = vector.shape_cast %get3A_644 : vector<1x16xi32> to vector<16xi32>
      %shift_right_logical3A_646 = arith.constant 16 : i32
      %shift_right_logical3A_647 = vector.broadcast %shift_right_logical3A_646 : i32 to vector<16xi32>
      %shift_right_logical3A_648 = arith.shrui %get3A_645, %shift_right_logical3A_647 : vector<16xi32>
      %swap3A_649 = arith.constant 64 : index
      %swap3A_650 = tpu.vector_load %arg13[%swap3A_649] {strides = array<i32>} : memref<80xi32, #tpu.memory_space<vmem>>, vector<16xi32>,
      %swap3A_651 = vector.shape_cast %swap3A_650 : vector<16xi32> to vector<16xi32>
      %swap3A_652 = vector.shape_cast %shift_right_logical3A_648 : vector<16xi32> to vector<16xi32>
      tpu.vector_store %arg13[%swap3A_649], %swap3A_652 {strides = array<i32>} : memref<80xi32, #tpu.memory_space<vmem>>, vector<16xi32>,
      %dma_start3A_653 = arith.constant 0 : i32
      %dma_start3A_654 = arith.constant 0 : i32
      %dma_start3A_655 = tpu.memref_slice %arg18[%dma_start3A_653, %dma_start3A_654] : memref<10240x128xf32, #tpu.memory_space<vmem_shared>> -> memref<10240x128xf32, #tpu.memory_space<vmem_shared>>
      tpu.enqueue_indirect_dma source(%arg15 : memref<80x128xf32, #tpu.memory_space<vmem>>) target(%dma_start3A_655 : memref<10240x128xf32, #tpu.memory_space<vmem_shared>>) offsets(%arg13 : memref<80xi32, #tpu.memory_space<vmem>>) semaphore(%arg20 : memref<!tpu.dma_semaphore, #tpu.memory_space<semaphore_mem>>) {add = true}
      %scan3A_656 = arith.constant 0 : i32
      scf.yield %scan3A_656 : i32
    }
    %scan3A_452 = arith.constant 61 : i32
    %dma_wait3A_453 = arith.constant 0 : i32
    %dma_wait3A_454 = arith.constant 0 : i32
    %dma_wait3A_455 = tpu.memref_slice %arg18[%dma_wait3A_453, %dma_wait3A_454] : memref<10240x128xf32, #tpu.memory_space<vmem_shared>> -> memref<10240x128xf32, #tpu.memory_space<vmem_shared>>
    tpu.wait_indirect_dma semaphore(%arg20 : memref<!tpu.dma_semaphore, #tpu.memory_space<semaphore_mem>>) src(%arg15 : memref<80x128xf32, #tpu.memory_space<vmem>>) dst(%dma_wait3A_455 : memref<10240x128xf32, #tpu.memory_space<vmem_shared>>)
    %get3A_456 = arith.constant 124 : i32
    %get3A_457 = arith.index_cast %get3A_456 : i32 to index
    %get3A_458 = arith.constant 0 : index
    %get3A_459 = tpu.vector_load %arg8[%get3A_457, %get3A_458] {strides = array<i32>} : memref<125x80xi32, #tpu.memory_space<vmem>>, vector<1x16xi32>,
    %get3A_460 = vector.shape_cast %get3A_459 : vector<1x16xi32> to vector<16xi32>
    %shift_right_logical3A_461 = arith.constant 16 : i32
    %shift_right_logical3A_462 = vector.broadcast %shift_right_logical3A_461 : i32 to vector<16xi32>
    %shift_right_logical3A_463 = arith.shrui %get3A_460, %shift_right_logical3A_462 : vector<16xi32>
    %swap3A_464 = arith.constant 0 : index
    %swap3A_465 = tpu.vector_load %arg12[%swap3A_464] {strides = array<i32>} : memref<80xi32, #tpu.memory_space<vmem>>, vector<16xi32>,
    %swap3A_466 = vector.shape_cast %swap3A_465 : vector<16xi32> to vector<16xi32>
    %swap3A_467 = vector.shape_cast %shift_right_logical3A_463 : vector<16xi32> to vector<16xi32>
    tpu.vector_store %arg12[%swap3A_464], %swap3A_467 {strides = array<i32>} : memref<80xi32, #tpu.memory_space<vmem>>, vector<16xi32>,
    %get3A_468 = arith.constant 124 : i32
    %get3A_469 = arith.index_cast %get3A_468 : i32 to index
    %get3A_470 = arith.constant 16 : index
    %get3A_471 = tpu.vector_load %arg8[%get3A_469, %get3A_470] {strides = array<i32>} : memref<125x80xi32, #tpu.memory_space<vmem>>, vector<1x16xi32>,
    %get3A_472 = vector.shape_cast %get3A_471 : vector<1x16xi32> to vector<16xi32>
    %shift_right_logical3A_473 = arith.constant 16 : i32
    %shift_right_logical3A_474 = vector.broadcast %shift_right_logical3A_473 : i32 to vector<16xi32>
    %shift_right_logical3A_475 = arith.shrui %get3A_472, %shift_right_logical3A_474 : vector<16xi32>
    %swap3A_476 = arith.constant 16 : index
    %swap3A_477 = tpu.vector_load %arg12[%swap3A_476] {strides = array<i32>} : memref<80xi32, #tpu.memory_space<vmem>>, vector<16xi32>,
    %swap3A_478 = vector.shape_cast %swap3A_477 : vector<16xi32> to vector<16xi32>
    %swap3A_479 = vector.shape_cast %shift_right_logical3A_475 : vector<16xi32> to vector<16xi32>
    tpu.vector_store %arg12[%swap3A_476], %swap3A_479 {strides = array<i32>} : memref<80xi32, #tpu.memory_space<vmem>>, vector<16xi32>,
    %get3A_480 = arith.constant 124 : i32
    %get3A_481 = arith.index_cast %get3A_480 : i32 to index
    %get3A_482 = arith.constant 32 : index
    %get3A_483 = tpu.vector_load %arg8[%get3A_481, %get3A_482] {strides = array<i32>} : memref<125x80xi32, #tpu.memory_space<vmem>>, vector<1x16xi32>,
    %get3A_484 = vector.shape_cast %get3A_483 : vector<1x16xi32> to vector<16xi32>
    %shift_right_logical3A_485 = arith.constant 16 : i32
    %shift_right_logical3A_486 = vector.broadcast %shift_right_logical3A_485 : i32 to vector<16xi32>
    %shift_right_logical3A_487 = arith.shrui %get3A_484, %shift_right_logical3A_486 : vector<16xi32>
    %swap3A_488 = arith.constant 32 : index
    %swap3A_489 = tpu.vector_load %arg12[%swap3A_488] {strides = array<i32>} : memref<80xi32, #tpu.memory_space<vmem>>, vector<16xi32>,
    %swap3A_490 = vector.shape_cast %swap3A_489 : vector<16xi32> to vector<16xi32>
    %swap3A_491 = vector.shape_cast %shift_right_logical3A_487 : vector<16xi32> to vector<16xi32>
    tpu.vector_store %arg12[%swap3A_488], %swap3A_491 {strides = array<i32>} : memref<80xi32, #tpu.memory_space<vmem>>, vector<16xi32>,
    %get3A_492 = arith.constant 124 : i32
    %get3A_493 = arith.index_cast %get3A_492 : i32 to index
    %get3A_494 = arith.constant 48 : index
    %get3A_495 = tpu.vector_load %arg8[%get3A_493, %get3A_494] {strides = array<i32>} : memref<125x80xi32, #tpu.memory_space<vmem>>, vector<1x16xi32>,
    %get3A_496 = vector.shape_cast %get3A_495 : vector<1x16xi32> to vector<16xi32>
    %shift_right_logical3A_497 = arith.constant 16 : i32
    %shift_right_logical3A_498 = vector.broadcast %shift_right_logical3A_497 : i32 to vector<16xi32>
    %shift_right_logical3A_499 = arith.shrui %get3A_496, %shift_right_logical3A_498 : vector<16xi32>
    %swap3A_500 = arith.constant 48 : index
    %swap3A_501 = tpu.vector_load %arg12[%swap3A_500] {strides = array<i32>} : memref<80xi32, #tpu.memory_space<vmem>>, vector<16xi32>,
    %swap3A_502 = vector.shape_cast %swap3A_501 : vector<16xi32> to vector<16xi32>
    %swap3A_503 = vector.shape_cast %shift_right_logical3A_499 : vector<16xi32> to vector<16xi32>
    tpu.vector_store %arg12[%swap3A_500], %swap3A_503 {strides = array<i32>} : memref<80xi32, #tpu.memory_space<vmem>>, vector<16xi32>,
    %get3A_504 = arith.constant 124 : i32
    %get3A_505 = arith.index_cast %get3A_504 : i32 to index
    %get3A_506 = arith.constant 64 : index
    %get3A_507 = tpu.vector_load %arg8[%get3A_505, %get3A_506] {strides = array<i32>} : memref<125x80xi32, #tpu.memory_space<vmem>>, vector<1x16xi32>,
    %get3A_508 = vector.shape_cast %get3A_507 : vector<1x16xi32> to vector<16xi32>
    %shift_right_logical3A_509 = arith.constant 16 : i32
    %shift_right_logical3A_510 = vector.broadcast %shift_right_logical3A_509 : i32 to vector<16xi32>
    %shift_right_logical3A_511 = arith.shrui %get3A_508, %shift_right_logical3A_510 : vector<16xi32>
    %swap3A_512 = arith.constant 64 : index
    %swap3A_513 = tpu.vector_load %arg12[%swap3A_512] {strides = array<i32>} : memref<80xi32, #tpu.memory_space<vmem>>, vector<16xi32>,
    %swap3A_514 = vector.shape_cast %swap3A_513 : vector<16xi32> to vector<16xi32>
    %swap3A_515 = vector.shape_cast %shift_right_logical3A_511 : vector<16xi32> to vector<16xi32>
    tpu.vector_store %arg12[%swap3A_512], %swap3A_515 {strides = array<i32>} : memref<80xi32, #tpu.memory_space<vmem>>, vector<16xi32>,
    %dma_start3A_516 = arith.constant 0 : i32
    %dma_start3A_517 = arith.constant 0 : i32
    %dma_start3A_518 = tpu.memref_slice %arg18[%dma_start3A_516, %dma_start3A_517] : memref<10240x128xf32, #tpu.memory_space<vmem_shared>> -> memref<10240x128xf32, #tpu.memory_space<vmem_shared>>
    tpu.enqueue_indirect_dma source(%arg15 : memref<80x128xf32, #tpu.memory_space<vmem>>) target(%dma_start3A_518 : memref<10240x128xf32, #tpu.memory_space<vmem_shared>>) offsets(%arg12 : memref<80xi32, #tpu.memory_space<vmem>>) semaphore(%arg20 : memref<!tpu.dma_semaphore, #tpu.memory_space<semaphore_mem>>) {add = true}
    %dma_wait3A_519 = arith.constant 0 : i32
    %dma_wait3A_520 = arith.constant 0 : i32
    %dma_wait3A_521 = tpu.memref_slice %arg18[%dma_wait3A_519, %dma_wait3A_520] : memref<10240x128xf32, #tpu.memory_space<vmem_shared>> -> memref<10240x128xf32, #tpu.memory_space<vmem_shared>>
    tpu.wait_indirect_dma semaphore(%arg20 : memref<!tpu.dma_semaphore, #tpu.memory_space<semaphore_mem>>) src(%arg15 : memref<80x128xf32, #tpu.memory_space<vmem>>) dst(%dma_wait3A_521 : memref<10240x128xf32, #tpu.memory_space<vmem_shared>>)
    %dma_wait3A_522 = arith.constant 0 : i32
    %dma_wait3A_523 = arith.constant 0 : i32
    %dma_wait3A_524 = tpu.memref_slice %arg18[%dma_wait3A_522, %dma_wait3A_523] : memref<10240x128xf32, #tpu.memory_space<vmem_shared>> -> memref<10240x128xf32, #tpu.memory_space<vmem_shared>>
    tpu.wait_indirect_dma semaphore(%arg20 : memref<!tpu.dma_semaphore, #tpu.memory_space<semaphore_mem>>) src(%arg15 : memref<80x128xf32, #tpu.memory_space<vmem>>) dst(%dma_wait3A_524 : memref<10240x128xf32, #tpu.memory_space<vmem_shared>>)
    %barrier3A_525 = arith.constant 0 : index
    tpu.barrier barrier_id(%barrier3A_525)
    "tpu.region"() ({
      %run_scoped3A = tpu.sem_alloc : memref<!tpu.dma_semaphore, #tpu.memory_space<semaphore_mem>>
      %dma_start3A_526 = arith.constant 0 : i32
      %dma_start3A_527 = tpu.memref_slice %arg7[%arg0, %mul3A_2, %dma_start3A_526] : memref<2x10240x128xf32, #tpu.memory_space<hbm>> -> memref<1x640x128xf32, #tpu.memory_space<hbm>>
      %dma_start3A_528 = tpu.memref_squeeze %dma_start3A_527 : memref<1x640x128xf32, #tpu.memory_space<hbm>> -> memref<640x128xf32, #tpu.memory_space<hbm>>
      %dma_start3A_529 = arith.constant 0 : i32
      %dma_start3A_530 = tpu.memref_slice %arg18[%mul3A_2, %dma_start3A_529] : memref<10240x128xf32, #tpu.memory_space<vmem_shared>> -> memref<640x128xf32, #tpu.memory_space<vmem_shared>>
      tpu.enqueue_dma source(%dma_start3A_530 : memref<640x128xf32, #tpu.memory_space<vmem_shared>>) target(%dma_start3A_528 : memref<640x128xf32, #tpu.memory_space<hbm>>) target_semaphore(%run_scoped3A : memref<!tpu.dma_semaphore, #tpu.memory_space<semaphore_mem>>)
      %dma_wait3A_531 = arith.constant 0 : i32
      %dma_wait3A_532 = tpu.memref_slice %arg7[%arg0, %mul3A_2, %dma_wait3A_531] : memref<2x10240x128xf32, #tpu.memory_space<hbm>> -> memref<1x640x128xf32, #tpu.memory_space<hbm>>
      %dma_wait3A_533 = tpu.memref_squeeze %dma_wait3A_532 : memref<1x640x128xf32, #tpu.memory_space<hbm>> -> memref<640x128xf32, #tpu.memory_space<hbm>>
      %dma_wait3A_534 = arith.constant 0 : i32
      %dma_wait3A_535 = tpu.memref_slice %arg18[%mul3A_2, %dma_wait3A_534] : memref<10240x128xf32, #tpu.memory_space<vmem_shared>> -> memref<640x128xf32, #tpu.memory_space<vmem_shared>>
      tpu.wait_dma2 semaphore(%run_scoped3A : memref<!tpu.dma_semaphore, #tpu.memory_space<semaphore_mem>>) src(%dma_wait3A_535 : memref<640x128xf32, #tpu.memory_space<vmem_shared>>) dst(%dma_wait3A_533 : memref<640x128xf32, #tpu.memory_space<hbm>>)
      tpu.yield
    }) : () -> ()
    return
  }
}

module attributes {stable_mosaic.version = 14 : i64} {
  func.func @_inproj_body(%arg0: i32, %arg1: memref<5000x128xf32, #tpu.memory_space<vmem>>, %arg2: memref<128x128xf32, #tpu.memory_space<vmem>>, %arg3: memref<1x128xf32, #tpu.memory_space<vmem>>, %arg4: memref<5000x128xf32, #tpu.memory_space<vmem>>) attributes {dimension_semantics = [#tpu.dimension_semantics<arbitrary>], iteration_bounds = array<i64: 2>, scalar_prefetch = 0 : i64, scratch_operands = 0 : i64, tpu.core_type = #tpu.core_type<tc>, window_params = [{transform_indices = @transform_0, window_bounds = array<i64: 5000, 128>}, {pipeline_mode = #tpu.pipeline_mode<synchronous>, transform_indices = @transform_1, window_bounds = array<i64: 128, 128>}, {pipeline_mode = #tpu.pipeline_mode<synchronous>, transform_indices = @transform_2, window_bounds = array<i64: 1, 128>}, {transform_indices = @transform_3, window_bounds = array<i64: 5000, 128>}]} {
    %get3A = arith.constant 0 : index
    %get3A_0 = arith.constant 0 : index
    %get3A_1 = vector.load %arg1[%get3A, %get3A_0] : memref<5000x128xf32, #tpu.memory_space<vmem>>, vector<5000x128xf32>
    %get3A_2 = arith.constant 0 : index
    %get3A_3 = arith.constant 0 : index
    %get3A_4 = vector.load %arg2[%get3A_2, %get3A_3] : memref<128x128xf32, #tpu.memory_space<vmem>>, vector<128x128xf32>
    %dot_general3A = arith.constant dense<0.000000e+00> : vector<5000x128xf32>
    %dot_general3A_5 = tpu.matmul %get3A_1, %get3A_4, %dot_general3A {dimension_numbers = #tpu.dot_dimension_numbers<[1], [0], [0], [1], [0, 0, 1, 1], [], []>, transpose_lhs_hint = false} : vector<5000x128xf32>, vector<128x128xf32>, vector<5000x128xf32> -> vector<5000x128xf32>
    %get3A_6 = arith.constant 0 : index
    %get3A_7 = arith.constant 0 : index
    %get3A_8 = vector.load %arg3[%get3A_6, %get3A_7] : memref<1x128xf32, #tpu.memory_space<vmem>>, vector<1x128xf32>
    %add3A = vector.broadcast %get3A_8 : vector<1x128xf32> to vector<5000x128xf32>
    %add3A_9 = arith.addf %dot_general3A_5, %add3A : vector<5000x128xf32>
    %swap3A = arith.constant 0 : index
    %swap3A_10 = arith.constant 0 : index
    %swap3A_11 = vector.load %arg4[%swap3A, %swap3A_10] : memref<5000x128xf32, #tpu.memory_space<vmem>>, vector<5000x128xf32>
    tpu.vector_store %arg4[%swap3A, %swap3A_10], %add3A_9 {strides = array<i32>} : memref<5000x128xf32, #tpu.memory_space<vmem>>, vector<5000x128xf32>,
    return
  }
  func.func @transform_0(%arg0: i32) -> (i32, i32) {
    %c0_i32 = arith.constant 0 : i32
    %c0_i32_0 = arith.constant 0 : i32
    return %arg0, %c0_i32 : i32, i32
  }
  func.func @transform_1(%arg0: i32) -> (i32, i32) {
    %c0_i32 = arith.constant 0 : i32
    %c0_i32_0 = arith.constant 0 : i32
    %c0_i32_1 = arith.constant 0 : i32
    return %c0_i32, %c0_i32_0 : i32, i32
  }
  func.func @transform_2(%arg0: i32) -> (i32, i32) {
    %c0_i32 = arith.constant 0 : i32
    %c0_i32_0 = arith.constant 0 : i32
    %c0_i32_1 = arith.constant 0 : i32
    return %c0_i32, %c0_i32_0 : i32, i32
  }
  func.func @transform_3(%arg0: i32) -> (i32, i32) {
    %c0_i32 = arith.constant 0 : i32
    %c0_i32_0 = arith.constant 0 : i32
    return %arg0, %c0_i32 : i32, i32
  }
}

module attributes {stable_mosaic.version = 14 : i64} {
  func.func @_combine_body(%arg0: i32, %arg1: memref<5000x128xf32, #tpu.memory_space<vmem>>, %arg2: memref<2x5000x128xf32, #tpu.memory_space<vmem>>, %arg3: memref<2x5000x128xf32, #tpu.memory_space<vmem>>, %arg4: memref<128x128xf32, #tpu.memory_space<vmem>>, %arg5: memref<1x128xf32, #tpu.memory_space<vmem>>, %arg6: memref<1x128xf32, #tpu.memory_space<vmem>>, %arg7: memref<1x128xf32, #tpu.memory_space<vmem>>, %arg8: memref<128x128xf32, #tpu.memory_space<vmem>>, %arg9: memref<1x128xf32, #tpu.memory_space<vmem>>, %arg10: memref<5000x128xf32, #tpu.memory_space<vmem>>) attributes {dimension_semantics = [#tpu.dimension_semantics<arbitrary>], iteration_bounds = array<i64: 2>, scalar_prefetch = 0 : i64, scratch_operands = 0 : i64, tpu.core_type = #tpu.core_type<tc>, window_params = [{transform_indices = @transform_0, window_bounds = array<i64: 5000, 128>}, {transform_indices = @transform_1, window_bounds = array<i64: 2, 5000, 128>}, {transform_indices = @transform_2, window_bounds = array<i64: 2, 5000, 128>}, {pipeline_mode = #tpu.pipeline_mode<synchronous>, transform_indices = @transform_3, window_bounds = array<i64: 128, 128>}, {pipeline_mode = #tpu.pipeline_mode<synchronous>, transform_indices = @transform_4, window_bounds = array<i64: 1, 128>}, {pipeline_mode = #tpu.pipeline_mode<synchronous>, transform_indices = @transform_5, window_bounds = array<i64: 1, 128>}, {pipeline_mode = #tpu.pipeline_mode<synchronous>, transform_indices = @transform_6, window_bounds = array<i64: 1, 128>}, {pipeline_mode = #tpu.pipeline_mode<synchronous>, transform_indices = @transform_7, window_bounds = array<i64: 128, 128>}, {pipeline_mode = #tpu.pipeline_mode<synchronous>, transform_indices = @transform_8, window_bounds = array<i64: 1, 128>}, {transform_indices = @transform_9, window_bounds = array<i64: 5000, 128>}]} {
    %get3A = arith.constant 0 : index
    %get3A_0 = arith.constant 0 : index
    %get3A_1 = arith.constant 0 : index
    %get3A_2 = vector.load %arg2[%get3A, %get3A_0, %get3A_1] : memref<2x5000x128xf32, #tpu.memory_space<vmem>>, vector<1x5000x128xf32>
    %get3A_3 = vector.shape_cast %get3A_2 : vector<1x5000x128xf32> to vector<5000x128xf32>
    %get3A_4 = arith.constant 1 : index
    %get3A_5 = arith.constant 0 : index
    %get3A_6 = arith.constant 0 : index
    %get3A_7 = vector.load %arg2[%get3A_4, %get3A_5, %get3A_6] : memref<2x5000x128xf32, #tpu.memory_space<vmem>>, vector<1x5000x128xf32>
    %get3A_8 = vector.shape_cast %get3A_7 : vector<1x5000x128xf32> to vector<5000x128xf32>
    %add3A = arith.addf %get3A_3, %get3A_8 : vector<5000x128xf32>
    %get3A_9 = arith.constant 0 : index
    %get3A_10 = arith.constant 0 : index
    %get3A_11 = arith.constant 0 : index
    %get3A_12 = vector.load %arg3[%get3A_9, %get3A_10, %get3A_11] : memref<2x5000x128xf32, #tpu.memory_space<vmem>>, vector<1x5000x1xf32>
    %get3A_13 = vector.shape_cast %get3A_12 : vector<1x5000x1xf32> to vector<5000x1xf32>
    %get3A_14 = arith.constant 1 : index
    %get3A_15 = arith.constant 0 : index
    %get3A_16 = arith.constant 0 : index
    %get3A_17 = vector.load %arg3[%get3A_14, %get3A_15, %get3A_16] : memref<2x5000x128xf32, #tpu.memory_space<vmem>>, vector<1x5000x1xf32>
    %get3A_18 = vector.shape_cast %get3A_17 : vector<1x5000x1xf32> to vector<5000x1xf32>
    %add3A_19 = arith.addf %get3A_13, %get3A_18 : vector<5000x1xf32>
    %max3A = arith.constant 1.000000e+00 : f32
    %max3A_20 = vector.broadcast %max3A : f32 to vector<5000x1xf32>
    %max3A_21 = arith.maximumf %add3A_19, %max3A_20 : vector<5000x1xf32>
    %div3A = vector.broadcast %max3A_21 : vector<5000x1xf32> to vector<5000x128xf32>
    %div3A_22 = arith.divf %add3A, %div3A : vector<5000x128xf32>
    %get3A_23 = arith.constant 0 : index
    %get3A_24 = arith.constant 0 : index
    %get3A_25 = vector.load %arg4[%get3A_23, %get3A_24] : memref<128x128xf32, #tpu.memory_space<vmem>>, vector<128x128xf32>
    %dot_general3A = arith.constant dense<0.000000e+00> : vector<5000x128xf32>
    %dot_general3A_26 = tpu.matmul %div3A_22, %get3A_25, %dot_general3A {dimension_numbers = #tpu.dot_dimension_numbers<[1], [0], [0], [1], [0, 0, 1, 1], [], []>, transpose_lhs_hint = false} : vector<5000x128xf32>, vector<128x128xf32>, vector<5000x128xf32> -> vector<5000x128xf32>
    %get3A_27 = arith.constant 0 : index
    %get3A_28 = arith.constant 0 : index
    %get3A_29 = vector.load %arg5[%get3A_27, %get3A_28] : memref<1x128xf32, #tpu.memory_space<vmem>>, vector<1x128xf32>
    %add3A_30 = vector.broadcast %get3A_29 : vector<1x128xf32> to vector<5000x128xf32>
    %add3A_31 = arith.addf %dot_general3A_26, %add3A_30 : vector<5000x128xf32>
    %get3A_32 = arith.constant 0 : index
    %get3A_33 = arith.constant 0 : index
    %get3A_34 = vector.load %arg1[%get3A_32, %get3A_33] : memref<5000x128xf32, #tpu.memory_space<vmem>>, vector<5000x128xf32>
    %add3A_35 = arith.addf %get3A_34, %add3A_31 : vector<5000x128xf32>
    %reduce_sum3A = arith.constant dense<0.000000e+00> : vector<5000xf32>
    %reduce_sum3A_36 = vector.multi_reduction <add>, %add3A_35, %reduce_sum3A [1] : vector<5000x128xf32> to vector<5000xf32>
    %broadcast_in_dim3A = vector.shape_cast %reduce_sum3A_36 : vector<5000xf32> to vector<5000x1xf32>
    %div3A_37 = arith.constant 1.280000e+02 : f32
    %div3A_38 = vector.broadcast %div3A_37 : f32 to vector<5000x1xf32>
    %div3A_39 = arith.divf %broadcast_in_dim3A, %div3A_38 : vector<5000x1xf32>
    %sub3A = vector.broadcast %div3A_39 : vector<5000x1xf32> to vector<5000x128xf32>
    %sub3A_40 = arith.subf %add3A_35, %sub3A : vector<5000x128xf32>
    %integer_pow3A = arith.mulf %sub3A_40, %sub3A_40 : vector<5000x128xf32>
    %reduce_sum3A_41 = arith.constant dense<0.000000e+00> : vector<5000xf32>
    %reduce_sum3A_42 = vector.multi_reduction <add>, %integer_pow3A, %reduce_sum3A_41 [1] : vector<5000x128xf32> to vector<5000xf32>
    %broadcast_in_dim3A_43 = vector.shape_cast %reduce_sum3A_42 : vector<5000xf32> to vector<5000x1xf32>
    %div3A_44 = arith.constant 1.280000e+02 : f32
    %div3A_45 = vector.broadcast %div3A_44 : f32 to vector<5000x1xf32>
    %div3A_46 = arith.divf %broadcast_in_dim3A_43, %div3A_45 : vector<5000x1xf32>
    %sub3A_47 = vector.broadcast %div3A_39 : vector<5000x1xf32> to vector<5000x128xf32>
    %sub3A_48 = arith.subf %add3A_35, %sub3A_47 : vector<5000x128xf32>
    %add3A_49 = arith.constant 9.99999974E-6 : f32
    %add3A_50 = vector.broadcast %add3A_49 : f32 to vector<5000x1xf32>
    %add3A_51 = arith.addf %div3A_46, %add3A_50 : vector<5000x1xf32>
    %rsqrt3A = math.rsqrt %add3A_51 : vector<5000x1xf32>
    %mul3A = vector.broadcast %rsqrt3A : vector<5000x1xf32> to vector<5000x128xf32>
    %mul3A_52 = arith.mulf %sub3A_48, %mul3A : vector<5000x128xf32>
    %get3A_53 = arith.constant 0 : index
    %get3A_54 = arith.constant 0 : index
    %get3A_55 = vector.load %arg6[%get3A_53, %get3A_54] : memref<1x128xf32, #tpu.memory_space<vmem>>, vector<1x128xf32>
    %mul3A_56 = vector.broadcast %get3A_55 : vector<1x128xf32> to vector<5000x128xf32>
    %mul3A_57 = arith.mulf %mul3A_52, %mul3A_56 : vector<5000x128xf32>
    %get3A_58 = arith.constant 0 : index
    %get3A_59 = arith.constant 0 : index
    %get3A_60 = vector.load %arg7[%get3A_58, %get3A_59] : memref<1x128xf32, #tpu.memory_space<vmem>>, vector<1x128xf32>
    %add3A_61 = vector.broadcast %get3A_60 : vector<1x128xf32> to vector<5000x128xf32>
    %add3A_62 = arith.addf %mul3A_57, %add3A_61 : vector<5000x128xf32>
    %max3A_63 = arith.constant 0.000000e+00 : f32
    %max3A_64 = vector.broadcast %max3A_63 : f32 to vector<5000x128xf32>
    %max3A_65 = arith.maximumf %add3A_62, %max3A_64 : vector<5000x128xf32>
    %swap3A = arith.constant 0 : index
    %swap3A_66 = arith.constant 0 : index
    %swap3A_67 = vector.load %arg10[%swap3A, %swap3A_66] : memref<5000x128xf32, #tpu.memory_space<vmem>>, vector<5000x128xf32>
    tpu.vector_store %arg10[%swap3A, %swap3A_66], %max3A_65 {strides = array<i32>} : memref<5000x128xf32, #tpu.memory_space<vmem>>, vector<5000x128xf32>,
    return
  }
  func.func @transform_0(%arg0: i32) -> (i32, i32) {
    %c0_i32 = arith.constant 0 : i32
    %c0_i32_0 = arith.constant 0 : i32
    return %arg0, %c0_i32 : i32, i32
  }
  func.func @transform_1(%arg0: i32) -> (i32, i32, i32) {
    %c0_i32 = arith.constant 0 : i32
    %c0_i32_0 = arith.constant 0 : i32
    %c0_i32_1 = arith.constant 0 : i32
    return %c0_i32, %arg0, %c0_i32_0 : i32, i32, i32
  }
  func.func @transform_2(%arg0: i32) -> (i32, i32, i32) {
    %c0_i32 = arith.constant 0 : i32
    %c0_i32_0 = arith.constant 0 : i32
    %c0_i32_1 = arith.constant 0 : i32
    return %c0_i32, %arg0, %c0_i32_0 : i32, i32, i32
  }
  func.func @transform_3(%arg0: i32) -> (i32, i32) {
    %c0_i32 = arith.constant 0 : i32
    %c0_i32_0 = arith.constant 0 : i32
    %c0_i32_1 = arith.constant 0 : i32
    return %c0_i32, %c0_i32_0 : i32, i32
  }
  func.func @transform_4(%arg0: i32) -> (i32, i32) {
    %c0_i32 = arith.constant 0 : i32
    %c0_i32_0 = arith.constant 0 : i32
    %c0_i32_1 = arith.constant 0 : i32
    return %c0_i32, %c0_i32_0 : i32, i32
  }
  func.func @transform_5(%arg0: i32) -> (i32, i32) {
    %c0_i32 = arith.constant 0 : i32
    %c0_i32_0 = arith.constant 0 : i32
    %c0_i32_1 = arith.constant 0 : i32
    return %c0_i32, %c0_i32_0 : i32, i32
  }
  func.func @transform_6(%arg0: i32) -> (i32, i32) {
    %c0_i32 = arith.constant 0 : i32
    %c0_i32_0 = arith.constant 0 : i32
    %c0_i32_1 = arith.constant 0 : i32
    return %c0_i32, %c0_i32_0 : i32, i32
  }
  func.func @transform_7(%arg0: i32) -> (i32, i32) {
    %c0_i32 = arith.constant 0 : i32
    %c0_i32_0 = arith.constant 0 : i32
    %c0_i32_1 = arith.constant 0 : i32
    return %c0_i32, %c0_i32_0 : i32, i32
  }
  func.func @transform_8(%arg0: i32) -> (i32, i32) {
    %c0_i32 = arith.constant 0 : i32
    %c0_i32_0 = arith.constant 0 : i32
    %c0_i32_1 = arith.constant 0 : i32
    return %c0_i32, %c0_i32_0 : i32, i32
  }
  func.func @transform_9(%arg0: i32) -> (i32, i32) {
    %c0_i32 = arith.constant 0 : i32
    %c0_i32_0 = arith.constant 0 : i32
    return %arg0, %c0_i32 : i32, i32
  }
}

module attributes {stable_mosaic.version = 14 : i64} {
  func.func @_combine_body(%arg0: i32, %arg1: memref<5000x128xf32, #tpu.memory_space<vmem>>, %arg2: memref<2x5000x128xf32, #tpu.memory_space<vmem>>, %arg3: memref<2x5000x128xf32, #tpu.memory_space<vmem>>, %arg4: memref<128x128xf32, #tpu.memory_space<vmem>>, %arg5: memref<1x128xf32, #tpu.memory_space<vmem>>, %arg6: memref<1x128xf32, #tpu.memory_space<vmem>>, %arg7: memref<1x128xf32, #tpu.memory_space<vmem>>, %arg8: memref<128x128xf32, #tpu.memory_space<vmem>>, %arg9: memref<1x128xf32, #tpu.memory_space<vmem>>, %arg10: memref<5000x128xf32, #tpu.memory_space<vmem>>) attributes {dimension_semantics = [#tpu.dimension_semantics<arbitrary>], iteration_bounds = array<i64: 2>, scalar_prefetch = 0 : i64, scratch_operands = 0 : i64, tpu.core_type = #tpu.core_type<tc>, window_params = [{transform_indices = @transform_0, window_bounds = array<i64: 5000, 128>}, {transform_indices = @transform_1, window_bounds = array<i64: 2, 5000, 128>}, {transform_indices = @transform_2, window_bounds = array<i64: 2, 5000, 128>}, {pipeline_mode = #tpu.pipeline_mode<synchronous>, transform_indices = @transform_3, window_bounds = array<i64: 128, 128>}, {pipeline_mode = #tpu.pipeline_mode<synchronous>, transform_indices = @transform_4, window_bounds = array<i64: 1, 128>}, {pipeline_mode = #tpu.pipeline_mode<synchronous>, transform_indices = @transform_5, window_bounds = array<i64: 1, 128>}, {pipeline_mode = #tpu.pipeline_mode<synchronous>, transform_indices = @transform_6, window_bounds = array<i64: 1, 128>}, {pipeline_mode = #tpu.pipeline_mode<synchronous>, transform_indices = @transform_7, window_bounds = array<i64: 128, 128>}, {pipeline_mode = #tpu.pipeline_mode<synchronous>, transform_indices = @transform_8, window_bounds = array<i64: 1, 128>}, {transform_indices = @transform_9, window_bounds = array<i64: 5000, 128>}]} {
    %get3A = arith.constant 0 : index
    %get3A_0 = arith.constant 0 : index
    %get3A_1 = arith.constant 0 : index
    %get3A_2 = vector.load %arg2[%get3A, %get3A_0, %get3A_1] : memref<2x5000x128xf32, #tpu.memory_space<vmem>>, vector<1x5000x128xf32>
    %get3A_3 = vector.shape_cast %get3A_2 : vector<1x5000x128xf32> to vector<5000x128xf32>
    %get3A_4 = arith.constant 1 : index
    %get3A_5 = arith.constant 0 : index
    %get3A_6 = arith.constant 0 : index
    %get3A_7 = vector.load %arg2[%get3A_4, %get3A_5, %get3A_6] : memref<2x5000x128xf32, #tpu.memory_space<vmem>>, vector<1x5000x128xf32>
    %get3A_8 = vector.shape_cast %get3A_7 : vector<1x5000x128xf32> to vector<5000x128xf32>
    %add3A = arith.addf %get3A_3, %get3A_8 : vector<5000x128xf32>
    %get3A_9 = arith.constant 0 : index
    %get3A_10 = arith.constant 0 : index
    %get3A_11 = arith.constant 0 : index
    %get3A_12 = vector.load %arg3[%get3A_9, %get3A_10, %get3A_11] : memref<2x5000x128xf32, #tpu.memory_space<vmem>>, vector<1x5000x1xf32>
    %get3A_13 = vector.shape_cast %get3A_12 : vector<1x5000x1xf32> to vector<5000x1xf32>
    %get3A_14 = arith.constant 1 : index
    %get3A_15 = arith.constant 0 : index
    %get3A_16 = arith.constant 0 : index
    %get3A_17 = vector.load %arg3[%get3A_14, %get3A_15, %get3A_16] : memref<2x5000x128xf32, #tpu.memory_space<vmem>>, vector<1x5000x1xf32>
    %get3A_18 = vector.shape_cast %get3A_17 : vector<1x5000x1xf32> to vector<5000x1xf32>
    %add3A_19 = arith.addf %get3A_13, %get3A_18 : vector<5000x1xf32>
    %max3A = arith.constant 1.000000e+00 : f32
    %max3A_20 = vector.broadcast %max3A : f32 to vector<5000x1xf32>
    %max3A_21 = arith.maximumf %add3A_19, %max3A_20 : vector<5000x1xf32>
    %div3A = vector.broadcast %max3A_21 : vector<5000x1xf32> to vector<5000x128xf32>
    %div3A_22 = arith.divf %add3A, %div3A : vector<5000x128xf32>
    %get3A_23 = arith.constant 0 : index
    %get3A_24 = arith.constant 0 : index
    %get3A_25 = vector.load %arg4[%get3A_23, %get3A_24] : memref<128x128xf32, #tpu.memory_space<vmem>>, vector<128x128xf32>
    %dot_general3A = arith.constant dense<0.000000e+00> : vector<5000x128xf32>
    %dot_general3A_26 = tpu.matmul %div3A_22, %get3A_25, %dot_general3A {dimension_numbers = #tpu.dot_dimension_numbers<[1], [0], [0], [1], [0, 0, 1, 1], [], []>, transpose_lhs_hint = false} : vector<5000x128xf32>, vector<128x128xf32>, vector<5000x128xf32> -> vector<5000x128xf32>
    %get3A_27 = arith.constant 0 : index
    %get3A_28 = arith.constant 0 : index
    %get3A_29 = vector.load %arg5[%get3A_27, %get3A_28] : memref<1x128xf32, #tpu.memory_space<vmem>>, vector<1x128xf32>
    %add3A_30 = vector.broadcast %get3A_29 : vector<1x128xf32> to vector<5000x128xf32>
    %add3A_31 = arith.addf %dot_general3A_26, %add3A_30 : vector<5000x128xf32>
    %get3A_32 = arith.constant 0 : index
    %get3A_33 = arith.constant 0 : index
    %get3A_34 = vector.load %arg1[%get3A_32, %get3A_33] : memref<5000x128xf32, #tpu.memory_space<vmem>>, vector<5000x128xf32>
    %add3A_35 = arith.addf %get3A_34, %add3A_31 : vector<5000x128xf32>
    %reduce_sum3A = arith.constant dense<0.000000e+00> : vector<5000xf32>
    %reduce_sum3A_36 = vector.multi_reduction <add>, %add3A_35, %reduce_sum3A [1] : vector<5000x128xf32> to vector<5000xf32>
    %broadcast_in_dim3A = vector.shape_cast %reduce_sum3A_36 : vector<5000xf32> to vector<5000x1xf32>
    %div3A_37 = arith.constant 1.280000e+02 : f32
    %div3A_38 = vector.broadcast %div3A_37 : f32 to vector<5000x1xf32>
    %div3A_39 = arith.divf %broadcast_in_dim3A, %div3A_38 : vector<5000x1xf32>
    %sub3A = vector.broadcast %div3A_39 : vector<5000x1xf32> to vector<5000x128xf32>
    %sub3A_40 = arith.subf %add3A_35, %sub3A : vector<5000x128xf32>
    %integer_pow3A = arith.mulf %sub3A_40, %sub3A_40 : vector<5000x128xf32>
    %reduce_sum3A_41 = arith.constant dense<0.000000e+00> : vector<5000xf32>
    %reduce_sum3A_42 = vector.multi_reduction <add>, %integer_pow3A, %reduce_sum3A_41 [1] : vector<5000x128xf32> to vector<5000xf32>
    %broadcast_in_dim3A_43 = vector.shape_cast %reduce_sum3A_42 : vector<5000xf32> to vector<5000x1xf32>
    %div3A_44 = arith.constant 1.280000e+02 : f32
    %div3A_45 = vector.broadcast %div3A_44 : f32 to vector<5000x1xf32>
    %div3A_46 = arith.divf %broadcast_in_dim3A_43, %div3A_45 : vector<5000x1xf32>
    %sub3A_47 = vector.broadcast %div3A_39 : vector<5000x1xf32> to vector<5000x128xf32>
    %sub3A_48 = arith.subf %add3A_35, %sub3A_47 : vector<5000x128xf32>
    %add3A_49 = arith.constant 9.99999974E-6 : f32
    %add3A_50 = vector.broadcast %add3A_49 : f32 to vector<5000x1xf32>
    %add3A_51 = arith.addf %div3A_46, %add3A_50 : vector<5000x1xf32>
    %rsqrt3A = math.rsqrt %add3A_51 : vector<5000x1xf32>
    %mul3A = vector.broadcast %rsqrt3A : vector<5000x1xf32> to vector<5000x128xf32>
    %mul3A_52 = arith.mulf %sub3A_48, %mul3A : vector<5000x128xf32>
    %get3A_53 = arith.constant 0 : index
    %get3A_54 = arith.constant 0 : index
    %get3A_55 = vector.load %arg6[%get3A_53, %get3A_54] : memref<1x128xf32, #tpu.memory_space<vmem>>, vector<1x128xf32>
    %mul3A_56 = vector.broadcast %get3A_55 : vector<1x128xf32> to vector<5000x128xf32>
    %mul3A_57 = arith.mulf %mul3A_52, %mul3A_56 : vector<5000x128xf32>
    %get3A_58 = arith.constant 0 : index
    %get3A_59 = arith.constant 0 : index
    %get3A_60 = vector.load %arg7[%get3A_58, %get3A_59] : memref<1x128xf32, #tpu.memory_space<vmem>>, vector<1x128xf32>
    %add3A_61 = vector.broadcast %get3A_60 : vector<1x128xf32> to vector<5000x128xf32>
    %add3A_62 = arith.addf %mul3A_57, %add3A_61 : vector<5000x128xf32>
    %max3A_63 = arith.constant 0.000000e+00 : f32
    %max3A_64 = vector.broadcast %max3A_63 : f32 to vector<5000x128xf32>
    %max3A_65 = arith.maximumf %add3A_62, %max3A_64 : vector<5000x128xf32>
    %get3A_66 = arith.constant 0 : index
    %get3A_67 = arith.constant 0 : index
    %get3A_68 = vector.load %arg8[%get3A_66, %get3A_67] : memref<128x128xf32, #tpu.memory_space<vmem>>, vector<128x128xf32>
    %dot_general3A_69 = arith.constant dense<0.000000e+00> : vector<5000x128xf32>
    %dot_general3A_70 = tpu.matmul %max3A_65, %get3A_68, %dot_general3A_69 {dimension_numbers = #tpu.dot_dimension_numbers<[1], [0], [0], [1], [0, 0, 1, 1], [], []>, transpose_lhs_hint = false} : vector<5000x128xf32>, vector<128x128xf32>, vector<5000x128xf32> -> vector<5000x128xf32>
    %get3A_71 = arith.constant 0 : index
    %get3A_72 = arith.constant 0 : index
    %get3A_73 = vector.load %arg9[%get3A_71, %get3A_72] : memref<1x128xf32, #tpu.memory_space<vmem>>, vector<1x128xf32>
    %add3A_74 = vector.broadcast %get3A_73 : vector<1x128xf32> to vector<5000x128xf32>
    %add3A_75 = arith.addf %dot_general3A_70, %add3A_74 : vector<5000x128xf32>
    %swap3A = arith.constant 0 : index
    %swap3A_76 = arith.constant 0 : index
    %swap3A_77 = vector.load %arg10[%swap3A, %swap3A_76] : memref<5000x128xf32, #tpu.memory_space<vmem>>, vector<5000x128xf32>
    tpu.vector_store %arg10[%swap3A, %swap3A_76], %add3A_75 {strides = array<i32>} : memref<5000x128xf32, #tpu.memory_space<vmem>>, vector<5000x128xf32>,
    return
  }
  func.func @transform_0(%arg0: i32) -> (i32, i32) {
    %c0_i32 = arith.constant 0 : i32
    %c0_i32_0 = arith.constant 0 : i32
    return %arg0, %c0_i32 : i32, i32
  }
  func.func @transform_1(%arg0: i32) -> (i32, i32, i32) {
    %c0_i32 = arith.constant 0 : i32
    %c0_i32_0 = arith.constant 0 : i32
    %c0_i32_1 = arith.constant 0 : i32
    return %c0_i32, %arg0, %c0_i32_0 : i32, i32, i32
  }
  func.func @transform_2(%arg0: i32) -> (i32, i32, i32) {
    %c0_i32 = arith.constant 0 : i32
    %c0_i32_0 = arith.constant 0 : i32
    %c0_i32_1 = arith.constant 0 : i32
    return %c0_i32, %arg0, %c0_i32_0 : i32, i32, i32
  }
  func.func @transform_3(%arg0: i32) -> (i32, i32) {
    %c0_i32 = arith.constant 0 : i32
    %c0_i32_0 = arith.constant 0 : i32
    %c0_i32_1 = arith.constant 0 : i32
    return %c0_i32, %c0_i32_0 : i32, i32
  }
  func.func @transform_4(%arg0: i32) -> (i32, i32) {
    %c0_i32 = arith.constant 0 : i32
    %c0_i32_0 = arith.constant 0 : i32
    %c0_i32_1 = arith.constant 0 : i32
    return %c0_i32, %c0_i32_0 : i32, i32
  }
  func.func @transform_5(%arg0: i32) -> (i32, i32) {
    %c0_i32 = arith.constant 0 : i32
    %c0_i32_0 = arith.constant 0 : i32
    %c0_i32_1 = arith.constant 0 : i32
    return %c0_i32, %c0_i32_0 : i32, i32
  }
  func.func @transform_6(%arg0: i32) -> (i32, i32) {
    %c0_i32 = arith.constant 0 : i32
    %c0_i32_0 = arith.constant 0 : i32
    %c0_i32_1 = arith.constant 0 : i32
    return %c0_i32, %c0_i32_0 : i32, i32
  }
  func.func @transform_7(%arg0: i32) -> (i32, i32) {
    %c0_i32 = arith.constant 0 : i32
    %c0_i32_0 = arith.constant 0 : i32
    %c0_i32_1 = arith.constant 0 : i32
    return %c0_i32, %c0_i32_0 : i32, i32
  }
  func.func @transform_8(%arg0: i32) -> (i32, i32) {
    %c0_i32 = arith.constant 0 : i32
    %c0_i32_0 = arith.constant 0 : i32
    %c0_i32_1 = arith.constant 0 : i32
    return %c0_i32, %c0_i32_0 : i32, i32
  }
  func.func @transform_9(%arg0: i32) -> (i32, i32) {
    %c0_i32 = arith.constant 0 : i32
    %c0_i32_0 = arith.constant 0 : i32
    return %arg0, %c0_i32 : i32, i32
  }
}

</mosaic_0001>

<sc_bundles>
// kernel: kernel.10.cloned.1.call-start
scs
__scs_entry_jumppad:
0x0: {  	(pc) =	sbr.rel $0x88, $3  }
0x1: {  	(tag) =	ssettag $0x0;
	lr =	simm.s32 $0x1  }
0x2: {  	[smem:$0x3F93] =	sst lr;
	_ =	strace $0xD0000000  }
0x3: {  	_ = 	snop  }
0x4: {  	_ = 	snop  }
0x5: {  	_ = 	snop  }
0x6: {  	_ = 	snop  }
0x7: {  	_ = 	snop  }
__scs_overlays_trampoline_lowered:
0x8: {  	[smem:$0x3FA2] =	sst s0  }
0x9: {  	[smem:$0x3FA3] =	sst s1  }
0xa: {  	[smem:$0x3FA4] =	sst s2  }
0xb: {  	[smem:$0x3FA5] =	sst s3  }
0xc: {  	[smem:$0x3FA6] =	sst s4  }
0xd: {  	[smem:$0x3FA7] =	sst s5  }
0xe: {  	[smem:$0x3FA8] =	sst s6  }
0xf: {  	[smem:$0x3FA9] =	sst s7  }
0x10: {  	[smem:$0x3FAA] =	sst s8  }
0x11: {  	[smem:$0x3FAB] =	sst s9;
	s0 =	simm.s32 @!p0 $0x0  }
0x12: {  	s1 =	sld [smem:$0x3F91];
	s0 =	simm.s32 @p0 $0x1  }
0x13: {  	[smem:$0x3FAC] =	sst s0;
	s0 =	simm.s32 @!p1 $0x0  }
0x14: {  	s2 =	sld [smem:$0x3F90];
	s0 =	simm.s32 @p1 $0x1  }
0x15: {  	[smem:$0x3FAD] =	sst s0;
	s0 =	simm.s32 @!p2 $0x0  }
0x16: {  	s3 =	sld [smem:$0x3FDB];
	s0 =	simm.s32 @p2 $0x1  }
0x17: {  	s4 =	simm.s32 $0x1BF5;
	[smem:$0x3FAF] =	sst s0  }
0x18: {  	s0 =	sld [smem:$0x3F92];
	_ =	swait.ge [sflag:s4], $0x0  }
0x19: {  	s7 =	sld [smem:$0x3F93]  }
0x1a: {  	s8 =	sadd.s32 $0xFFFFE003, lr  }
0x1b: {  	s9 =	sadd.s32 $0xFFFFFEF7, lr;
	s5 =	simm.s32 $0xFFFFFFFF;
	p2 =	slt.u32 s8, $0xFFFFF086  }
0x1c: {  	p1 =	slt.u32 s9, $0xF7A;
	s5 =	simm.s32 @!p2 $0x0  }
0x1d: {  	s5 =	simm.s32 @p1 $0x1;
	p0 =	seq.s32 s7, s2  }
0x1e: {  	s7 =	smul.u32 @!p0 $0xF7A, s2;
	p2 =	seq.s32 @!p0 s5, $0x0  }
0x1f: {  	s9 =	smul.u32 $0xF7A, s1;
	s8 =	simm.s32 @!p0 $0x1BF5;
	p2 =	por !p2, p0  }
0x20: {  	[sflag:s8] =	ssyncset.s32 @!p0 $0xFFFFF086;
	s6 =	sadd.s32 @!p0 s3, s7;
	s7 =	simm.s32 @!p0 $0x108  }
0x21: {  	s3 =	sadd.s32 s3, s9;
	s6 =	sadd.s32 @!p0 $0x88, s6;
	s7 =	simm.s32 @p2 $0x1082  }
0x22: {  	[simem:s7], [sflag:s8] =	dma.local @!p0 [hbm:s6], $0xF7A  }
0x23: {  	s9 =	sor.u32 $0xD0000000, s2;
	s6 =	simm.s32 $0x108;
	_ =	swait.ge @!p0 [sflag:s8], $0x0  }
0x24: {  	s3 =	sadd.s32 $0x88, s3;
	s6 =	simm.s32 @!p1 $0x1082;
	[sflag:s4] =	ssyncset.s32 $0xFFFFF086  }
0x25: {  	[simem:s6], [sflag:s4] =	dma.local [hbm:s3], $0xF7A  }
0x26: {  	[smem:$0x3F93] =	sst s1;
	(tag) =	ssettag s2;
	_ =	strace s9  }
0x27: {  	s1 =	sld [smem:$0x3FA3]  }
0x28: {  	s2 =	sld [smem:$0x3FA4]  }
0x29: {  	s4 =	sld [smem:$0x3FA6]  }
0x2a: {  	p0 =	seq.s32 s5, $0x0;
	s5 =	sld [smem:$0x3FA7]  }
0x2b: {  	s6 =	sld [smem:$0x3FA8]  }
0x2c: {  	s7 =	sld [smem:$0x3FA9]  }
0x2d: {  	s3 =	simm.s32 $0x108;
	s8 =	sld [smem:$0x3FAA]  }
0x2e: {  	s3 =	simm.s32 @!p0 $0x1082;
	s9 =	sld [smem:$0x3FAB]  }
0x2f: {  	lr =	sadd.s32 s0, s3;
	s0 =	sld [smem:$0x3FA2]  }
0x30: {  	s3 =	sld [smem:$0x3FA5]  }
0x31: {  	[smem:$0x3FAE] =	sst s10  }
0x32: {  	s10 =	sld [smem:$0x3FAC];
	_ =	sdelay $0x3  }
0x33: {  	p0 =	seq.s32 s10, $0x1;
	s10 =	sld [smem:$0x3FAE];
	_ =	sdelay $0x3  }
0x34: {  	[smem:$0x3FAE] =	sst s10  }
0x35: {  	s10 =	sld [smem:$0x3FAD];
	_ =	sdelay $0x3  }
0x36: {  	p1 =	seq.s32 s10, $0x1;
	s10 =	sld [smem:$0x3FAE];
	_ =	sdelay $0x3  }
0x37: {  	[smem:$0x3FAE] =	sst s10  }
0x38: {  	s10 =	sld [smem:$0x3FAF]  }
0x39: {  	_ = 	snop;
	(pc) =	sbr.ind lr, $3  }
0x3a: {  	_ = 	snop  }
0x3b: {  	_ = 	snop  }
0x3c: {  	p2 =	seq.s32 s10, $0x1;
	s10 =	sld [smem:$0x3FAE]  }
0x3d: {  	_ =	shalt  }
0x3e: {  	_ =	shalt  }
0x3f: {  	_ =	shalt  }
0x40: {  	_ =	shalt  }
0x41: {  	_ =	shalt  }
0x42: {  	_ =	shalt  }
0x43: {  	_ =	shalt  }
0x44: {  	_ =	shalt  }
0x45: {  	_ =	shalt  }
0x46: {  	_ =	shalt  }
0x47: {  	_ =	shalt  }
0x48: {  	_ =	shalt  }
0x49: {  	_ =	shalt  }
0x4a: {  	_ =	shalt  }
0x4b: {  	_ =	shalt  }
0x4c: {  	_ =	shalt  }
0x4d: {  	_ =	shalt  }
0x4e: {  	_ =	shalt  }
0x4f: {  	_ =	shalt  }
0x50: {  	_ =	shalt  }
0x51: {  	_ =	shalt  }
0x52: {  	_ =	shalt  }
0x53: {  	_ =	shalt  }
0x54: {  	_ =	shalt  }
0x55: {  	_ =	shalt  }
0x56: {  	_ =	shalt  }
0x57: {  	_ =	shalt  }
0x58: {  	_ =	shalt  }
0x59: {  	_ =	shalt  }
0x5a: {  	_ =	shalt  }
0x5b: {  	_ =	shalt  }
0x5c: {  	_ =	shalt  }
0x5d: {  	_ =	shalt  }
0x5e: {  	_ =	shalt  }
0x5f: {  	_ =	shalt  }
0x60: {  	_ =	shalt  }
0x61: {  	_ =	shalt  }
0x62: {  	_ =	shalt  }
0x63: {  	_ =	shalt  }
0x64: {  	_ =	shalt  }
0x65: {  	_ =	shalt  }
0x66: {  	_ =	shalt  }
0x67: {  	_ =	shalt  }
0x68: {  	_ =	shalt  }
0x69: {  	_ =	shalt  }
0x6a: {  	_ =	shalt  }
0x6b: {  	_ =	shalt  }
0x6c: {  	_ =	shalt  }
0x6d: {  	_ =	shalt  }
0x6e: {  	_ =	shalt  }
0x6f: {  	_ =	shalt  }
0x70: {  	_ =	shalt  }
0x71: {  	_ =	shalt  }
0x72: {  	_ =	shalt  }
0x73: {  	_ =	shalt  }
0x74: {  	_ =	shalt  }
0x75: {  	_ =	shalt  }
0x76: {  	_ =	shalt  }
0x77: {  	_ =	shalt  }
0x78: {  	_ =	shalt  }
0x79: {  	_ =	shalt  }
0x7a: {  	_ =	shalt  }
0x7b: {  	_ =	shalt  }
0x7c: {  	_ =	shalt  }
0x7d: {  	_ =	shalt  }
0x7e: {  	_ =	shalt  }
0x7f: {  	_ =	shalt  }
0x80: {  	_ =	shalt  }
0x81: {  	_ =	shalt  }
0x82: {  	_ =	shalt  }
0x83: {  	_ =	shalt  }
0x84: {  	_ =	shalt  }
0x85: {  	_ =	shalt  }
0x86: {  	_ =	shalt  }
0x87: {  	_ =	shalt  }
.Lfunc_end0:
.L_simem_size_0:
called_computation.1_lowered:
.L_overlay_start_0:
0x88: {  	s2 =	sld [smem:$0x3FD9]  }
0x89: {  	s3 =	sld [smem:$0x3FFE];
	_ =	sdelay $0x1  }
0x8a: {  	s1 =	srdreg.scid  }
0x8b: {  	s0 =	sand.u32 $0x1, s1  }
0x8c: {  	s17 =	sshll.u32 s0, $0xA;
	s2 =	sadd.s32 s3, s2  }
0x8d: {  	s2 =	sadd.s32 s2, s17  }
0x8e: {  	[smem:$0x3FBA] =	sst s2  }
0x8f: {  	_ = 	snop  }
0x90: {  	s2 =	sld [smem:$0x3FD0];
	(tm) =	ssettm $0x1  }
0x91: {  	s18 =	sld [smem:$0x3FFB];
	_ =	sdelay $0x3  }
0x92: {  	_ =	strace s18  }
0x93: {  	s3 =	sld [smem:$0x3FFC];
	_ =	sdelay $0x3  }
0x94: {  	_ =	strace s3  }
0x95: {  	s3 =	sld [smem:$0x3FFD];
	_ =	sdelay $0x3  }
0x96: {  	_ =	strace s3  }
0x97: {  	_ =	strace $0x8FFFFFFF  }
0x98: {  	s19 =	sld [smem:$0x3FDB];
	_ =	sdelay $0x1  }
0x99: {  	s4 =	simm.s32 $_scs_section_size  }
0x9a: {  	s5 =	simm.s32 $_size__tile_overlayer_lowered;
	s6 =	simm.s32 $_tile_overlayer_lowered  }
0x9b: {  	s22 =	simm.s32 $0x1BFF;
	s21 =	sshll.u32 s6, $0x1;
	s3 =	sadd.s32 s4, s19  }
0x9c: {  	s7 =	simm.s32 $0x0;
	s20 =	sshll.u32 s5, $0x1;
	s5 =	sadd.s32 s21, s3  }
0x9d: {  	[timem:s7], [sflag:s22] =	dma.local [hbm:s5], s20  }
0x9e: {  	_ =	swait.ge [sflag:s22], s20  }
0x9f: {  	s4 =	ssub.s32 $0x0, s20;
	[sflag:s22] =	ssyncset.done $0x0  }
0xa0: {  	[sflag:s22] =	ssyncadd.s32 s4;
	_ =	sdelay $0x1  }
0xa1: {  	s23 =	simm.s32 $0x1B8B  }
0xa2: {  	_ =	swait.ge [sflag:s23], $0x1  }
0xa3: {  	[sflag:s23] =	ssyncset.done $0x0  }
0xa4: {  	s25 =	simm.s32 $0x1B8E;
	s24 =	sld [smem:$0x3FFE];
	[sflag:s23] =	ssyncadd.s32 $0xFFFFFFFF  }
0xa5: {  	s26 =	simm.s32 $execute0_lowered;
	[smem:$0x3FD2] =	sst s25  }
0xa6: {  	s5 =	sshll.u32 s26, $0x1;
	_ =	strace $0x80000049;
	[dreg:$0x1] =	wrdreg $0xFFFFFFFF  }
0xa7: {  	s28 =	simm.s32 $_size_execute0_lowered;
	s3 =	sadd.s32 s3, s5;
	[dreg:$0x0] =	wrdreg $0x0  }
0xa8: {  	s5 =	sshll.u32 s28, $0x1;
	[dreg:$0x2] =	wrdreg s3  }
0xa9: {  	[dreg:$0x3] =	wrdreg s5  }
0xaa: {  	[dreg:$0x4] =	wrdreg $0xC0  }
0xab: {  	_ =	task [dreg:s7], $0x5FFFF  }
0xac: {  	[dreg:$0x1] =	wrdreg $0xFFFFFFFF  }
0xad: {  	[dreg:$0x0] =	wrdreg $0x60  }
0xae: {  	[dreg:$0x2] =	wrdreg s2  }
0xaf: {  	[dreg:$0x3] =	wrdreg s24  }
0xb0: {  	[dreg:$0x4] =	wrdreg $0xBB000  }
0xb1: {  	[dreg:$0x5] =	wrdreg $0x9  }
0xb2: {  	_ =	task.clear_ibuf [dreg:s7], $0x6FFFF;
	_ =	strace $0x90000049  }
0xb3: {  	s29 =	simm.s32 $0x9;
	_ =	strace $0x8000004B  }
0xb4: {  	_ =	swait.ge [sflag:s29], $0x1  }
0xb5: {  	[sflag:s29] =	ssyncadd.s32 $0xFFFFFFFF  }
0xb6: {  	_ =	strace $0x9000004B  }
0xb7: {  	_ =	sfence  }
0xb8: {  	s30 =	sld [smem:$0x0];
	_ =	sdelay $0x2  }
0xb9: {  	s31 =	sshll.u32 s1, $0xD;
	s1 =	sshrl.u32 s1, $0x2  }
0xba: {  	s3 =	sand.u32 $0x4000, s31;
	s1 =	sadd.s32 s1, s30  }
0xbb: {  	s0 =	sor.u32 s3, s0;
	s1 =	sshll.u32 s1, $0x11  }
0xbc: {  	s0 =	sor.u32 s1, s0  }
0xbd: {  	s0 =	sadd.s32 $0x8F2B, s0  }
0xbe: {  	[sflag:s0] =	ssyncadd.remote.s32 $0x1  }
0xbf: {  	_ =	sfence.sel $0xFFFF  }
0xc0: {  	[dreg:$0x0] =	wrdreg $0xFFFFFFFF;
	(pc) =	sbr.abs _section_cstart, $3  }
0xc1: {  	[dreg:$0x1] =	wrdreg $0xFFFFFFFF  }
0xc2: {  	_ =	task.clear_ibuf [dreg:s7], $0x2FFFF;
	_ =	strace $0x9FFFFFFF  }
0xc3: {  	(tm) =	ssettm $0x7FFFFFFF  }
tec
execute0_lowered:
.L_overlay_start_1:
0x0: {  	(tag) =	ssettag $0x1  }
0x1: {  	s1 =	rddreg [dreg:$0x0]  }
0x2: {  	s6 =	rddreg [dreg:$0x1]  }
0x3: {  	s2 =	rddreg [dreg:$0x2];
	s3 =	srdreg.scid  }
0x4: {  	s0 =	rddreg [dreg:$0x3];
	s4 =	simm.s32 $0x0;
	s13 =	simm.s32 $0x4000  }
0x5: {  	s14 =	simm.s32 $0x4300;
	s15 =	simm.s32 $0x4080;
	s16 =	simm.s32 $0x6B00  }
0x6: {  	s17 =	simm.s32 $0x1;
	s18 =	simm.s32 $0x4180;
	s19 =	simm.s32 $0x4100  }
0x7: {  	s20 =	simm.s32 $0x9300;
	s21 =	simm.s32 $0x4200;
	s22 =	simm.s32 $0x2  }
0x8: {  	s23 =	simm.s32 $0x4280;
	s7 =	sand.u32 $0x1, s3;
	s3 =	stileid.u32  }
0x9: {  	s24 =	simm.s32 $0x0;
	[smem:$0x7FF] =	sst s4;
	s8 =	smul.u32 $0x140000, s7  }
0xa: {  	s9 =	smul.u32 $0x14000, s3;
	_ =	strace $0x8000004A;
	s5 =	sshll.u32 s7, $0xB  }
0xb: {  	s7 =	ssub.s32 $0x2, s7;
	s25 =	smul.u32 $0x50000, s3;
	s11 =	sshll.u32 s3, $0xC  }
0xc: {  	s31 =	sshll.u32 s3, $0x6;
	s10 =	sadd.s32 s5, s6;
	s26 =	sshrl.u32 s7, $0x1  }
0xd: {  	s5 =	sadd.s32 $0x13A00, s6;
	s8 =	sadd.s32 s9, s8;
	s12 =	ssub.s32 s7, s26  }
0xe: {  	s28 =	sadd.s32 s11, s10;
	s29 =	sshrl.u32 s25, $0x2;
	s9 =	simm.s32 $0x3  }
0xf: {  	s10 =	sor.u32 $0x1C03, s31;
	s8 =	sshrl.u32 s8, $0x3;
	s30 =	sadd.s32 s29, s2  }
0x10: {  	s8 =	sadd.s32 s8, s6;
	s6 =	sadd.s32 $0x3400, s28;
	s11 =	sshrl.u32 s30, $0x3  }
0x11: {  	s7 =	sadd.s32 $0x16200, s8;
	s8 =	smax.u32 s12, $0x1;
	s12 =	simm.s32 $0x50  }
.LBB2_1:
0x12: {  	[tilespmem:s4], [sflag:$0x3] =	stream.linear.gather [hbm4b:s6+s4], $0x3E80, $0x38;
	[tilespmem:$0x1FB00] =	vst v63  }
0x13: {  	_ =	swait.ge [sflag:s9], $0x3E80  }
0x14: {  	[sflag:s9] =	ssyncset.done $0x0  }
0x15: {  	[sflag:s9] =	ssyncadd.s32 $0xFFFFC180  }
0x16: {  	[spmem:s11], [sflag:s10] =	dma.local [hbm:s5], $0x2800  }
0x17: {  	_ =	swait.ge [sflag:s9], $0x2800  }
0x18: {  	[sflag:s9] =	ssyncset.done $0x0  }
0x19: {  	[sflag:s9] =	ssyncadd.s32 $0xFFFFD800  }
0x1a: {  	[bflag:$0x0] =	sbarrier.arrive $0xFFFF  }
0x1b: {  	v0 =	vld [tilespmem:$0x0];
	_ =	sdelay $0x1  }
0x1c: {  	v1 =	vld [tilespmem:$0x10];
	_ =	sdelay $0x1  }
0x1d: {  	v2 =	vld [tilespmem:$0x20]  }
0x1e: {  	v3 =	vand.u32 $0xFFFF, v0  }
0x1f: {  	v0 =	vshrl.u32 v0, $0x10;
	[tilespmem:$0x4000] =	vst v3;
	v3 =	vld [tilespmem:$0x30]  }
0x20: {  	[tilespmem:$0x4180] =	vst v0;
	v0 =	vand.u32 $0xFFFF, v1  }
0x21: {  	[tilespmem:$0x4010] =	vst v0;
	v0 =	vshrl.u32 v1, $0x10;
	v1 =	vld [tilespmem:$0x40]  }
0x22: {  	[tilespmem:$0x4190] =	vst v0;
	v0 =	vand.u32 $0xFFFF, v2  }
0x23: {  	[tilespmem:$0x4020] =	vst v0;
	v0 =	vshrl.u32 v2, $0x10  }
0x24: {  	[tilespmem:$0x41A0] =	vst v0;
	v0 =	vand.u32 $0xFFFF, v3  }
0x25: {  	[tilespmem:$0x4030] =	vst v0;
	v0 =	vshrl.u32 v3, $0x10  }
0x26: {  	[tilespmem:$0x41B0] =	vst v0;
	v0 =	vand.u32 $0xFFFF, v1  }
0x27: {  	[tilespmem:$0x4040] =	vst v0;
	v0 =	vshrl.u32 v1, $0x10  }
0x28: {  	[tilespmem:$0x41C0] =	vst v0  }
0x29: {  	[tilespmem:s14], [sflag:$0x1] =	stream.indirect.gather [hbm4b:s1+s12], $0x80, s13, s12, $0xb8;
	[tilespmem:$0x1FB00] =	vst v63  }
0x2a: {  	v0 =	vld [tilespmem:$0x80];
	_ =	sdelay $0x1  }
0x2b: {  	v1 =	vld [tilespmem:$0x90];
	_ =	sdelay $0x1  }
0x2c: {  	v2 =	vld [tilespmem:$0xA0]  }
0x2d: {  	v3 =	vand.u32 $0xFFFF, v0  }
0x2e: {  	v0 =	vshrl.u32 v0, $0x10;
	[tilespmem:$0x4080] =	vst v3;
	v3 =	vld [tilespmem:$0xB0]  }
0x2f: {  	[tilespmem:$0x4200] =	vst v0;
	v0 =	vand.u32 $0xFFFF, v1  }
0x30: {  	[tilespmem:$0x4090] =	vst v0;
	v0 =	vshrl.u32 v1, $0x10;
	v1 =	vld [tilespmem:$0xC0]  }
0x31: {  	[tilespmem:$0x4210] =	vst v0;
	v0 =	vand.u32 $0xFFFF, v2  }
0x32: {  	[tilespmem:$0x40A0] =	vst v0;
	v0 =	vshrl.u32 v2, $0x10  }
0x33: {  	[tilespmem:$0x4220] =	vst v0;
	v0 =	vand.u32 $0xFFFF, v3  }
0x34: {  	[tilespmem:$0x40B0] =	vst v0;
	v0 =	vshrl.u32 v3, $0x10  }
0x35: {  	[tilespmem:$0x4230] =	vst v0;
	v0 =	vand.u32 $0xFFFF, v1  }
0x36: {  	[tilespmem:$0x40C0] =	vst v0;
	v0 =	vshrl.u32 v1, $0x10  }
0x37: {  	[tilespmem:$0x4240] =	vst v0  }
0x38: {  	[tilespmem:s16], [sflag:$0x1] =	stream.indirect.gather [hbm4b:s1+s12], $0x80, s15, s12, $0xb8;
	[tilespmem:$0x1FB00] =	vst v63  }
0x39: {  	_ =	swait.ge [sflag:s17], $0x2800  }
0x3a: {  	[sflag:s17] =	ssyncset.done $0x0  }
0x3b: {  	[sflag:s17] =	ssyncadd.s32 $0xFFFFD800  }
0x3c: {  	[spmem:s2] =	stream.indirect.scatter.add.f32 [tilespmem:s14], [sflag:$0x2], $0x80, s18, s12, $0xb8;
	[tilespmem:$0x1FB00] =	vst v63  }
0x3d: {  	v0 =	vld [tilespmem:$0x100];
	_ =	sdelay $0x1  }
0x3e: {  	v1 =	vld [tilespmem:$0x110];
	_ =	sdelay $0x1  }
0x3f: {  	v2 =	vld [tilespmem:$0x120]  }
0x40: {  	v3 =	vand.u32 $0xFFFF, v0  }
0x41: {  	v0 =	vshrl.u32 v0, $0x10;
	[tilespmem:$0x4100] =	vst v3;
	v3 =	vld [tilespmem:$0x130]  }
0x42: {  	[tilespmem:$0x4280] =	vst v0;
	v0 =	vand.u32 $0xFFFF, v1  }
0x43: {  	[tilespmem:$0x4110] =	vst v0;
	v0 =	vshrl.u32 v1, $0x10;
	v1 =	vld [tilespmem:$0x140]  }
0x44: {  	[tilespmem:$0x4290] =	vst v0;
	v0 =	vand.u32 $0xFFFF, v2  }
0x45: {  	[tilespmem:$0x4120] =	vst v0;
	v0 =	vshrl.u32 v2, $0x10  }
0x46: {  	[tilespmem:$0x42A0] =	vst v0;
	v0 =	vand.u32 $0xFFFF, v3  }
0x47: {  	[tilespmem:$0x4130] =	vst v0;
	v0 =	vshrl.u32 v3, $0x10  }
0x48: {  	[tilespmem:$0x42B0] =	vst v0;
	v0 =	vand.u32 $0xFFFF, v1  }
0x49: {  	[tilespmem:$0x4140] =	vst v0;
	v0 =	vshrl.u32 v1, $0x10  }
0x4a: {  	[tilespmem:$0x42C0] =	vst v0  }
0x4b: {  	[tilespmem:s20], [sflag:$0x1] =	stream.indirect.gather [hbm4b:s1+s12], $0x80, s19, s12, $0xb8;
	[tilespmem:$0x1FB00] =	vst v63  }
0x4c: {  	_ =	swait.ge [sflag:s17], $0x2800  }
0x4d: {  	[sflag:s17] =	ssyncset.done $0x0  }
0x4e: {  	[sflag:s17] =	ssyncadd.s32 $0xFFFFD800  }
0x4f: {  	[spmem:s2] =	stream.indirect.scatter.add.f32 [tilespmem:s16], [sflag:$0x2], $0x80, s21, s12, $0xb8;
	[tilespmem:$0x1FB00] =	vst v63  }
0x50: {  	_ =	swait.ge [sflag:s22], $0x2800  }
0x51: {  	[sflag:s22] =	ssyncset.done $0x0  }
0x52: {  	s25 =	simm.s32 $0x240;
	[sflag:s22] =	ssyncadd.s32 $0xFFFFD800  }
0x53: {  	v0 =	vld [tilespmem:s25+$0xFFFFFF40];
	_ =	sdelay $0x4  }
0x54: {  	v1 =	vand.u32 $0xFFFF, v0  }
0x55: {  	v0 =	vshrl.u32 v0, $0x10;
	[tilespmem:$0x4000] =	vst v1  }
0x56: {  	[tilespmem:$0x4180] =	vst v0  }
0x57: {  	v0 =	vld [tilespmem:s25+$0xFFFFFF50];
	_ =	sdelay $0x4  }
0x58: {  	v1 =	vand.u32 $0xFFFF, v0  }
0x59: {  	v0 =	vshrl.u32 v0, $0x10;
	[tilespmem:$0x4010] =	vst v1  }
0x5a: {  	[tilespmem:$0x4190] =	vst v0  }
0x5b: {  	v0 =	vld [tilespmem:s25+$0xFFFFFF60];
	_ =	sdelay $0x4  }
0x5c: {  	v1 =	vand.u32 $0xFFFF, v0  }
0x5d: {  	v0 =	vshrl.u32 v0, $0x10;
	[tilespmem:$0x4020] =	vst v1  }
0x5e: {  	[tilespmem:$0x41A0] =	vst v0  }
0x5f: {  	v0 =	vld [tilespmem:s25+$0xFFFFFF70];
	_ =	sdelay $0x4  }
0x60: {  	v1 =	vand.u32 $0xFFFF, v0  }
0x61: {  	v0 =	vshrl.u32 v0, $0x10;
	[tilespmem:$0x4030] =	vst v1  }
0x62: {  	[tilespmem:$0x41B0] =	vst v0  }
0x63: {  	v0 =	vld [tilespmem:s25+$0xFFFFFF80];
	_ =	sdelay $0x4  }
0x64: {  	v1 =	vand.u32 $0xFFFF, v0  }
0x65: {  	v0 =	vshrl.u32 v0, $0x10;
	[tilespmem:$0x4040] =	vst v1  }
0x66: {  	[tilespmem:$0x41C0] =	vst v0  }
0x67: {  	[tilespmem:s14], [sflag:$0x1] =	stream.indirect.gather [hbm4b:s1+s12], $0x80, s13, s12, $0xb8;
	[tilespmem:$0x1FB00] =	vst v63  }
0x68: {  	_ =	swait.ge [sflag:s17], $0x2800  }
0x69: {  	[sflag:s17] =	ssyncset.done $0x0  }
0x6a: {  	[sflag:s17] =	ssyncadd.s32 $0xFFFFD800  }
0x6b: {  	[spmem:s2] =	stream.indirect.scatter.add.f32 [tilespmem:s20], [sflag:$0x2], $0x80, s23, s12, $0xb8;
	[tilespmem:$0x1FB00] =	vst v63  }
0x6c: {  	_ =	swait.ge [sflag:s22], $0x2800  }
0x6d: {  	[sflag:s22] =	ssyncset.done $0x0  }
0x6e: {  	[sflag:s22] =	ssyncadd.s32 $0xFFFFD800  }
0x6f: {  	v0 =	vld [tilespmem:s25+$0xFFFFFFC0];
	_ =	sdelay $0x4  }
0x70: {  	v1 =	vand.u32 $0xFFFF, v0  }
0x71: {  	v0 =	vshrl.u32 v0, $0x10;
	[tilespmem:$0x4080] =	vst v1  }
0x72: {  	[tilespmem:$0x4200] =	vst v0  }
0x73: {  	v0 =	vld [tilespmem:s25+$0xFFFFFFD0];
	_ =	sdelay $0x4  }
0x74: {  	v1 =	vand.u32 $0xFFFF, v0  }
0x75: {  	v0 =	vshrl.u32 v0, $0x10;
	[tilespmem:$0x4090] =	vst v1  }
0x76: {  	[tilespmem:$0x4210] =	vst v0  }
0x77: {  	v0 =	vld [tilespmem:s25+$0xFFFFFFE0];
	_ =	sdelay $0x4  }
0x78: {  	v1 =	vand.u32 $0xFFFF, v0  }
0x79: {  	v0 =	vshrl.u32 v0, $0x10;
	[tilespmem:$0x40A0] =	vst v1  }
0x7a: {  	[tilespmem:$0x4220] =	vst v0  }
0x7b: {  	v0 =	vld [tilespmem:s25+$0xFFFFFFF0];
	_ =	sdelay $0x4  }
0x7c: {  	v1 =	vand.u32 $0xFFFF, v0  }
0x7d: {  	v0 =	vshrl.u32 v0, $0x10;
	[tilespmem:$0x40B0] =	vst v1  }
0x7e: {  	[tilespmem:$0x4230] =	vst v0  }
0x7f: {  	v0 =	vld [tilespmem:s25+$0x0];
	_ =	sdelay $0x4  }
0x80: {  	v1 =	vand.u32 $0xFFFF, v0  }
0x81: {  	v0 =	vshrl.u32 v0, $0x10;
	[tilespmem:$0x40C0] =	vst v1  }
0x82: {  	[tilespmem:$0x4240] =	vst v0  }
0x83: {  	[tilespmem:s16], [sflag:$0x1] =	stream.indirect.gather [hbm4b:s1+s12], $0x80, s15, s12, $0xb8;
	[tilespmem:$0x1FB00] =	vst v63  }
0x84: {  	_ =	swait.ge [sflag:s17], $0x2800  }
0x85: {  	[sflag:s17] =	ssyncset.done $0x0  }
0x86: {  	[sflag:s17] =	ssyncadd.s32 $0xFFFFD800  }
0x87: {  	[spmem:s2] =	stream.indirect.scatter.add.f32 [tilespmem:s14], [sflag:$0x2], $0x80, s18, s12, $0xb8;
	[tilespmem:$0x1FB00] =	vst v63  }
0x88: {  	_ =	swait.ge [sflag:s22], $0x2800  }
0x89: {  	s26 =	smin.u32 s4, $0x77;
	[sflag:s22] =	ssyncset.done $0x0  }
0x8a: {  	s29 =	sshll.u32 s26, $0x7;
	[sflag:s22] =	ssyncadd.s32 $0xFFFFD800  }
0x8b: {  	v0 =	vld [tilespmem:s29+$0x280];
	_ =	sdelay $0x4  }
0x8c: {  	v1 =	vand.u32 $0xFFFF, v0  }
0x8d: {  	v0 =	vshrl.u32 v0, $0x10;
	[tilespmem:$0x4100] =	vst v1  }
0x8e: {  	[tilespmem:$0x4280] =	vst v0  }
0x8f: {  	v0 =	vld [tilespmem:s29+$0x290];
	_ =	sdelay $0x4  }
0x90: {  	v1 =	vand.u32 $0xFFFF, v0  }
0x91: {  	v0 =	vshrl.u32 v0, $0x10;
	[tilespmem:$0x4110] =	vst v1  }
0x92: {  	[tilespmem:$0x4290] =	vst v0  }
0x93: {  	v0 =	vld [tilespmem:s29+$0x2A0];
	_ =	sdelay $0x4  }
0x94: {  	v1 =	vand.u32 $0xFFFF, v0  }
0x95: {  	v0 =	vshrl.u32 v0, $0x10;
	[tilespmem:$0x4120] =	vst v1  }
0x96: {  	[tilespmem:$0x42A0] =	vst v0  }
0x97: {  	s26 =	simm.s32 $0x3;
	v0 =	vld [tilespmem:s29+$0x2B0]  }
.LBB2_2:
0x98: {  	p0 =	sne.s32 s26, $0x78  }
0x99: {  	s25 =	sadd.s32 $0x180, s25;
	s28 =	smov.u32 s26;
	s26 =	sadd.s32 $0x3, s26  }
0x9a: {  	_ =	sdelay $0x2  }
0x9b: {  	v1 =	vand.u32 $0xFFFF, v0;
	v0 =	vshrl.u32 v0, $0x10  }
0x9c: {  	[tilespmem:$0x4130] =	vst v1  }
0x9d: {  	[tilespmem:$0x42B0] =	vst v0  }
0x9e: {  	v0 =	vld [tilespmem:s29+$0x2C0];
	_ =	sdelay $0x4  }
0x9f: {  	v1 =	vand.u32 $0xFFFF, v0;
	v0 =	vshrl.u32 v0, $0x10  }
0xa0: {  	[tilespmem:$0x4140] =	vst v1  }
0xa1: {  	[tilespmem:$0x42C0] =	vst v0  }
0xa2: {  	[tilespmem:s20], [sflag:$0x1] =	stream.indirect.gather [hbm4b:s1+s12], $0x80, s19, s12, $0xb8;
	[tilespmem:$0x1FB00] =	vst v63  }
0xa3: {  	_ =	swait.ge [sflag:s17], $0x2800  }
0xa4: {  	[sflag:s17] =	ssyncset.done $0x0  }
0xa5: {  	[sflag:s17] =	ssyncadd.s32 $0xFFFFD800  }
0xa6: {  	[spmem:s2] =	stream.indirect.scatter.add.f32 [tilespmem:s16], [sflag:$0x2], $0x80, s21, s12, $0xb8;
	[tilespmem:$0x1FB00] =	vst v63  }
0xa7: {  	_ =	swait.ge [sflag:s22], $0x2800  }
0xa8: {  	[sflag:s22] =	ssyncset.done $0x0  }
0xa9: {  	[sflag:s22] =	ssyncadd.s32 $0xFFFFD800  }
0xaa: {  	v0 =	vld [tilespmem:s25+$0xFFFFFF40];
	_ =	sdelay $0x4  }
0xab: {  	v1 =	vand.u32 $0xFFFF, v0;
	v0 =	vshrl.u32 v0, $0x10  }
0xac: {  	[tilespmem:$0x4000] =	vst v1  }
0xad: {  	[tilespmem:$0x4180] =	vst v0  }
0xae: {  	v0 =	vld [tilespmem:s25+$0xFFFFFF50];
	_ =	sdelay $0x4  }
0xaf: {  	v1 =	vand.u32 $0xFFFF, v0;
	v0 =	vshrl.u32 v0, $0x10  }
0xb0: {  	[tilespmem:$0x4010] =	vst v1  }
0xb1: {  	[tilespmem:$0x4190] =	vst v0  }
0xb2: {  	v0 =	vld [tilespmem:s25+$0xFFFFFF60];
	_ =	sdelay $0x4  }
0xb3: {  	v1 =	vand.u32 $0xFFFF, v0;
	v0 =	vshrl.u32 v0, $0x10  }
0xb4: {  	[tilespmem:$0x4020] =	vst v1  }
0xb5: {  	[tilespmem:$0x41A0] =	vst v0  }
0xb6: {  	v0 =	vld [tilespmem:s25+$0xFFFFFF70];
	_ =	sdelay $0x4  }
0xb7: {  	v1 =	vand.u32 $0xFFFF, v0;
	v0 =	vshrl.u32 v0, $0x10  }
0xb8: {  	[tilespmem:$0x4030] =	vst v1  }
0xb9: {  	[tilespmem:$0x41B0] =	vst v0  }
0xba: {  	v0 =	vld [tilespmem:s25+$0xFFFFFF80];
	_ =	sdelay $0x4  }
0xbb: {  	v1 =	vand.u32 $0xFFFF, v0;
	v0 =	vshrl.u32 v0, $0x10  }
0xbc: {  	[tilespmem:$0x4040] =	vst v1  }
0xbd: {  	[tilespmem:$0x41C0] =	vst v0  }
0xbe: {  	[tilespmem:s14], [sflag:$0x1] =	stream.indirect.gather [hbm4b:s1+s12], $0x80, s13, s12, $0xb8;
	[tilespmem:$0x1FB00] =	vst v63  }
0xbf: {  	_ =	swait.ge [sflag:s17], $0x2800  }
0xc0: {  	[sflag:s17] =	ssyncset.done $0x0  }
0xc1: {  	[sflag:s17] =	ssyncadd.s32 $0xFFFFD800  }
0xc2: {  	[spmem:s2] =	stream.indirect.scatter.add.f32 [tilespmem:s20], [sflag:$0x2], $0x80, s23, s12, $0xb8;
	[tilespmem:$0x1FB00] =	vst v63  }
0xc3: {  	_ =	swait.ge [sflag:s22], $0x2800  }
0xc4: {  	[sflag:s22] =	ssyncset.done $0x0  }
0xc5: {  	[sflag:s22] =	ssyncadd.s32 $0xFFFFD800  }
0xc6: {  	v0 =	vld [tilespmem:s25+$0xFFFFFFC0];
	_ =	sdelay $0x4  }
0xc7: {  	v1 =	vand.u32 $0xFFFF, v0;
	v0 =	vshrl.u32 v0, $0x10  }
0xc8: {  	[tilespmem:$0x4080] =	vst v1  }
0xc9: {  	[tilespmem:$0x4200] =	vst v0  }
0xca: {  	v0 =	vld [tilespmem:s25+$0xFFFFFFD0];
	_ =	sdelay $0x4  }
0xcb: {  	v1 =	vand.u32 $0xFFFF, v0;
	v0 =	vshrl.u32 v0, $0x10  }
0xcc: {  	[tilespmem:$0x4090] =	vst v1  }
0xcd: {  	[tilespmem:$0x4210] =	vst v0  }
0xce: {  	v0 =	vld [tilespmem:s25+$0xFFFFFFE0];
	_ =	sdelay $0x4  }
0xcf: {  	v1 =	vand.u32 $0xFFFF, v0;
	v0 =	vshrl.u32 v0, $0x10  }
0xd0: {  	[tilespmem:$0x40A0] =	vst v1  }
0xd1: {  	[tilespmem:$0x4220] =	vst v0  }
0xd2: {  	v0 =	vld [tilespmem:s25+$0xFFFFFFF0];
	_ =	sdelay $0x4  }
0xd3: {  	v1 =	vand.u32 $0xFFFF, v0;
	v0 =	vshrl.u32 v0, $0x10  }
0xd4: {  	[tilespmem:$0x40B0] =	vst v1  }
0xd5: {  	[tilespmem:$0x4230] =	vst v0  }
0xd6: {  	v0 =	vld [tilespmem:s25+$0x0];
	_ =	sdelay $0x3  }
0xd7: {  	s28 =	smin.u32 s28, $0x77  }
0xd8: {  	s29 =	sshll.u32 s28, $0x7;
	v1 =	vand.u32 $0xFFFF, v0;
	v0 =	vshrl.u32 v0, $0x10  }
0xd9: {  	[tilespmem:$0x40C0] =	vst v1  }
0xda: {  	[tilespmem:$0x4240] =	vst v0  }
0xdb: {  	[tilespmem:s16], [sflag:$0x1] =	stream.indirect.gather [hbm4b:s1+s12], $0x80, s15, s12, $0xb8;
	[tilespmem:$0x1FB00] =	vst v63  }
0xdc: {  	_ =	swait.ge [sflag:s17], $0x2800  }
0xdd: {  	[sflag:s17] =	ssyncset.done $0x0  }
0xde: {  	[sflag:s17] =	ssyncadd.s32 $0xFFFFD800  }
0xdf: {  	[spmem:s2] =	stream.indirect.scatter.add.f32 [tilespmem:s14], [sflag:$0x2], $0x80, s18, s12, $0xb8;
	[tilespmem:$0x1FB00] =	vst v63  }
0xe0: {  	_ =	swait.ge [sflag:s22], $0x2800  }
0xe1: {  	[sflag:s22] =	ssyncset.done $0x0  }
0xe2: {  	[sflag:s22] =	ssyncadd.s32 $0xFFFFD800  }
0xe3: {  	v0 =	vld [tilespmem:s29+$0x280];
	_ =	sdelay $0x4  }
0xe4: {  	v1 =	vand.u32 $0xFFFF, v0;
	v0 =	vshrl.u32 v0, $0x10  }
0xe5: {  	[tilespmem:$0x4100] =	vst v1  }
0xe6: {  	[tilespmem:$0x4280] =	vst v0  }
0xe7: {  	v0 =	vld [tilespmem:s29+$0x290];
	_ =	sdelay $0x4  }
0xe8: {  	v1 =	vand.u32 $0xFFFF, v0;
	v0 =	vshrl.u32 v0, $0x10  }
0xe9: {  	[tilespmem:$0x4110] =	vst v1  }
0xea: {  	[tilespmem:$0x4290] =	vst v0  }
0xeb: {  	v0 =	vld [tilespmem:s29+$0x2A0];
	_ =	sdelay $0x3  }
.Ltmp0:
0xec: {  	(pc) =	sbr.rel @p0 .LBB2_2-.Ltmp0, $4  }
0xed: {  	v1 =	vand.u32 $0xFFFF, v0;
	v0 =	vshrl.u32 v0, $0x10  }
0xee: {  	[tilespmem:$0x4120] =	vst v1  }
0xef: {  	[tilespmem:$0x42A0] =	vst v0  }
0xf0: {  	v0 =	vld [tilespmem:s29+$0x2B0]  }
0xf1: {  	_ =	sdelay $0x3  }
0xf2: {  	v1 =	vand.u32 $0xFFFF, v0  }
0xf3: {  	v62 =	vshrl.u32 v0, $0x10;
	[tilespmem:$0x4130] =	vst v1  }
0xf4: {  	[tilespmem:$0x42B0] =	vst v62  }
0xf5: {  	v0 =	vld [tilespmem:s29+$0x2C0];
	_ =	sdelay $0x4  }
0xf6: {  	v63 =	vand.u32 $0xFFFF, v0  }
0xf7: {  	v0 =	vshrl.u32 v0, $0x10;
	[tilespmem:$0x4140] =	vst v63  }
0xf8: {  	[tilespmem:$0x42C0] =	vst v0  }
0xf9: {  	[tilespmem:s20], [sflag:$0x1] =	stream.indirect.gather [hbm4b:s1+s12], $0x80, s19, s12, $0xb8;
	[tilespmem:$0x1FB00] =	vst v63  }
0xfa: {  	_ =	swait.ge [sflag:s17], $0x2800  }
0xfb: {  	[sflag:s17] =	ssyncset.done $0x0  }
0xfc: {  	[sflag:s17] =	ssyncadd.s32 $0xFFFFD800  }
0xfd: {  	_ =	swait.ge [sflag:s17], $0x2800  }
0xfe: {  	[sflag:s17] =	ssyncset.done $0x0  }
0xff: {  	[sflag:s17] =	ssyncadd.s32 $0xFFFFD800  }
0x100: {  	[spmem:s2] =	stream.indirect.scatter.add.f32 [tilespmem:s16], [sflag:$0x2], $0x80, s21, s12, $0xb8;
	[tilespmem:$0x1FB00] =	vst v63  }
0x101: {  	_ =	swait.ge [sflag:s22], $0x2800  }
0x102: {  	[sflag:s22] =	ssyncset.done $0x0  }
0x103: {  	[sflag:s22] =	ssyncadd.s32 $0xFFFFD800  }
0x104: {  	_ =	swait.ge [sflag:s22], $0x2800  }
0x105: {  	s24 =	sadd.s32 $0x1, s24;
	[sflag:s22] =	ssyncset.done $0x0  }
0x106: {  	p0 =	sne.s32 s24, s8;
	[sflag:s22] =	ssyncadd.s32 $0xFFFFD800  }
.Ltmp1:
0x107: {  	[bflag:$0x0] =	sbarrier.arrive $0xFFFF;
	(pc) =	sbr.rel @p0 .LBB2_1-.Ltmp1, $4  }
0x108: {  	[hbm:s7], [sflag:s10] =	dma.local [spmem:s11], $0x2800  }
0x109: {  	_ =	swait.ge [sflag:s9], $0x2800  }
0x10a: {  	[sflag:s9] =	ssyncset.done $0x0  }
0x10b: {  	[sflag:s9] =	ssyncadd.s32 $0xFFFFD800  }
0x10c: {  	_ =	sfence.sel $0x180000  }
0x10d: {  	[bflag:$0x0] =	sbarrier.arrive $0xFFFF  }
0x10e: {  	p0 =	sne.s32 s3, $0x0;
	_ =	strace $0x9000004A  }
0x10f: {  	s0 =	sadd.s32 @!p0 $0x100000, s0;
	[bflag:$0x2] =	sbarrier.arrive $0xFFFF  }
0x110: {  	[sflag:s0] =	ssyncadd.tile.s32 @!p0 $0x1;
	_ =	shalt  }
.Lfunc_end2:
_tile_overlayer_lowered:
.L_overlay_start_2:
0x111: {  	(tag) =	ssettag $0x2  }
0x112: {  	s0 =	rddreg [dreg:$0x0];
	s2 =	stileid.u32  }
0x113: {  	s1 =	rddreg [dreg:$0x1];
	p0 =	sne.s32 s2, $0x0  }
0x114: {  	s3 =	rddreg [dreg:$0x2];
	[bflag:$0x3] =	sbarrier.arrive $0xFFFF;
	s2 =	simm.s32 @!p0 $0x1C03  }
0x115: {  	[timem:s3], [sflag:s2] =	dma.local @!p0 [hbm:s0], s1  }
0x116: {  	s0 =	simm.s32 @!p0 $0x3  }
0x117: {  	_ =	swait.ge @!p0 [sflag:s0], s1  }
0x118: {  	s1 =	ssub.s32 @!p0 $0x0, s1;
	[sflag:s0] =	ssyncset.done @!p0 $0x0  }
0x119: {  	[sflag:s0] =	ssyncadd.s32 @!p0 s1  }
0x11a: {  	[bflag:$0x3] =	sbarrier.arrive $0xFFFF  }
0x11b: {  	_ =	shalt  }

// kernel: kernel.7.cloned.1.call-start
scs
__scs_entry_jumppad:
0x0: {  	(pc) =	sbr.rel $0x88, $3  }
0x1: {  	(tag) =	ssettag $0x0;
	lr =	simm.s32 $0x1  }
0x2: {  	[smem:$0x3F93] =	sst lr;
	_ =	strace $0xD0000000  }
0x3: {  	_ = 	snop  }
0x4: {  	_ = 	snop  }
0x5: {  	_ = 	snop  }
0x6: {  	_ = 	snop  }
0x7: {  	_ = 	snop  }
__scs_overlays_trampoline_lowered:
0x8: {  	[smem:$0x3FA2] =	sst s0  }
0x9: {  	[smem:$0x3FA3] =	sst s1  }
0xa: {  	[smem:$0x3FA4] =	sst s2  }
0xb: {  	[smem:$0x3FA5] =	sst s3  }
0xc: {  	[smem:$0x3FA6] =	sst s4  }
0xd: {  	[smem:$0x3FA7] =	sst s5  }
0xe: {  	[smem:$0x3FA8] =	sst s6  }
0xf: {  	[smem:$0x3FA9] =	sst s7  }
0x10: {  	[smem:$0x3FAA] =	sst s8  }
0x11: {  	[smem:$0x3FAB] =	sst s9;
	s0 =	simm.s32 @!p0 $0x0  }
0x12: {  	s1 =	sld [smem:$0x3F91];
	s0 =	simm.s32 @p0 $0x1  }
0x13: {  	[smem:$0x3FAC] =	sst s0;
	s0 =	simm.s32 @!p1 $0x0  }
0x14: {  	s2 =	sld [smem:$0x3F90];
	s0 =	simm.s32 @p1 $0x1  }
0x15: {  	[smem:$0x3FAD] =	sst s0;
	s0 =	simm.s32 @!p2 $0x0  }
0x16: {  	s3 =	sld [smem:$0x3FDB];
	s0 =	simm.s32 @p2 $0x1  }
0x17: {  	s4 =	simm.s32 $0x1BF5;
	[smem:$0x3FAF] =	sst s0  }
0x18: {  	s0 =	sld [smem:$0x3F92];
	_ =	swait.ge [sflag:s4], $0x0  }
0x19: {  	s7 =	sld [smem:$0x3F93]  }
0x1a: {  	s8 =	sadd.s32 $0xFFFFE003, lr  }
0x1b: {  	s9 =	sadd.s32 $0xFFFFFEF7, lr;
	s5 =	simm.s32 $0xFFFFFFFF;
	p2 =	slt.u32 s8, $0xFFFFF086  }
0x1c: {  	p1 =	slt.u32 s9, $0xF7A;
	s5 =	simm.s32 @!p2 $0x0  }
0x1d: {  	s5 =	simm.s32 @p1 $0x1;
	p0 =	seq.s32 s7, s2  }
0x1e: {  	s7 =	smul.u32 @!p0 $0xF7A, s2;
	p2 =	seq.s32 @!p0 s5, $0x0  }
0x1f: {  	s9 =	smul.u32 $0xF7A, s1;
	s8 =	simm.s32 @!p0 $0x1BF5;
	p2 =	por !p2, p0  }
0x20: {  	[sflag:s8] =	ssyncset.s32 @!p0 $0xFFFFF086;
	s6 =	sadd.s32 @!p0 s3, s7;
	s7 =	simm.s32 @!p0 $0x108  }
0x21: {  	s3 =	sadd.s32 s3, s9;
	s6 =	sadd.s32 @!p0 $0x88, s6;
	s7 =	simm.s32 @p2 $0x1082  }
0x22: {  	[simem:s7], [sflag:s8] =	dma.local @!p0 [hbm:s6], $0xF7A  }
0x23: {  	s9 =	sor.u32 $0xD0000000, s2;
	s6 =	simm.s32 $0x108;
	_ =	swait.ge @!p0 [sflag:s8], $0x0  }
0x24: {  	s3 =	sadd.s32 $0x88, s3;
	s6 =	simm.s32 @!p1 $0x1082;
	[sflag:s4] =	ssyncset.s32 $0xFFFFF086  }
0x25: {  	[simem:s6], [sflag:s4] =	dma.local [hbm:s3], $0xF7A  }
0x26: {  	[smem:$0x3F93] =	sst s1;
	(tag) =	ssettag s2;
	_ =	strace s9  }
0x27: {  	s1 =	sld [smem:$0x3FA3]  }
0x28: {  	s2 =	sld [smem:$0x3FA4]  }
0x29: {  	s4 =	sld [smem:$0x3FA6]  }
0x2a: {  	p0 =	seq.s32 s5, $0x0;
	s5 =	sld [smem:$0x3FA7]  }
0x2b: {  	s6 =	sld [smem:$0x3FA8]  }
0x2c: {  	s7 =	sld [smem:$0x3FA9]  }
0x2d: {  	s3 =	simm.s32 $0x108;
	s8 =	sld [smem:$0x3FAA]  }
0x2e: {  	s3 =	simm.s32 @!p0 $0x1082;
	s9 =	sld [smem:$0x3FAB]  }
0x2f: {  	lr =	sadd.s32 s0, s3;
	s0 =	sld [smem:$0x3FA2]  }
0x30: {  	s3 =	sld [smem:$0x3FA5]  }
0x31: {  	[smem:$0x3FAE] =	sst s10  }
0x32: {  	s10 =	sld [smem:$0x3FAC];
	_ =	sdelay $0x3  }
0x33: {  	p0 =	seq.s32 s10, $0x1;
	s10 =	sld [smem:$0x3FAE];
	_ =	sdelay $0x3  }
0x34: {  	[smem:$0x3FAE] =	sst s10  }
0x35: {  	s10 =	sld [smem:$0x3FAD];
	_ =	sdelay $0x3  }
0x36: {  	p1 =	seq.s32 s10, $0x1;
	s10 =	sld [smem:$0x3FAE];
	_ =	sdelay $0x3  }
0x37: {  	[smem:$0x3FAE] =	sst s10  }
0x38: {  	s10 =	sld [smem:$0x3FAF]  }
0x39: {  	_ = 	snop;
	(pc) =	sbr.ind lr, $3  }
0x3a: {  	_ = 	snop  }
0x3b: {  	_ = 	snop  }
0x3c: {  	p2 =	seq.s32 s10, $0x1;
	s10 =	sld [smem:$0x3FAE]  }
0x3d: {  	_ =	shalt  }
0x3e: {  	_ =	shalt  }
0x3f: {  	_ =	shalt  }
0x40: {  	_ =	shalt  }
0x41: {  	_ =	shalt  }
0x42: {  	_ =	shalt  }
0x43: {  	_ =	shalt  }
0x44: {  	_ =	shalt  }
0x45: {  	_ =	shalt  }
0x46: {  	_ =	shalt  }
0x47: {  	_ =	shalt  }
0x48: {  	_ =	shalt  }
0x49: {  	_ =	shalt  }
0x4a: {  	_ =	shalt  }
0x4b: {  	_ =	shalt  }
0x4c: {  	_ =	shalt  }
0x4d: {  	_ =	shalt  }
0x4e: {  	_ =	shalt  }
0x4f: {  	_ =	shalt  }
0x50: {  	_ =	shalt  }
0x51: {  	_ =	shalt  }
0x52: {  	_ =	shalt  }
0x53: {  	_ =	shalt  }
0x54: {  	_ =	shalt  }
0x55: {  	_ =	shalt  }
0x56: {  	_ =	shalt  }
0x57: {  	_ =	shalt  }
0x58: {  	_ =	shalt  }
0x59: {  	_ =	shalt  }
0x5a: {  	_ =	shalt  }
0x5b: {  	_ =	shalt  }
0x5c: {  	_ =	shalt  }
0x5d: {  	_ =	shalt  }
0x5e: {  	_ =	shalt  }
0x5f: {  	_ =	shalt  }
0x60: {  	_ =	shalt  }
0x61: {  	_ =	shalt  }
0x62: {  	_ =	shalt  }
0x63: {  	_ =	shalt  }
0x64: {  	_ =	shalt  }
0x65: {  	_ =	shalt  }
0x66: {  	_ =	shalt  }
0x67: {  	_ =	shalt  }
0x68: {  	_ =	shalt  }
0x69: {  	_ =	shalt  }
0x6a: {  	_ =	shalt  }
0x6b: {  	_ =	shalt  }
0x6c: {  	_ =	shalt  }
0x6d: {  	_ =	shalt  }
0x6e: {  	_ =	shalt  }
0x6f: {  	_ =	shalt  }
0x70: {  	_ =	shalt  }
0x71: {  	_ =	shalt  }
0x72: {  	_ =	shalt  }
0x73: {  	_ =	shalt  }
0x74: {  	_ =	shalt  }
0x75: {  	_ =	shalt  }
0x76: {  	_ =	shalt  }
0x77: {  	_ =	shalt  }
0x78: {  	_ =	shalt  }
0x79: {  	_ =	shalt  }
0x7a: {  	_ =	shalt  }
0x7b: {  	_ =	shalt  }
0x7c: {  	_ =	shalt  }
0x7d: {  	_ =	shalt  }
0x7e: {  	_ =	shalt  }
0x7f: {  	_ =	shalt  }
0x80: {  	_ =	shalt  }
0x81: {  	_ =	shalt  }
0x82: {  	_ =	shalt  }
0x83: {  	_ =	shalt  }
0x84: {  	_ =	shalt  }
0x85: {  	_ =	shalt  }
0x86: {  	_ =	shalt  }
0x87: {  	_ =	shalt  }
.Lfunc_end0:
.L_simem_size_0:
called_computation_lowered:
.L_overlay_start_0:
0x88: {  	s2 =	sld [smem:$0x3FD9]  }
0x89: {  	s3 =	sld [smem:$0x3FFE];
	_ =	sdelay $0x1  }
0x8a: {  	s1 =	srdreg.scid  }
0x8b: {  	s0 =	sand.u32 $0x1, s1  }
0x8c: {  	s17 =	sshll.u32 s0, $0xA;
	s2 =	sadd.s32 s3, s2  }
0x8d: {  	s2 =	sadd.s32 s2, s17  }
0x8e: {  	[smem:$0x3FBA] =	sst s2  }
0x8f: {  	_ = 	snop  }
0x90: {  	s2 =	sld [smem:$0x3FD0];
	(tm) =	ssettm $0x1  }
0x91: {  	s18 =	sld [smem:$0x3FFB];
	_ =	sdelay $0x3  }
0x92: {  	_ =	strace s18  }
0x93: {  	s3 =	sld [smem:$0x3FFC];
	_ =	sdelay $0x3  }
0x94: {  	_ =	strace s3  }
0x95: {  	s3 =	sld [smem:$0x3FFD];
	_ =	sdelay $0x3  }
0x96: {  	_ =	strace s3  }
0x97: {  	_ =	strace $0x8FFFFFFF  }
0x98: {  	s19 =	sld [smem:$0x3FDB];
	_ =	sdelay $0x1  }
0x99: {  	s4 =	simm.s32 $_scs_section_size  }
0x9a: {  	s5 =	simm.s32 $_size__tile_overlayer_lowered;
	s6 =	simm.s32 $_tile_overlayer_lowered  }
0x9b: {  	s22 =	simm.s32 $0x1BFF;
	s21 =	sshll.u32 s6, $0x1;
	s3 =	sadd.s32 s4, s19  }
0x9c: {  	s7 =	simm.s32 $0x0;
	s20 =	sshll.u32 s5, $0x1;
	s5 =	sadd.s32 s21, s3  }
0x9d: {  	[timem:s7], [sflag:s22] =	dma.local [hbm:s5], s20  }
0x9e: {  	_ =	swait.ge [sflag:s22], s20  }
0x9f: {  	s4 =	ssub.s32 $0x0, s20;
	[sflag:s22] =	ssyncset.done $0x0  }
0xa0: {  	[sflag:s22] =	ssyncadd.s32 s4;
	_ =	sdelay $0x1  }
0xa1: {  	s23 =	simm.s32 $0x1B8B  }
0xa2: {  	_ =	swait.ge [sflag:s23], $0x1  }
0xa3: {  	[sflag:s23] =	ssyncset.done $0x0  }
0xa4: {  	s25 =	simm.s32 $0x1B8E;
	s24 =	sld [smem:$0x3FFE];
	[sflag:s23] =	ssyncadd.s32 $0xFFFFFFFF  }
0xa5: {  	s26 =	simm.s32 $execute0_lowered;
	[smem:$0x3FD2] =	sst s25  }
0xa6: {  	s5 =	sshll.u32 s26, $0x1;
	_ =	strace $0x80000046;
	[dreg:$0x1] =	wrdreg $0xFFFFFFFF  }
0xa7: {  	s28 =	simm.s32 $_size_execute0_lowered;
	s3 =	sadd.s32 s3, s5;
	[dreg:$0x0] =	wrdreg $0x0  }
0xa8: {  	s5 =	sshll.u32 s28, $0x1;
	[dreg:$0x2] =	wrdreg s3  }
0xa9: {  	[dreg:$0x3] =	wrdreg s5  }
0xaa: {  	[dreg:$0x4] =	wrdreg $0xC0  }
0xab: {  	_ =	task [dreg:s7], $0x5FFFF  }
0xac: {  	[dreg:$0x1] =	wrdreg $0xFFFFFFFF  }
0xad: {  	[dreg:$0x0] =	wrdreg $0x60  }
0xae: {  	[dreg:$0x2] =	wrdreg s2  }
0xaf: {  	[dreg:$0x3] =	wrdreg s24  }
0xb0: {  	[dreg:$0x4] =	wrdreg $0xBB000  }
0xb1: {  	[dreg:$0x5] =	wrdreg $0x9  }
0xb2: {  	_ =	task.clear_ibuf [dreg:s7], $0x6FFFF;
	_ =	strace $0x90000046  }
0xb3: {  	s29 =	simm.s32 $0x9;
	_ =	strace $0x80000048  }
0xb4: {  	_ =	swait.ge [sflag:s29], $0x1  }
0xb5: {  	[sflag:s29] =	ssyncadd.s32 $0xFFFFFFFF  }
0xb6: {  	_ =	strace $0x90000048  }
0xb7: {  	_ =	sfence  }
0xb8: {  	s30 =	sld [smem:$0x0];
	_ =	sdelay $0x2  }
0xb9: {  	s31 =	sshll.u32 s1, $0xD;
	s1 =	sshrl.u32 s1, $0x2  }
0xba: {  	s3 =	sand.u32 $0x4000, s31;
	s1 =	sadd.s32 s1, s30  }
0xbb: {  	s0 =	sor.u32 s3, s0;
	s1 =	sshll.u32 s1, $0x11  }
0xbc: {  	s0 =	sor.u32 s1, s0  }
0xbd: {  	s0 =	sadd.s32 $0x8F2B, s0  }
0xbe: {  	[sflag:s0] =	ssyncadd.remote.s32 $0x1  }
0xbf: {  	_ =	sfence.sel $0xFFFF  }
0xc0: {  	[dreg:$0x0] =	wrdreg $0xFFFFFFFF;
	(pc) =	sbr.abs _section_cstart, $3  }
0xc1: {  	[dreg:$0x1] =	wrdreg $0xFFFFFFFF  }
0xc2: {  	_ =	task.clear_ibuf [dreg:s7], $0x2FFFF;
	_ =	strace $0x9FFFFFFF  }
0xc3: {  	(tm) =	ssettm $0x7FFFFFFF  }
tec
execute0_lowered:
.L_overlay_start_1:
0x0: {  	(tag) =	ssettag $0x1  }
0x1: {  	s0 =	rddreg [dreg:$0x0]  }
0x2: {  	s7 =	rddreg [dreg:$0x1];
	s1 =	srdreg.scid  }
0x3: {  	s3 =	rddreg [dreg:$0x2];
	s2 =	stileid.u32;
	s4 =	simm.s32 $0x0  }
0x4: {  	s14 =	simm.s32 $0x50;
	s15 =	simm.s32 $0x4000;
	s16 =	simm.s32 $0x4300  }
0x5: {  	s17 =	simm.s32 $0x4080;
	s18 =	simm.s32 $0x6B00;
	s19 =	simm.s32 $0x1  }
0x6: {  	s20 =	simm.s32 $0x4180;
	s21 =	simm.s32 $0x4100;
	s22 =	simm.s32 $0x9300  }
0x7: {  	s23 =	simm.s32 $0x4200;
	s24 =	simm.s32 $0x2;
	s25 =	simm.s32 $0x4280  }
0x8: {  	s8 =	sand.u32 $0x1, s1;
	s1 =	rddreg [dreg:$0x3];
	s6 =	smul.u32 $0x14000, s2  }
0x9: {  	s26 =	simm.s32 $0x0;
	[smem:$0x7FF] =	sst s4;
	s12 =	smul.u32 $0x50000, s2  }
0xa: {  	s11 =	sshll.u32 s2, $0xC;
	s31 =	sshll.u32 s2, $0x6;
	s5 =	smul.u32 $0x140000, s8  }
0xb: {  	s9 =	sshll.u32 s8, $0xB;
	_ =	strace $0x80000047;
	s8 =	ssub.s32 $0x2, s8  }
0xc: {  	s9 =	sadd.s32 s9, s7;
	s28 =	sshrl.u32 s8, $0x1;
	s30 =	sshrl.u32 s12, $0x2  }
0xd: {  	s12 =	sor.u32 $0x1C03, s31;
	s10 =	sadd.s32 s6, s5;
	s5 =	sadd.s32 $0x13A00, s7  }
0xe: {  	s6 =	sadd.s32 $0x13400, s7;
	s9 =	sadd.s32 s11, s9;
	s29 =	ssub.s32 s8, s28  }
0xf: {  	s13 =	sadd.s32 s30, s3;
	s11 =	simm.s32 $0x3;
	s10 =	sshrl.u32 s10, $0x3  }
0x10: {  	s13 =	sshrl.u32 s13, $0x3;
	s10 =	sadd.s32 s10, s7;
	s7 =	sadd.s32 $0x3400, s9  }
0x11: {  	s8 =	sadd.s32 $0x16200, s10;
	s9 =	sadd.s32 $0x66200, s10;
	s10 =	smax.u32 s29, $0x1  }
.LBB2_1:
0x12: {  	[tilespmem:s4], [sflag:$0x3] =	stream.linear.gather [hbm4b:s7+s4], $0x3E80, $0x38;
	[tilespmem:$0x1FB00] =	vst v63  }
0x13: {  	_ =	swait.ge [sflag:s11], $0x3E80  }
0x14: {  	[sflag:s11] =	ssyncset.done $0x0  }
0x15: {  	[sflag:s11] =	ssyncadd.s32 $0xFFFFC180  }
0x16: {  	[spmem:s13], [sflag:s12] =	dma.local [hbm:s5], $0x2800  }
0x17: {  	_ =	swait.ge [sflag:s11], $0x2800  }
0x18: {  	[sflag:s11] =	ssyncset.done $0x0  }
0x19: {  	[sflag:s11] =	ssyncadd.s32 $0xFFFFD800  }
0x1a: {  	[bflag:$0x0] =	sbarrier.arrive $0xFFFF  }
0x1b: {  	v0 =	vld [tilespmem:$0x0];
	_ =	sdelay $0x1  }
0x1c: {  	v1 =	vld [tilespmem:$0x10];
	_ =	sdelay $0x1  }
0x1d: {  	v2 =	vld [tilespmem:$0x20]  }
0x1e: {  	v3 =	vand.u32 $0xFFFF, v0  }
0x1f: {  	v0 =	vshrl.u32 v0, $0x10;
	[tilespmem:$0x4000] =	vst v3;
	v3 =	vld [tilespmem:$0x30]  }
0x20: {  	[tilespmem:$0x4180] =	vst v0;
	v0 =	vand.u32 $0xFFFF, v1  }
0x21: {  	[tilespmem:$0x4010] =	vst v0;
	v0 =	vshrl.u32 v1, $0x10;
	v1 =	vld [tilespmem:$0x40]  }
0x22: {  	[tilespmem:$0x4190] =	vst v0;
	v0 =	vand.u32 $0xFFFF, v2  }
0x23: {  	[tilespmem:$0x4020] =	vst v0;
	v0 =	vshrl.u32 v2, $0x10  }
0x24: {  	[tilespmem:$0x41A0] =	vst v0;
	v0 =	vand.u32 $0xFFFF, v3  }
0x25: {  	[tilespmem:$0x4030] =	vst v0;
	v0 =	vshrl.u32 v3, $0x10  }
0x26: {  	[tilespmem:$0x41B0] =	vst v0;
	v0 =	vand.u32 $0xFFFF, v1  }
0x27: {  	[tilespmem:$0x4040] =	vst v0;
	v0 =	vshrl.u32 v1, $0x10  }
0x28: {  	[tilespmem:$0x41C0] =	vst v0  }
0x29: {  	[tilespmem:s16], [sflag:$0x1] =	stream.indirect.gather [hbm4b:s0+s14], $0x80, s15, s14, $0xb8;
	[tilespmem:$0x1FB00] =	vst v63  }
0x2a: {  	v0 =	vld [tilespmem:$0x80];
	_ =	sdelay $0x1  }
0x2b: {  	v1 =	vld [tilespmem:$0x90];
	_ =	sdelay $0x1  }
0x2c: {  	v2 =	vld [tilespmem:$0xA0]  }
0x2d: {  	v3 =	vand.u32 $0xFFFF, v0  }
0x2e: {  	v0 =	vshrl.u32 v0, $0x10;
	[tilespmem:$0x4080] =	vst v3;
	v3 =	vld [tilespmem:$0xB0]  }
0x2f: {  	[tilespmem:$0x4200] =	vst v0;
	v0 =	vand.u32 $0xFFFF, v1  }
0x30: {  	[tilespmem:$0x4090] =	vst v0;
	v0 =	vshrl.u32 v1, $0x10;
	v1 =	vld [tilespmem:$0xC0]  }
0x31: {  	[tilespmem:$0x4210] =	vst v0;
	v0 =	vand.u32 $0xFFFF, v2  }
0x32: {  	[tilespmem:$0x40A0] =	vst v0;
	v0 =	vshrl.u32 v2, $0x10  }
0x33: {  	[tilespmem:$0x4220] =	vst v0;
	v0 =	vand.u32 $0xFFFF, v3  }
0x34: {  	[tilespmem:$0x40B0] =	vst v0;
	v0 =	vshrl.u32 v3, $0x10  }
0x35: {  	[tilespmem:$0x4230] =	vst v0;
	v0 =	vand.u32 $0xFFFF, v1  }
0x36: {  	[tilespmem:$0x40C0] =	vst v0;
	v0 =	vshrl.u32 v1, $0x10  }
0x37: {  	[tilespmem:$0x4240] =	vst v0  }
0x38: {  	[tilespmem:s18], [sflag:$0x1] =	stream.indirect.gather [hbm4b:s0+s14], $0x80, s17, s14, $0xb8;
	[tilespmem:$0x1FB00] =	vst v63  }
0x39: {  	_ =	swait.ge [sflag:s19], $0x2800  }
0x3a: {  	[sflag:s19] =	ssyncset.done $0x0  }
0x3b: {  	[sflag:s19] =	ssyncadd.s32 $0xFFFFD800  }
0x3c: {  	[spmem:s3] =	stream.indirect.scatter.add.f32 [tilespmem:s16], [sflag:$0x2], $0x80, s20, s14, $0xb8;
	[tilespmem:$0x1FB00] =	vst v63  }
0x3d: {  	v0 =	vld [tilespmem:$0x100];
	_ =	sdelay $0x1  }
0x3e: {  	v1 =	vld [tilespmem:$0x110];
	_ =	sdelay $0x1  }
0x3f: {  	v2 =	vld [tilespmem:$0x120]  }
0x40: {  	v3 =	vand.u32 $0xFFFF, v0  }
0x41: {  	v0 =	vshrl.u32 v0, $0x10;
	[tilespmem:$0x4100] =	vst v3;
	v3 =	vld [tilespmem:$0x130]  }
0x42: {  	[tilespmem:$0x4280] =	vst v0;
	v0 =	vand.u32 $0xFFFF, v1  }
0x43: {  	[tilespmem:$0x4110] =	vst v0;
	v0 =	vshrl.u32 v1, $0x10;
	v1 =	vld [tilespmem:$0x140]  }
0x44: {  	[tilespmem:$0x4290] =	vst v0;
	v0 =	vand.u32 $0xFFFF, v2  }
0x45: {  	[tilespmem:$0x4120] =	vst v0;
	v0 =	vshrl.u32 v2, $0x10  }
0x46: {  	[tilespmem:$0x42A0] =	vst v0;
	v0 =	vand.u32 $0xFFFF, v3  }
0x47: {  	[tilespmem:$0x4130] =	vst v0;
	v0 =	vshrl.u32 v3, $0x10  }
0x48: {  	[tilespmem:$0x42B0] =	vst v0;
	v0 =	vand.u32 $0xFFFF, v1  }
0x49: {  	[tilespmem:$0x4140] =	vst v0;
	v0 =	vshrl.u32 v1, $0x10  }
0x4a: {  	[tilespmem:$0x42C0] =	vst v0  }
0x4b: {  	[tilespmem:s22], [sflag:$0x1] =	stream.indirect.gather [hbm4b:s0+s14], $0x80, s21, s14, $0xb8;
	[tilespmem:$0x1FB00] =	vst v63  }
0x4c: {  	_ =	swait.ge [sflag:s19], $0x2800  }
0x4d: {  	[sflag:s19] =	ssyncset.done $0x0  }
0x4e: {  	[sflag:s19] =	ssyncadd.s32 $0xFFFFD800  }
0x4f: {  	[spmem:s3] =	stream.indirect.scatter.add.f32 [tilespmem:s18], [sflag:$0x2], $0x80, s23, s14, $0xb8;
	[tilespmem:$0x1FB00] =	vst v63  }
0x50: {  	_ =	swait.ge [sflag:s24], $0x2800  }
0x51: {  	[sflag:s24] =	ssyncset.done $0x0  }
0x52: {  	s28 =	simm.s32 $0x240;
	[sflag:s24] =	ssyncadd.s32 $0xFFFFD800  }
0x53: {  	v0 =	vld [tilespmem:s28+$0xFFFFFF40];
	_ =	sdelay $0x4  }
0x54: {  	v1 =	vand.u32 $0xFFFF, v0  }
0x55: {  	v0 =	vshrl.u32 v0, $0x10;
	[tilespmem:$0x4000] =	vst v1  }
0x56: {  	[tilespmem:$0x4180] =	vst v0  }
0x57: {  	v0 =	vld [tilespmem:s28+$0xFFFFFF50];
	_ =	sdelay $0x4  }
0x58: {  	v1 =	vand.u32 $0xFFFF, v0  }
0x59: {  	v0 =	vshrl.u32 v0, $0x10;
	[tilespmem:$0x4010] =	vst v1  }
0x5a: {  	[tilespmem:$0x4190] =	vst v0  }
0x5b: {  	v0 =	vld [tilespmem:s28+$0xFFFFFF60];
	_ =	sdelay $0x4  }
0x5c: {  	v1 =	vand.u32 $0xFFFF, v0  }
0x5d: {  	v0 =	vshrl.u32 v0, $0x10;
	[tilespmem:$0x4020] =	vst v1  }
0x5e: {  	[tilespmem:$0x41A0] =	vst v0  }
0x5f: {  	v0 =	vld [tilespmem:s28+$0xFFFFFF70];
	_ =	sdelay $0x4  }
0x60: {  	v1 =	vand.u32 $0xFFFF, v0  }
0x61: {  	v0 =	vshrl.u32 v0, $0x10;
	[tilespmem:$0x4030] =	vst v1  }
0x62: {  	[tilespmem:$0x41B0] =	vst v0  }
0x63: {  	v0 =	vld [tilespmem:s28+$0xFFFFFF80];
	_ =	sdelay $0x4  }
0x64: {  	v1 =	vand.u32 $0xFFFF, v0  }
0x65: {  	v0 =	vshrl.u32 v0, $0x10;
	[tilespmem:$0x4040] =	vst v1  }
0x66: {  	[tilespmem:$0x41C0] =	vst v0  }
0x67: {  	[tilespmem:s16], [sflag:$0x1] =	stream.indirect.gather [hbm4b:s0+s14], $0x80, s15, s14, $0xb8;
	[tilespmem:$0x1FB00] =	vst v63  }
0x68: {  	_ =	swait.ge [sflag:s19], $0x2800  }
0x69: {  	[sflag:s19] =	ssyncset.done $0x0  }
0x6a: {  	[sflag:s19] =	ssyncadd.s32 $0xFFFFD800  }
0x6b: {  	[spmem:s3] =	stream.indirect.scatter.add.f32 [tilespmem:s22], [sflag:$0x2], $0x80, s25, s14, $0xb8;
	[tilespmem:$0x1FB00] =	vst v63  }
0x6c: {  	_ =	swait.ge [sflag:s24], $0x2800  }
0x6d: {  	[sflag:s24] =	ssyncset.done $0x0  }
0x6e: {  	[sflag:s24] =	ssyncadd.s32 $0xFFFFD800  }
0x6f: {  	v0 =	vld [tilespmem:s28+$0xFFFFFFC0];
	_ =	sdelay $0x4  }
0x70: {  	v1 =	vand.u32 $0xFFFF, v0  }
0x71: {  	v0 =	vshrl.u32 v0, $0x10;
	[tilespmem:$0x4080] =	vst v1  }
0x72: {  	[tilespmem:$0x4200] =	vst v0  }
0x73: {  	v0 =	vld [tilespmem:s28+$0xFFFFFFD0];
	_ =	sdelay $0x4  }
0x74: {  	v1 =	vand.u32 $0xFFFF, v0  }
0x75: {  	v0 =	vshrl.u32 v0, $0x10;
	[tilespmem:$0x4090] =	vst v1  }
0x76: {  	[tilespmem:$0x4210] =	vst v0  }
0x77: {  	v0 =	vld [tilespmem:s28+$0xFFFFFFE0];
	_ =	sdelay $0x4  }
0x78: {  	v1 =	vand.u32 $0xFFFF, v0  }
0x79: {  	v0 =	vshrl.u32 v0, $0x10;
	[tilespmem:$0x40A0] =	vst v1  }
0x7a: {  	[tilespmem:$0x4220] =	vst v0  }
0x7b: {  	v0 =	vld [tilespmem:s28+$0xFFFFFFF0];
	_ =	sdelay $0x4  }
0x7c: {  	v1 =	vand.u32 $0xFFFF, v0  }
0x7d: {  	v0 =	vshrl.u32 v0, $0x10;
	[tilespmem:$0x40B0] =	vst v1  }
0x7e: {  	[tilespmem:$0x4230] =	vst v0  }
0x7f: {  	v0 =	vld [tilespmem:s28+$0x0];
	_ =	sdelay $0x4  }
0x80: {  	v1 =	vand.u32 $0xFFFF, v0  }
0x81: {  	v0 =	vshrl.u32 v0, $0x10;
	[tilespmem:$0x40C0] =	vst v1  }
0x82: {  	[tilespmem:$0x4240] =	vst v0  }
0x83: {  	[tilespmem:s18], [sflag:$0x1] =	stream.indirect.gather [hbm4b:s0+s14], $0x80, s17, s14, $0xb8;
	[tilespmem:$0x1FB00] =	vst v63  }
0x84: {  	_ =	swait.ge [sflag:s19], $0x2800  }
0x85: {  	[sflag:s19] =	ssyncset.done $0x0  }
0x86: {  	[sflag:s19] =	ssyncadd.s32 $0xFFFFD800  }
0x87: {  	[spmem:s3] =	stream.indirect.scatter.add.f32 [tilespmem:s16], [sflag:$0x2], $0x80, s20, s14, $0xb8;
	[tilespmem:$0x1FB00] =	vst v63  }
0x88: {  	_ =	swait.ge [sflag:s24], $0x2800  }
0x89: {  	s29 =	smin.u32 s4, $0x77;
	[sflag:s24] =	ssyncset.done $0x0  }
0x8a: {  	s31 =	sshll.u32 s29, $0x7;
	[sflag:s24] =	ssyncadd.s32 $0xFFFFD800  }
0x8b: {  	v0 =	vld [tilespmem:s31+$0x280];
	_ =	sdelay $0x4  }
0x8c: {  	v1 =	vand.u32 $0xFFFF, v0  }
0x8d: {  	v0 =	vshrl.u32 v0, $0x10;
	[tilespmem:$0x4100] =	vst v1  }
0x8e: {  	[tilespmem:$0x4280] =	vst v0  }
0x8f: {  	v0 =	vld [tilespmem:s31+$0x290];
	_ =	sdelay $0x4  }
0x90: {  	v1 =	vand.u32 $0xFFFF, v0  }
0x91: {  	v0 =	vshrl.u32 v0, $0x10;
	[tilespmem:$0x4110] =	vst v1  }
0x92: {  	[tilespmem:$0x4290] =	vst v0  }
0x93: {  	v0 =	vld [tilespmem:s31+$0x2A0];
	_ =	sdelay $0x4  }
0x94: {  	v1 =	vand.u32 $0xFFFF, v0  }
0x95: {  	v0 =	vshrl.u32 v0, $0x10;
	[tilespmem:$0x4120] =	vst v1  }
0x96: {  	[tilespmem:$0x42A0] =	vst v0  }
0x97: {  	s29 =	simm.s32 $0x3;
	v0 =	vld [tilespmem:s31+$0x2B0]  }
.LBB2_2:
0x98: {  	p0 =	sne.s32 s29, $0x78  }
0x99: {  	s28 =	sadd.s32 $0x180, s28;
	s30 =	smov.u32 s29;
	s29 =	sadd.s32 $0x3, s29  }
0x9a: {  	_ =	sdelay $0x2  }
0x9b: {  	v1 =	vand.u32 $0xFFFF, v0;
	v0 =	vshrl.u32 v0, $0x10  }
0x9c: {  	[tilespmem:$0x4130] =	vst v1  }
0x9d: {  	[tilespmem:$0x42B0] =	vst v0  }
0x9e: {  	v0 =	vld [tilespmem:s31+$0x2C0];
	_ =	sdelay $0x4  }
0x9f: {  	v1 =	vand.u32 $0xFFFF, v0;
	v0 =	vshrl.u32 v0, $0x10  }
0xa0: {  	[tilespmem:$0x4140] =	vst v1  }
0xa1: {  	[tilespmem:$0x42C0] =	vst v0  }
0xa2: {  	[tilespmem:s22], [sflag:$0x1] =	stream.indirect.gather [hbm4b:s0+s14], $0x80, s21, s14, $0xb8;
	[tilespmem:$0x1FB00] =	vst v63  }
0xa3: {  	_ =	swait.ge [sflag:s19], $0x2800  }
0xa4: {  	[sflag:s19] =	ssyncset.done $0x0  }
0xa5: {  	[sflag:s19] =	ssyncadd.s32 $0xFFFFD800  }
0xa6: {  	[spmem:s3] =	stream.indirect.scatter.add.f32 [tilespmem:s18], [sflag:$0x2], $0x80, s23, s14, $0xb8;
	[tilespmem:$0x1FB00] =	vst v63  }
0xa7: {  	_ =	swait.ge [sflag:s24], $0x2800  }
0xa8: {  	[sflag:s24] =	ssyncset.done $0x0  }
0xa9: {  	[sflag:s24] =	ssyncadd.s32 $0xFFFFD800  }
0xaa: {  	v0 =	vld [tilespmem:s28+$0xFFFFFF40];
	_ =	sdelay $0x4  }
0xab: {  	v1 =	vand.u32 $0xFFFF, v0;
	v0 =	vshrl.u32 v0, $0x10  }
0xac: {  	[tilespmem:$0x4000] =	vst v1  }
0xad: {  	[tilespmem:$0x4180] =	vst v0  }
0xae: {  	v0 =	vld [tilespmem:s28+$0xFFFFFF50];
	_ =	sdelay $0x4  }
0xaf: {  	v1 =	vand.u32 $0xFFFF, v0;
	v0 =	vshrl.u32 v0, $0x10  }
0xb0: {  	[tilespmem:$0x4010] =	vst v1  }
0xb1: {  	[tilespmem:$0x4190] =	vst v0  }
0xb2: {  	v0 =	vld [tilespmem:s28+$0xFFFFFF60];
	_ =	sdelay $0x4  }
0xb3: {  	v1 =	vand.u32 $0xFFFF, v0;
	v0 =	vshrl.u32 v0, $0x10  }
0xb4: {  	[tilespmem:$0x4020] =	vst v1  }
0xb5: {  	[tilespmem:$0x41A0] =	vst v0  }
0xb6: {  	v0 =	vld [tilespmem:s28+$0xFFFFFF70];
	_ =	sdelay $0x4  }
0xb7: {  	v1 =	vand.u32 $0xFFFF, v0;
	v0 =	vshrl.u32 v0, $0x10  }
0xb8: {  	[tilespmem:$0x4030] =	vst v1  }
0xb9: {  	[tilespmem:$0x41B0] =	vst v0  }
0xba: {  	v0 =	vld [tilespmem:s28+$0xFFFFFF80];
	_ =	sdelay $0x4  }
0xbb: {  	v1 =	vand.u32 $0xFFFF, v0;
	v0 =	vshrl.u32 v0, $0x10  }
0xbc: {  	[tilespmem:$0x4040] =	vst v1  }
0xbd: {  	[tilespmem:$0x41C0] =	vst v0  }
0xbe: {  	[tilespmem:s16], [sflag:$0x1] =	stream.indirect.gather [hbm4b:s0+s14], $0x80, s15, s14, $0xb8;
	[tilespmem:$0x1FB00] =	vst v63  }
0xbf: {  	_ =	swait.ge [sflag:s19], $0x2800  }
0xc0: {  	[sflag:s19] =	ssyncset.done $0x0  }
0xc1: {  	[sflag:s19] =	ssyncadd.s32 $0xFFFFD800  }
0xc2: {  	[spmem:s3] =	stream.indirect.scatter.add.f32 [tilespmem:s22], [sflag:$0x2], $0x80, s25, s14, $0xb8;
	[tilespmem:$0x1FB00] =	vst v63  }
0xc3: {  	_ =	swait.ge [sflag:s24], $0x2800  }
0xc4: {  	[sflag:s24] =	ssyncset.done $0x0  }
0xc5: {  	[sflag:s24] =	ssyncadd.s32 $0xFFFFD800  }
0xc6: {  	v0 =	vld [tilespmem:s28+$0xFFFFFFC0];
	_ =	sdelay $0x4  }
0xc7: {  	v1 =	vand.u32 $0xFFFF, v0;
	v0 =	vshrl.u32 v0, $0x10  }
0xc8: {  	[tilespmem:$0x4080] =	vst v1  }
0xc9: {  	[tilespmem:$0x4200] =	vst v0  }
0xca: {  	v0 =	vld [tilespmem:s28+$0xFFFFFFD0];
	_ =	sdelay $0x4  }
0xcb: {  	v1 =	vand.u32 $0xFFFF, v0;
	v0 =	vshrl.u32 v0, $0x10  }
0xcc: {  	[tilespmem:$0x4090] =	vst v1  }
0xcd: {  	[tilespmem:$0x4210] =	vst v0  }
0xce: {  	v0 =	vld [tilespmem:s28+$0xFFFFFFE0];
	_ =	sdelay $0x4  }
0xcf: {  	v1 =	vand.u32 $0xFFFF, v0;
	v0 =	vshrl.u32 v0, $0x10  }
0xd0: {  	[tilespmem:$0x40A0] =	vst v1  }
0xd1: {  	[tilespmem:$0x4220] =	vst v0  }
0xd2: {  	v0 =	vld [tilespmem:s28+$0xFFFFFFF0];
	_ =	sdelay $0x4  }
0xd3: {  	v1 =	vand.u32 $0xFFFF, v0;
	v0 =	vshrl.u32 v0, $0x10  }
0xd4: {  	[tilespmem:$0x40B0] =	vst v1  }
0xd5: {  	[tilespmem:$0x4230] =	vst v0  }
0xd6: {  	v0 =	vld [tilespmem:s28+$0x0];
	_ =	sdelay $0x3  }
0xd7: {  	s30 =	smin.u32 s30, $0x77  }
0xd8: {  	s31 =	sshll.u32 s30, $0x7;
	v1 =	vand.u32 $0xFFFF, v0;
	v0 =	vshrl.u32 v0, $0x10  }
0xd9: {  	[tilespmem:$0x40C0] =	vst v1  }
0xda: {  	[tilespmem:$0x4240] =	vst v0  }
0xdb: {  	[tilespmem:s18], [sflag:$0x1] =	stream.indirect.gather [hbm4b:s0+s14], $0x80, s17, s14, $0xb8;
	[tilespmem:$0x1FB00] =	vst v63  }
0xdc: {  	_ =	swait.ge [sflag:s19], $0x2800  }
0xdd: {  	[sflag:s19] =	ssyncset.done $0x0  }
0xde: {  	[sflag:s19] =	ssyncadd.s32 $0xFFFFD800  }
0xdf: {  	[spmem:s3] =	stream.indirect.scatter.add.f32 [tilespmem:s16], [sflag:$0x2], $0x80, s20, s14, $0xb8;
	[tilespmem:$0x1FB00] =	vst v63  }
0xe0: {  	_ =	swait.ge [sflag:s24], $0x2800  }
0xe1: {  	[sflag:s24] =	ssyncset.done $0x0  }
0xe2: {  	[sflag:s24] =	ssyncadd.s32 $0xFFFFD800  }
0xe3: {  	v0 =	vld [tilespmem:s31+$0x280];
	_ =	sdelay $0x4  }
0xe4: {  	v1 =	vand.u32 $0xFFFF, v0;
	v0 =	vshrl.u32 v0, $0x10  }
0xe5: {  	[tilespmem:$0x4100] =	vst v1  }
0xe6: {  	[tilespmem:$0x4280] =	vst v0  }
0xe7: {  	v0 =	vld [tilespmem:s31+$0x290];
	_ =	sdelay $0x4  }
0xe8: {  	v1 =	vand.u32 $0xFFFF, v0;
	v0 =	vshrl.u32 v0, $0x10  }
0xe9: {  	[tilespmem:$0x4110] =	vst v1  }
0xea: {  	[tilespmem:$0x4290] =	vst v0  }
0xeb: {  	v0 =	vld [tilespmem:s31+$0x2A0];
	_ =	sdelay $0x3  }
.Ltmp0:
0xec: {  	(pc) =	sbr.rel @p0 .LBB2_2-.Ltmp0, $4  }
0xed: {  	v1 =	vand.u32 $0xFFFF, v0;
	v0 =	vshrl.u32 v0, $0x10  }
0xee: {  	[tilespmem:$0x4120] =	vst v1  }
0xef: {  	[tilespmem:$0x42A0] =	vst v0  }
0xf0: {  	v0 =	vld [tilespmem:s31+$0x2B0]  }
0xf1: {  	_ =	sdelay $0x3  }
0xf2: {  	v1 =	vand.u32 $0xFFFF, v0  }
0xf3: {  	v45 =	vshrl.u32 v0, $0x10;
	[tilespmem:$0x4130] =	vst v1  }
0xf4: {  	[tilespmem:$0x42B0] =	vst v45  }
0xf5: {  	v0 =	vld [tilespmem:s31+$0x2C0];
	_ =	sdelay $0x4  }
0xf6: {  	v46 =	vand.u32 $0xFFFF, v0  }
0xf7: {  	v0 =	vshrl.u32 v0, $0x10;
	[tilespmem:$0x4140] =	vst v46  }
0xf8: {  	[tilespmem:$0x42C0] =	vst v0  }
0xf9: {  	[tilespmem:s22], [sflag:$0x1] =	stream.indirect.gather [hbm4b:s0+s14], $0x80, s21, s14, $0xb8;
	[tilespmem:$0x1FB00] =	vst v63  }
0xfa: {  	_ =	swait.ge [sflag:s19], $0x2800  }
0xfb: {  	[sflag:s19] =	ssyncset.done $0x0  }
0xfc: {  	[sflag:s19] =	ssyncadd.s32 $0xFFFFD800  }
0xfd: {  	_ =	swait.ge [sflag:s19], $0x2800  }
0xfe: {  	[sflag:s19] =	ssyncset.done $0x0  }
0xff: {  	[sflag:s19] =	ssyncadd.s32 $0xFFFFD800  }
0x100: {  	[spmem:s3] =	stream.indirect.scatter.add.f32 [tilespmem:s18], [sflag:$0x2], $0x80, s23, s14, $0xb8;
	[tilespmem:$0x1FB00] =	vst v63  }
0x101: {  	_ =	swait.ge [sflag:s24], $0x2800  }
0x102: {  	[sflag:s24] =	ssyncset.done $0x0  }
0x103: {  	[sflag:s24] =	ssyncadd.s32 $0xFFFFD800  }
0x104: {  	_ =	swait.ge [sflag:s24], $0x2800  }
0x105: {  	[sflag:s24] =	ssyncset.done $0x0  }
0x106: {  	[sflag:s24] =	ssyncadd.s32 $0xFFFFD800  }
0x107: {  	[bflag:$0x0] =	sbarrier.arrive $0xFFFF  }
0x108: {  	[hbm:s8], [sflag:s12] =	dma.local [spmem:s13], $0x2800  }
0x109: {  	_ =	swait.ge [sflag:s11], $0x2800  }
0x10a: {  	[sflag:s11] =	ssyncset.done $0x0  }
0x10b: {  	[sflag:s11] =	ssyncadd.s32 $0xFFFFD800  }
0x10c: {  	[spmem:s13], [sflag:s12] =	dma.local [hbm:s5], $0x2800  }
0x10d: {  	_ =	swait.ge [sflag:s11], $0x2800  }
0x10e: {  	[sflag:s11] =	ssyncset.done $0x0  }
0x10f: {  	[sflag:s11] =	ssyncadd.s32 $0xFFFFD800  }
0x110: {  	[tilespmem:s16], [sflag:$0x3] =	stream.linear.gather [hbm4b:s6+s4], $0x2800, $0x38;
	[tilespmem:$0x1FB00] =	vst v63  }
0x111: {  	_ =	swait.ge [sflag:s11], $0x2800  }
0x112: {  	[sflag:s11] =	ssyncset.done $0x0  }
0x113: {  	[sflag:s11] =	ssyncadd.s32 $0xFFFFD800  }
0x114: {  	[bflag:$0x0] =	sbarrier.arrive $0xFFFF  }
0x115: {  	v47 =	vld [tilespmem:$0x0]  }
0x116: {  	v48 =	vld [tilespmem:$0x10]  }
0x117: {  	v2 =	vld [tilespmem:$0x20]  }
0x118: {  	v3 =	vld [tilespmem:$0x30]  }
0x119: {  	v4 =	vld [tilespmem:$0x40]  }
0x11a: {  	v0 =	vshrl.u32 v47, $0x10  }
0x11b: {  	v49 =	vshrl.u32 v48, $0x10;
	[tilespmem:$0x4180] =	vst v0  }
0x11c: {  	v50 =	vshrl.u32 v2, $0x10;
	[tilespmem:$0x4190] =	vst v49  }
0x11d: {  	v51 =	vshrl.u32 v3, $0x10;
	[tilespmem:$0x41A0] =	vst v50  }
0x11e: {  	v52 =	vshrl.u32 v4, $0x10;
	[tilespmem:$0x41B0] =	vst v51  }
0x11f: {  	[tilespmem:$0x41C0] =	vst v52  }
0x120: {  	[spmem:s3] =	stream.indirect.scatter.add.f32 [tilespmem:s16], [sflag:$0x2], $0x80, s20, s14, $0xb8;
	[tilespmem:$0x1FB00] =	vst v63  }
0x121: {  	v53 =	vld [tilespmem:$0x80]  }
0x122: {  	v54 =	vld [tilespmem:$0x90]  }
0x123: {  	v55 =	vld [tilespmem:$0xA0]  }
0x124: {  	v56 =	vld [tilespmem:$0xB0]  }
0x125: {  	v57 =	vld [tilespmem:$0xC0]  }
0x126: {  	v0 =	vshrl.u32 v53, $0x10  }
0x127: {  	v58 =	vshrl.u32 v54, $0x10;
	[tilespmem:$0x4200] =	vst v0  }
0x128: {  	v59 =	vshrl.u32 v55, $0x10;
	[tilespmem:$0x4210] =	vst v58  }
0x129: {  	v60 =	vshrl.u32 v56, $0x10;
	[tilespmem:$0x4220] =	vst v59  }
0x12a: {  	v61 =	vshrl.u32 v57, $0x10;
	[tilespmem:$0x4230] =	vst v60  }
0x12b: {  	[tilespmem:$0x4240] =	vst v61  }
0x12c: {  	[spmem:s3] =	stream.indirect.scatter.add.f32 [tilespmem:s16], [sflag:$0x2], $0x80, s23, s14, $0xb8;
	[tilespmem:$0x1FB00] =	vst v63  }
0x12d: {  	_ =	swait.ge [sflag:s24], $0x2800  }
0x12e: {  	[sflag:s24] =	ssyncset.done $0x0  }
0x12f: {  	s28 =	simm.s32 $0x1C0;
	[sflag:s24] =	ssyncadd.s32 $0xFFFFD800  }
0x130: {  	v62 =	vld [tilespmem:s28+$0xFFFFFF40];
	_ =	sdelay $0x4  }
0x131: {  	v0 =	vshrl.u32 v62, $0x10  }
0x132: {  	[tilespmem:$0x4180] =	vst v0  }
0x133: {  	v0 =	vld [tilespmem:s28+$0xFFFFFF50];
	_ =	sdelay $0x4  }
0x134: {  	v0 =	vshrl.u32 v0, $0x10  }
0x135: {  	[tilespmem:$0x4190] =	vst v0  }
0x136: {  	v0 =	vld [tilespmem:s28+$0xFFFFFF60];
	_ =	sdelay $0x4  }
0x137: {  	v0 =	vshrl.u32 v0, $0x10  }
0x138: {  	[tilespmem:$0x41A0] =	vst v0  }
0x139: {  	v0 =	vld [tilespmem:s28+$0xFFFFFF70];
	_ =	sdelay $0x4  }
0x13a: {  	v0 =	vshrl.u32 v0, $0x10  }
0x13b: {  	[tilespmem:$0x41B0] =	vst v0  }
0x13c: {  	v0 =	vld [tilespmem:s28+$0xFFFFFF80];
	_ =	sdelay $0x4  }
0x13d: {  	v0 =	vshrl.u32 v0, $0x10  }
0x13e: {  	[tilespmem:$0x41C0] =	vst v0  }
0x13f: {  	[spmem:s3] =	stream.indirect.scatter.add.f32 [tilespmem:s16], [sflag:$0x2], $0x80, s20, s14, $0xb8;
	[tilespmem:$0x1FB00] =	vst v63  }
0x140: {  	_ =	swait.ge [sflag:s24], $0x2800  }
0x141: {  	[sflag:s24] =	ssyncset.done $0x0  }
0x142: {  	[sflag:s24] =	ssyncadd.s32 $0xFFFFD800  }
0x143: {  	v63 =	vld [tilespmem:s28+$0xFFFFFFC0];
	_ =	sdelay $0x4  }
0x144: {  	v0 =	vshrl.u32 v63, $0x10  }
0x145: {  	[tilespmem:$0x4200] =	vst v0  }
0x146: {  	v0 =	vld [tilespmem:s28+$0xFFFFFFD0];
	_ =	sdelay $0x4  }
0x147: {  	v0 =	vshrl.u32 v0, $0x10  }
0x148: {  	[tilespmem:$0x4210] =	vst v0  }
0x149: {  	v0 =	vld [tilespmem:s28+$0xFFFFFFE0];
	_ =	sdelay $0x4  }
0x14a: {  	v0 =	vshrl.u32 v0, $0x10  }
0x14b: {  	[tilespmem:$0x4220] =	vst v0  }
0x14c: {  	v0 =	vld [tilespmem:s28+$0xFFFFFFF0];
	_ =	sdelay $0x4  }
0x14d: {  	v0 =	vshrl.u32 v0, $0x10  }
0x14e: {  	[tilespmem:$0x4230] =	vst v0  }
0x14f: {  	v0 =	vld [tilespmem:s28+$0x0];
	_ =	sdelay $0x4  }
0x150: {  	v0 =	vshrl.u32 v0, $0x10  }
0x151: {  	s28 =	simm.s32 $0xB00;
	[tilespmem:$0x4240] =	vst v0  }
.LBB2_4:
0x152: {  	[spmem:s3] =	stream.indirect.scatter.add.f32 [tilespmem:s16], [sflag:$0x2], $0x80, s23, s14, $0xb8;
	[tilespmem:$0x1FB00] =	vst v63  }
0x153: {  	s29 =	smov.u32 s28  }
0x154: {  	p0 =	sne.s32 s28, $0xF700;
	s28 =	sadd.s32 $0x400, s28;
	_ =	swait.ge [sflag:s24], $0x2800  }
0x155: {  	[sflag:s24] =	ssyncset.done $0x0  }
0x156: {  	s29 =	sshra.s32 s29, $0x2;
	[sflag:s24] =	ssyncadd.s32 $0xFFFFD800  }
0x157: {  	v0 =	vld [tilespmem:s29+$0xFFFFFF40];
	_ =	sdelay $0x4  }
0x158: {  	v0 =	vshrl.u32 v0, $0x10  }
0x159: {  	[tilespmem:$0x4180] =	vst v0  }
0x15a: {  	v0 =	vld [tilespmem:s29+$0xFFFFFF50];
	_ =	sdelay $0x4  }
0x15b: {  	v0 =	vshrl.u32 v0, $0x10  }
0x15c: {  	[tilespmem:$0x4190] =	vst v0  }
0x15d: {  	v0 =	vld [tilespmem:s29+$0xFFFFFF60];
	_ =	sdelay $0x4  }
0x15e: {  	v0 =	vshrl.u32 v0, $0x10  }
0x15f: {  	[tilespmem:$0x41A0] =	vst v0  }
0x160: {  	v0 =	vld [tilespmem:s29+$0xFFFFFF70];
	_ =	sdelay $0x4  }
0x161: {  	v0 =	vshrl.u32 v0, $0x10  }
0x162: {  	[tilespmem:$0x41B0] =	vst v0  }
0x163: {  	v0 =	vld [tilespmem:s29+$0xFFFFFF80];
	_ =	sdelay $0x4  }
0x164: {  	v0 =	vshrl.u32 v0, $0x10  }
0x165: {  	[tilespmem:$0x41C0] =	vst v0  }
0x166: {  	[spmem:s3] =	stream.indirect.scatter.add.f32 [tilespmem:s16], [sflag:$0x2], $0x80, s20, s14, $0xb8;
	[tilespmem:$0x1FB00] =	vst v63  }
0x167: {  	_ =	swait.ge [sflag:s24], $0x2800  }
0x168: {  	[sflag:s24] =	ssyncset.done $0x0  }
0x169: {  	[sflag:s24] =	ssyncadd.s32 $0xFFFFD800  }
0x16a: {  	v0 =	vld [tilespmem:s29+$0xFFFFFFC0];
	_ =	sdelay $0x4  }
0x16b: {  	v0 =	vshrl.u32 v0, $0x10  }
0x16c: {  	[tilespmem:$0x4200] =	vst v0  }
0x16d: {  	v0 =	vld [tilespmem:s29+$0xFFFFFFD0];
	_ =	sdelay $0x4  }
0x16e: {  	v0 =	vshrl.u32 v0, $0x10  }
0x16f: {  	[tilespmem:$0x4210] =	vst v0  }
0x170: {  	v0 =	vld [tilespmem:s29+$0xFFFFFFE0];
	_ =	sdelay $0x4  }
0x171: {  	v0 =	vshrl.u32 v0, $0x10  }
0x172: {  	[tilespmem:$0x4220] =	vst v0  }
0x173: {  	v0 =	vld [tilespmem:s29+$0xFFFFFFF0];
	_ =	sdelay $0x4  }
0x174: {  	v0 =	vshrl.u32 v0, $0x10  }
0x175: {  	[tilespmem:$0x4230] =	vst v0  }
0x176: {  	v0 =	vld [tilespmem:s29+$0x0];
	_ =	sdelay $0x1  }
.Ltmp1:
0x177: {  	(pc) =	sbr.rel @p0 .LBB2_4-.Ltmp1, $3  }
0x178: {  	_ =	sdelay $0x1  }
0x179: {  	v0 =	vshrl.u32 v0, $0x10  }
0x17a: {  	[tilespmem:$0x4240] =	vst v0  }
0x17b: {  	[spmem:s3] =	stream.indirect.scatter.add.f32 [tilespmem:s16], [sflag:$0x2], $0x80, s23, s14, $0xb8;
	[tilespmem:$0x1FB00] =	vst v63  }
0x17c: {  	_ =	swait.ge [sflag:s24], $0x2800  }
0x17d: {  	[sflag:s24] =	ssyncset.done $0x0  }
0x17e: {  	[sflag:s24] =	ssyncadd.s32 $0xFFFFD800  }
0x17f: {  	v0 =	vld [tilespmem:$0x3E00]  }
0x180: {  	v1 =	vld [tilespmem:$0x3E10]  }
0x181: {  	v2 =	vld [tilespmem:$0x3E20]  }
0x182: {  	v3 =	vld [tilespmem:$0x3E30]  }
0x183: {  	v4 =	vld [tilespmem:$0x3E40]  }
0x184: {  	v0 =	vshrl.u32 v0, $0x10  }
0x185: {  	v60 =	vshrl.u32 v1, $0x10;
	[tilespmem:$0x4180] =	vst v0  }
0x186: {  	v61 =	vshrl.u32 v2, $0x10;
	[tilespmem:$0x4190] =	vst v60  }
0x187: {  	v62 =	vshrl.u32 v3, $0x10;
	[tilespmem:$0x41A0] =	vst v61  }
0x188: {  	v63 =	vshrl.u32 v4, $0x10;
	[tilespmem:$0x41B0] =	vst v62  }
0x189: {  	[tilespmem:$0x41C0] =	vst v63  }
0x18a: {  	[spmem:s3] =	stream.indirect.scatter.add.f32 [tilespmem:s16], [sflag:$0x2], $0x80, s20, s14, $0xb8;
	[tilespmem:$0x1FB00] =	vst v63  }
0x18b: {  	_ =	swait.ge [sflag:s24], $0x2800  }
0x18c: {  	[sflag:s24] =	ssyncset.done $0x0  }
0x18d: {  	[sflag:s24] =	ssyncadd.s32 $0xFFFFD800  }
0x18e: {  	_ =	swait.ge [sflag:s24], $0x2800  }
0x18f: {  	s26 =	sadd.s32 $0x1, s26;
	[sflag:s24] =	ssyncset.done $0x0  }
0x190: {  	p0 =	sne.s32 s26, s10;
	[sflag:s24] =	ssyncadd.s32 $0xFFFFD800  }
.Ltmp2:
0x191: {  	[bflag:$0x0] =	sbarrier.arrive $0xFFFF;
	(pc) =	sbr.rel @p0 .LBB2_1-.Ltmp2, $4  }
0x192: {  	[hbm:s9], [sflag:s12] =	dma.local [spmem:s13], $0x2800  }
0x193: {  	_ =	swait.ge [sflag:s11], $0x2800  }
0x194: {  	[sflag:s11] =	ssyncset.done $0x0  }
0x195: {  	[sflag:s11] =	ssyncadd.s32 $0xFFFFD800  }
0x196: {  	_ =	sfence.sel $0x180000  }
0x197: {  	[bflag:$0x0] =	sbarrier.arrive $0xFFFF  }
0x198: {  	p0 =	sne.s32 s2, $0x0;
	_ =	strace $0x90000047  }
0x199: {  	s0 =	sadd.s32 @!p0 $0x100000, s1;
	[bflag:$0x2] =	sbarrier.arrive $0xFFFF  }
0x19a: {  	[sflag:s0] =	ssyncadd.tile.s32 @!p0 $0x1;
	_ =	shalt  }
.Lfunc_end2:
_tile_overlayer_lowered:
.L_overlay_start_2:
0x19b: {  	(tag) =	ssettag $0x2  }
0x19c: {  	s0 =	rddreg [dreg:$0x0];
	s2 =	stileid.u32  }
0x19d: {  	s1 =	rddreg [dreg:$0x1];
	p0 =	sne.s32 s2, $0x0  }
0x19e: {  	s3 =	rddreg [dreg:$0x2];
	[bflag:$0x3] =	sbarrier.arrive $0xFFFF;
	s2 =	simm.s32 @!p0 $0x1C03  }
0x19f: {  	[timem:s3], [sflag:s2] =	dma.local @!p0 [hbm:s0], s1  }
0x1a0: {  	s0 =	simm.s32 @!p0 $0x3  }
0x1a1: {  	_ =	swait.ge @!p0 [sflag:s0], s1  }
0x1a2: {  	s1 =	ssub.s32 @!p0 $0x0, s1;
	[sflag:s0] =	ssyncset.done @!p0 $0x0  }
0x1a3: {  	[sflag:s0] =	ssyncadd.s32 @!p0 s1  }
0x1a4: {  	[bflag:$0x3] =	sbarrier.arrive $0xFFFF  }
0x1a5: {  	_ =	shalt  }

</sc_bundles>
